<compile_context>
chip_gen: v7x
topology: tpu7x:2x2x1
jax: 0.10.2.dev20260603
libtpu: 0.0.44.dev20260713+nightly
codegen_flags: <defaults>
</compile_context>

<pallas_src>
import jax
import jax.numpy as jnp
from jax import lax
from jax.experimental import pallas as pl
from jax.experimental.pallas import tpu as pltpu
from jax.experimental.pallas import tpu_sc as plsc

N_ATOMS = 10000
N_BONDS = 160000
MAX_NB = 16
ATOM_FDIM = 256
HIDDEN = 512
DEPTH = 5
N_MOLS = 400

BE = 3200
GRID_E = N_BONDS // BE
BA = 200
GRID_A = N_ATOMS // BA

SC_NC = 2
SC_NS = 16
SC_NW = SC_NC * SC_NS
SC_B = 40
PER_W = N_BONDS // SC_NW
HW32 = HIDDEN // 2




def _pack_cols(t_bf):
    lo = lax.bitcast_convert_type(t_bf[:, :HW32], jnp.uint16).astype(jnp.uint32)
    hi = lax.bitcast_convert_type(t_bf[:, HW32:], jnp.uint16).astype(jnp.uint32)
    return lax.bitcast_convert_type(lo | (hi << 16), jnp.int32)


def _unpack_bf16_halves(w_i32):
    w = lax.bitcast_convert_type(w_i32, jnp.uint32)
    lo = lax.bitcast_convert_type((w & jnp.uint32(0xFFFF)).astype(jnp.uint16),
                                  jnp.bfloat16)
    hi = lax.bitcast_convert_type((w >> 16).astype(jnp.uint16), jnp.bfloat16)
    return lo, hi


def _stage0_body(fb_ref, wi_ref, wh_ref, p_ref, inp_ref, q_ref, aq_ref):
    inp = jnp.dot(fb_ref[...], wi_ref[...], preferred_element_type=jnp.float32)
    m = jnp.maximum(inp, 0.0).astype(jnp.bfloat16)
    t = jnp.dot(m, wh_ref[...], preferred_element_type=jnp.float32)
    t_bf = t.astype(jnp.bfloat16)
    inp_ref[...] = inp.astype(jnp.bfloat16)
    q_ref[...] = _pack_cols(t_bf)
    aq_ref[...] = _pack_cols(
        jnp.dot(p_ref[...], t_bf,
                preferred_element_type=jnp.float32).astype(jnp.bfloat16))


def _stage0(f_bonds_bf, w_i_bf, w_h_bf, p_mat):
    return pl.pallas_call(
        _stage0_body,
        grid=(GRID_E,),
        in_specs=[
            pl.BlockSpec((BE, ATOM_FDIM), lambda a: (a, 0)),
            pl.BlockSpec((ATOM_FDIM, HIDDEN), lambda a: (0, 0)),
            pl.BlockSpec((HIDDEN, HIDDEN), lambda a: (0, 0)),
            pl.BlockSpec((BE // MAX_NB, BE), lambda a: (0, 0)),
        ],
        out_specs=[
            pl.BlockSpec((BE, HIDDEN), lambda a: (a, 0)),
            pl.BlockSpec((BE, HW32), lambda a: (a, 0)),
            pl.BlockSpec((BE // MAX_NB, HW32), lambda a: (a, 0)),
        ],
        out_shape=[
            jax.ShapeDtypeStruct((N_BONDS, HIDDEN), jnp.bfloat16),
            jax.ShapeDtypeStruct((N_BONDS, HW32), jnp.int32),
            jax.ShapeDtypeStruct((N_ATOMS, HW32), jnp.int32),
        ],
    )(f_bonds_bf, w_i_bf, w_h_bf, p_mat)


def _relu_sum_halves(inp_bf, g1_i32, g2_i32):
    g1lo, g1hi = _unpack_bf16_halves(g1_i32)
    g2lo, g2hi = _unpack_bf16_halves(g2_i32)
    m_lo = jnp.maximum(inp_bf[:, :HW32] + g1lo - g2lo, 0.0)
    m_hi = jnp.maximum(inp_bf[:, HW32:] + g1hi - g2hi, 0.0)
    return m_lo, m_hi


def _iter_body(inp_ref, g1_ref, g2_ref, wh_ref, p_ref, q_ref, aq_ref):
    m_lo, m_hi = _relu_sum_halves(inp_ref[...], g1_ref[...], g2_ref[...])
    t = (jnp.dot(m_lo, wh_ref[:HW32, :], preferred_element_type=jnp.float32)
         + jnp.dot(m_hi, wh_ref[HW32:, :], preferred_element_type=jnp.float32))
    t_bf = t.astype(jnp.bfloat16)
    q_ref[...] = _pack_cols(t_bf)
    aq_ref[...] = _pack_cols(
        jnp.dot(p_ref[...], t_bf,
                preferred_element_type=jnp.float32).astype(jnp.bfloat16))


def _iter_tc(inp, g1, g2, w_h_bf, p_mat):
    return pl.pallas_call(
        _iter_body,
        grid=(GRID_E,),
        in_specs=[
            pl.BlockSpec((BE, HIDDEN), lambda a: (a, 0)),
            pl.BlockSpec((BE, HW32), lambda a: (a, 0)),
            pl.BlockSpec((BE, HW32), lambda a: (a, 0)),
            pl.BlockSpec((HIDDEN, HIDDEN), lambda a: (0, 0)),
            pl.BlockSpec((BE // MAX_NB, BE), lambda a: (0, 0)),
        ],
        out_specs=[
            pl.BlockSpec((BE, HW32), lambda a: (a, 0)),
            pl.BlockSpec((BE // MAX_NB, HW32), lambda a: (a, 0)),
        ],
        out_shape=[
            jax.ShapeDtypeStruct((N_BONDS, HW32), jnp.int32),
            jax.ShapeDtypeStruct((N_ATOMS, HW32), jnp.int32),
        ],
    )(inp, g1, g2, w_h_bf, p_mat)


def _gather_body(aq_hbm, qneg_hbm, b2a_hbm, b2revb_hbm, g1_hbm, g2_hbm,
                 idxa_all, idxb_all, a0, b0, a1, b1,
                 gsem0, gsem1, wsem0, wsem1):
    wid = lax.axis_index("s") * SC_NC + lax.axis_index("c")
    start = wid * PER_W
    pltpu.sync_copy(b2a_hbm.at[pl.ds(start, PER_W)], idxa_all)
    pltpu.sync_copy(b2revb_hbm.at[pl.ds(start, PER_W)], idxb_all)

    bufs = ((a0, b0, gsem0, wsem0), (a1, b1, gsem1, wsem1))

    def g_start(g, slot):
        a, b, gsem, _ = bufs[slot]
        off = g * SC_B
        pltpu.async_copy(aq_hbm.at[idxa_all.at[pl.ds(off, SC_B)]], a, gsem)
        pltpu.async_copy(qneg_hbm.at[idxb_all.at[pl.ds(off, SC_B)]], b, gsem)

    def g_wait(slot):
        a, b, gsem, _ = bufs[slot]
        pltpu.make_async_copy(aq_hbm.at[idxa_all.at[pl.ds(0, SC_B)]],
                              a, gsem).wait()
        pltpu.make_async_copy(qneg_hbm.at[idxb_all.at[pl.ds(0, SC_B)]],
                              b, gsem).wait()

    def w_start(g, slot):
        a, b, _, wsem = bufs[slot]
        off = g * SC_B
        pltpu.async_copy(a, g1_hbm.at[pl.ds(start + off, SC_B)], wsem)
        pltpu.async_copy(b, g2_hbm.at[pl.ds(start + off, SC_B)], wsem)

    def w_wait(slot):
        a, b, _, wsem = bufs[slot]
        pltpu.make_async_copy(a, g1_hbm.at[pl.ds(start, SC_B)], wsem).wait()
        pltpu.make_async_copy(b, g2_hbm.at[pl.ds(start, SC_B)], wsem).wait()

    g_start(0, 0)

    def pair(k, carry):
        @pl.when(k > 0)
        def _():
            w_wait(1)
        g_start(2 * k + 1, 1)
        g_wait(0)
        w_start(2 * k, 0)
        w_wait(0)
        g_start(2 * k + 2, 0)
        g_wait(1)
        w_start(2 * k + 1, 1)
        return carry

    lax.fori_loop(0, PER_W // SC_B // 2, pair, 0)
    g_wait(0)
    w_start(PER_W // SC_B - 1, 0)
    w_wait(1)
    w_wait(0)


def _gather_sc(aq, qneg, b2a32, b2revb32):
    k = pl.kernel(
        _gather_body,
        mesh=plsc.VectorSubcoreMesh(core_axis_name="c", subcore_axis_name="s"),
        out_type=[
            jax.ShapeDtypeStruct((N_BONDS, HW32), jnp.int32),
            jax.ShapeDtypeStruct((N_BONDS, HW32), jnp.int32),
        ],
        scratch_types=[
            pltpu.VMEM((PER_W,), jnp.int32),
            pltpu.VMEM((PER_W,), jnp.int32),
            pltpu.VMEM((SC_B, HW32), jnp.int32),
            pltpu.VMEM((SC_B, HW32), jnp.int32),
            pltpu.VMEM((SC_B, HW32), jnp.int32),
            pltpu.VMEM((SC_B, HW32), jnp.int32),
            pltpu.SemaphoreType.DMA,
            pltpu.SemaphoreType.DMA,
            pltpu.SemaphoreType.DMA,
            pltpu.SemaphoreType.DMA,
        ],
    )
    return k(aq, qneg, b2a32, b2revb32)


def _final_body(inp_ref, g1_ref, g2_ref, fa_ref, seg_ref, woa_ref, woh_ref,
                bo_ref, p_ref, out_ref, s_acc, c_acc):
    pid = pl.program_id(0)

    @pl.when(pid == 0)
    def _init():
        s_acc[...] = jnp.zeros_like(s_acc)
        c_acc[...] = jnp.zeros_like(c_acc)

    m_lo, m_hi = _relu_sum_halves(inp_ref[...], g1_ref[...], g2_ref[...])
    p_lo = jnp.dot(p_ref[...], m_lo,
                   preferred_element_type=jnp.float32).astype(jnp.bfloat16)
    p_hi = jnp.dot(p_ref[...], m_hi,
                   preferred_element_type=jnp.float32).astype(jnp.bfloat16)
    h = jnp.dot(fa_ref[...], woa_ref[...], preferred_element_type=jnp.float32)
    h += jnp.dot(p_lo, woh_ref[:HW32, :], preferred_element_type=jnp.float32)
    h += jnp.dot(p_hi, woh_ref[HW32:, :], preferred_element_type=jnp.float32)
    h = jnp.maximum(h + bo_ref[...], 0.0)

    seg = seg_ref[...].reshape(1, BA)
    mol_iota = lax.broadcasted_iota(jnp.int32, (N_MOLS, BA), 0)
    onehot_t = (mol_iota == seg).astype(jnp.float32)
    s_acc[...] += jnp.dot(onehot_t, h, preferred_element_type=jnp.float32)
    c_acc[...] += jnp.dot(onehot_t, jnp.ones((BA, HIDDEN), jnp.float32),
                          preferred_element_type=jnp.float32)

    @pl.when(pid == GRID_A - 1)
    def _emit():
        out_ref[...] = s_acc[...] / jnp.maximum(c_acc[...], 1.0)


def _final_tc(inp, g1, g2, f_atoms_bf, seg3, wo_a_bf, wo_h_bf, b_o2, p_mat):
    return pl.pallas_call(
        _final_body,
        grid=(GRID_A,),
        in_specs=[
            pl.BlockSpec((BA * MAX_NB, HIDDEN), lambda a: (a, 0)),
            pl.BlockSpec((BA * MAX_NB, HW32), lambda a: (a, 0)),
            pl.BlockSpec((BA * MAX_NB, HW32), lambda a: (a, 0)),
            pl.BlockSpec((BA, ATOM_FDIM), lambda a: (a, 0)),
            pl.BlockSpec((1, 1, BA), lambda a: (a, 0, 0)),
            pl.BlockSpec((ATOM_FDIM, HIDDEN), lambda a: (0, 0)),
            pl.BlockSpec((HIDDEN, HIDDEN), lambda a: (0, 0)),
            pl.BlockSpec((1, HIDDEN), lambda a: (0, 0)),
            pl.BlockSpec((BA, BA * MAX_NB), lambda a: (0, 0)),
        ],
        out_specs=pl.BlockSpec((N_MOLS, HIDDEN), lambda a: (0, 0)),
        out_shape=jax.ShapeDtypeStruct((N_MOLS, HIDDEN), jnp.float32),
        scratch_shapes=[
            pltpu.VMEM((N_MOLS, HIDDEN), jnp.float32),
            pltpu.VMEM((N_MOLS, HIDDEN), jnp.float32),
        ],
        compiler_params=pltpu.CompilerParams(
            dimension_semantics=("arbitrary",)),
    )(inp, g1, g2, f_atoms_bf, seg3, wo_a_bf, wo_h_bf, b_o2, p_mat)


def kernel(f_atoms, f_bonds, a2b, b2a, b2revb, segment_ids, W_i, W_h, W_o, b_o):
    del a2b
    b2a32 = b2a.astype(jnp.int32)
    b2revb32 = b2revb.astype(jnp.int32)
    seg3 = segment_ids.astype(jnp.int32).reshape(GRID_A, 1, BA)
    f_bonds_bf = f_bonds.astype(jnp.bfloat16)
    f_atoms_bf = f_atoms.astype(jnp.bfloat16)
    w_i_bf = W_i.astype(jnp.bfloat16)
    w_h_bf = W_h.astype(jnp.bfloat16)
    wo_a_bf = W_o[:ATOM_FDIM].astype(jnp.bfloat16)
    wo_h_bf = W_o[ATOM_FDIM:].astype(jnp.bfloat16)
    b_o2 = b_o.reshape(1, HIDDEN)
    p_mat = (jnp.arange(BE, dtype=jnp.int32)[None, :] // MAX_NB
             == jnp.arange(BE // MAX_NB, dtype=jnp.int32)[:, None]
             ).astype(jnp.bfloat16)

    inp, q, aq = _stage0(f_bonds_bf, w_i_bf, w_h_bf, p_mat)
    g1, g2 = _gather_sc(aq, q, b2a32, b2revb32)
    for _ in range(DEPTH - 2):
        q, aq = _iter_tc(inp, g1, g2, w_h_bf, p_mat)
        g1, g2 = _gather_sc(aq, q, b2a32, b2revb32)
    return _final_tc(inp, g1, g2, f_atoms_bf, seg3, wo_a_bf, wo_h_bf, b_o2,
                     p_mat)

# --- scband reference (transcript-rebuilt; emitter-appended) ---
"""Pipeline reference for scband-mpnencoder-48421461295401 (READ-ONLY COPY).

The authoritative reference and input builder live on the scoring server;
editing this copy changes nothing except your own understanding.
"""

import jax, jax.numpy as jnp
import numpy as np

N_ATOMS = 10000
N_BONDS = 160000
MAX_NB = 16
ATOM_FDIM = 256
BOND_FDIM = 256
HIDDEN = 512
DEPTH = 5
N_MOLS = 400


def setup_inputs(seed: int = 0) -> dict:
    key = jax.random.key(seed)
    ks = jax.random.split(key, 10)
    f_atoms = jax.random.normal(ks[0], (N_ATOMS, ATOM_FDIM), dtype=jnp.float32)
    f_bonds = jax.random.normal(ks[1], (N_BONDS, BOND_FDIM), dtype=jnp.float32)
    # a2b: incoming bonds per atom (bonds grouped contiguously by destination atom)
    a2b = jnp.arange(N_ATOMS * MAX_NB, dtype=jnp.int64).reshape(N_ATOMS, MAX_NB)
    b2a = jax.random.randint(ks[2], (N_BONDS,), 0, N_ATOMS, dtype=jnp.int64)
    b2revb = jax.random.randint(ks[3], (N_BONDS,), 0, N_BONDS, dtype=jnp.int64)
    segment_ids = jnp.sort(jax.random.randint(ks[4], (N_ATOMS,), 0, N_MOLS, dtype=jnp.int64))
    # learned parameters (W_i, W_h: bias=False; W_o has bias)
    s_i = 1.0 / np.sqrt(BOND_FDIM)
    s_h = 1.0 / np.sqrt(HIDDEN)
    s_o = 1.0 / np.sqrt(ATOM_FDIM + HIDDEN)
    W_i = jax.random.uniform(ks[5], (BOND_FDIM, HIDDEN), minval=-s_i, maxval=s_i, dtype=jnp.float32)
    W_h = jax.random.uniform(ks[6], (HIDDEN, HIDDEN), minval=-s_h, maxval=s_h, dtype=jnp.float32)
    W_o = jax.random.uniform(ks[7], (ATOM_FDIM + HIDDEN, HIDDEN), minval=-s_o, maxval=s_o, dtype=jnp.float32)
    b_o = jax.random.uniform(ks[8], (HIDDEN,), minval=-s_o, maxval=s_o, dtype=jnp.float32)
    return {"f_atoms": f_atoms, "f_bonds": f_bonds, "a2b": a2b, "b2a": b2a,
            "b2revb": b2revb, "segment_ids": segment_ids,
            "W_i": W_i, "W_h": W_h, "W_o": W_o, "b_o": b_o}


def reference(f_atoms, f_bonds, a2b, b2a, b2revb, segment_ids, W_i, W_h, W_o, b_o):
    # bond-message MPN (atom_messages=False, undirected=False, dropout=0)
    inp = f_bonds @ W_i                      # [E, H]
    message = jax.nn.relu(inp)
    for _ in range(DEPTH - 1):
        nei_a_message = message[a2b]         # [N, MAX_NB, H] gather
        a_message = nei_a_message.sum(axis=1)  # [N, H]
        rev_message = message[b2revb]        # [E, H] gather
        message = a_message[b2a] - rev_message  # [E, H] gather
        message = message @ W_h
        message = jax.nn.relu(inp + message)
    nei_a_message = message[a2b]             # [N, MAX_NB, H]
    a_message = nei_a_message.sum(axis=1)    # [N, H]
    a_input = jnp.concatenate([f_atoms, a_message], axis=1)  # [N, ATOM_FDIM+H]
    atom_hiddens = jax.nn.relu(a_input @ W_o + b_o)          # [N, H]
    # per-molecule mean aggregation (a_scope equivalent via segment ids)
    sums = jax.ops.segment_sum(atom_hiddens, segment_ids, num_segments=N_MOLS)
    counts = jax.ops.segment_sum(jnp.ones((N_ATOMS,), dtype=jnp.float32), segment_ids, num_segments=N_MOLS)
    mol_vecs = sums / jnp.maximum(counts, 1.0)[:, None]      # empty mols -> zero vector
    return mol_vecs

if __name__ == "__main__":
    import jax
    _d = setup_inputs()
    print(jax.jit(kernel)(*tuple(_d.values())))

</pallas_src>

<mosaic_0001>
#map = affine_map<(d0, d1) -> (0, 0)>
#map1 = affine_map<(d0, d1) -> (0)>
module attributes {stable_mosaic.version = 14 : i64} {
  func.func @_gather_body(%arg0: i32, %arg1: i32, %arg2: memref<10000x256xi32, #tpu.memory_space<hbm>>, %arg3: memref<160000x256xi32, #tpu.memory_space<hbm>>, %arg4: memref<160000xi32, #tpu.memory_space<hbm>>, %arg5: memref<160000xi32, #tpu.memory_space<hbm>>, %arg6: memref<160000x256xi32, #tpu.memory_space<hbm>>, %arg7: memref<160000x256xi32, #tpu.memory_space<hbm>>, %arg8: memref<5000xi32, #tpu.memory_space<vmem>>, %arg9: memref<5000xi32, #tpu.memory_space<vmem>>, %arg10: memref<40x256xi32, #tpu.memory_space<vmem>>, %arg11: memref<40x256xi32, #tpu.memory_space<vmem>>, %arg12: memref<40x256xi32, #tpu.memory_space<vmem>>, %arg13: memref<40x256xi32, #tpu.memory_space<vmem>>, %arg14: memref<!tpu.dma_semaphore, #tpu.memory_space<semaphore_mem>>, %arg15: memref<!tpu.dma_semaphore, #tpu.memory_space<semaphore_mem>>, %arg16: memref<!tpu.dma_semaphore, #tpu.memory_space<semaphore_mem>>, %arg17: memref<!tpu.dma_semaphore, #tpu.memory_space<semaphore_mem>>) attributes {dimension_semantics = [#tpu.dimension_semantics<core_parallel>, #tpu.dimension_semantics<subcore_parallel>], iteration_bounds = array<i64: 2, 16>, scalar_prefetch = 0 : i64, scratch_operands = 10 : i64, tpu.core_type = #tpu.core_type<sc_vector_subcore>, window_params = [{transform_indices = #map}, {transform_indices = #map}, {transform_indices = #map1}, {transform_indices = #map1}, {transform_indices = #map}, {transform_indices = #map}]} {
    %mul3A = arith.constant 2 : i32
    %mul3A_0 = arith.muli %arg1, %mul3A : i32
    %add3A = arith.addi %mul3A_0, %arg0 : i32
    %mul3A_1 = arith.constant 5000 : i32
    %mul3A_2 = arith.muli %add3A, %mul3A_1 : i32
    "tpu.region"() ({
      %run_scoped3A = tpu.sem_alloc : memref<!tpu.dma_semaphore, #tpu.memory_space<semaphore_mem>>
      %dma_start3A_54 = tpu.memref_slice %arg4[%mul3A_2] : memref<160000xi32, #tpu.memory_space<hbm>> -> memref<5000xi32, #tpu.memory_space<hbm>>
      %dma_start3A_55 = tpu.memref_slice %arg4[%mul3A_2] : memref<160000xi32, #tpu.memory_space<hbm>> -> memref<5000xi32, #tpu.memory_space<hbm>>
      tpu.enqueue_dma source(%dma_start3A_55 : memref<5000xi32, #tpu.memory_space<hbm>>) target(%arg8 : memref<5000xi32, #tpu.memory_space<vmem>>) target_semaphore(%run_scoped3A : memref<!tpu.dma_semaphore, #tpu.memory_space<semaphore_mem>>)
      %dma_wait3A_56 = tpu.memref_slice %arg4[%mul3A_2] : memref<160000xi32, #tpu.memory_space<hbm>> -> memref<5000xi32, #tpu.memory_space<hbm>>
      %dma_wait3A_57 = tpu.memref_slice %arg4[%mul3A_2] : memref<160000xi32, #tpu.memory_space<hbm>> -> memref<5000xi32, #tpu.memory_space<hbm>>
      tpu.wait_dma2 semaphore(%run_scoped3A : memref<!tpu.dma_semaphore, #tpu.memory_space<semaphore_mem>>) src(%dma_wait3A_57 : memref<5000xi32, #tpu.memory_space<hbm>>) dst(%arg8 : memref<5000xi32, #tpu.memory_space<vmem>>)
      tpu.yield
    }) : () -> ()
    "tpu.region"() ({
      %run_scoped3A = tpu.sem_alloc : memref<!tpu.dma_semaphore, #tpu.memory_space<semaphore_mem>>
      %dma_start3A_54 = tpu.memref_slice %arg5[%mul3A_2] : memref<160000xi32, #tpu.memory_space<hbm>> -> memref<5000xi32, #tpu.memory_space<hbm>>
      %dma_start3A_55 = tpu.memref_slice %arg5[%mul3A_2] : memref<160000xi32, #tpu.memory_space<hbm>> -> memref<5000xi32, #tpu.memory_space<hbm>>
      tpu.enqueue_dma source(%dma_start3A_55 : memref<5000xi32, #tpu.memory_space<hbm>>) target(%arg9 : memref<5000xi32, #tpu.memory_space<vmem>>) target_semaphore(%run_scoped3A : memref<!tpu.dma_semaphore, #tpu.memory_space<semaphore_mem>>)
      %dma_wait3A_56 = tpu.memref_slice %arg5[%mul3A_2] : memref<160000xi32, #tpu.memory_space<hbm>> -> memref<5000xi32, #tpu.memory_space<hbm>>
      %dma_wait3A_57 = tpu.memref_slice %arg5[%mul3A_2] : memref<160000xi32, #tpu.memory_space<hbm>> -> memref<5000xi32, #tpu.memory_space<hbm>>
      tpu.wait_dma2 semaphore(%run_scoped3A : memref<!tpu.dma_semaphore, #tpu.memory_space<semaphore_mem>>) src(%dma_wait3A_57 : memref<5000xi32, #tpu.memory_space<hbm>>) dst(%arg9 : memref<5000xi32, #tpu.memory_space<vmem>>)
      tpu.yield
    }) : () -> ()
    %dma_start3A = arith.constant 0 : i32
    %dma_start3A_3 = tpu.memref_slice %arg8[%dma_start3A] : memref<5000xi32, #tpu.memory_space<vmem>> -> memref<40xi32, #tpu.memory_space<vmem>>
    %dma_start3A_4 = arith.constant 0 : i32
    %dma_start3A_5 = arith.constant 0 : i32
    %dma_start3A_6 = tpu.memref_slice %arg2[%dma_start3A_4, %dma_start3A_5] : memref<10000x256xi32, #tpu.memory_space<hbm>> -> memref<10000x256xi32, #tpu.memory_space<hbm>>
    tpu.enqueue_indirect_dma source(%dma_start3A_6 : memref<10000x256xi32, #tpu.memory_space<hbm>>) target(%arg10 : memref<40x256xi32, #tpu.memory_space<vmem>>) offsets(%dma_start3A_3 : memref<40xi32, #tpu.memory_space<vmem>>) semaphore(%arg14 : memref<!tpu.dma_semaphore, #tpu.memory_space<semaphore_mem>>)
    %dma_start3A_7 = arith.constant 0 : i32
    %dma_start3A_8 = tpu.memref_slice %arg9[%dma_start3A_7] : memref<5000xi32, #tpu.memory_space<vmem>> -> memref<40xi32, #tpu.memory_space<vmem>>
    %dma_start3A_9 = arith.constant 0 : i32
    %dma_start3A_10 = arith.constant 0 : i32
    %dma_start3A_11 = tpu.memref_slice %arg3[%dma_start3A_9, %dma_start3A_10] : memref<160000x256xi32, #tpu.memory_space<hbm>> -> memref<160000x256xi32, #tpu.memory_space<hbm>>
    tpu.enqueue_indirect_dma source(%dma_start3A_11 : memref<160000x256xi32, #tpu.memory_space<hbm>>) target(%arg11 : memref<40x256xi32, #tpu.memory_space<vmem>>) offsets(%dma_start3A_8 : memref<40xi32, #tpu.memory_space<vmem>>) semaphore(%arg14 : memref<!tpu.dma_semaphore, #tpu.memory_space<semaphore_mem>>)
    %scan3A = arith.constant 0 : i32
    %scan3A_12 = arith.constant 0 : i32
    %scan3A_13 = arith.constant 62 : i32
    %scan3A_14 = arith.addi %scan3A_12, %scan3A_13 : i32
    %scan3A_15 = arith.constant 1 : i32
    scf.for %scan3A_54 = %scan3A_12 to %scan3A_14 step %scan3A_15  : i32 {
      %gt3A = arith.constant 0 : i32
      %gt3A_55 = arith.cmpi sgt, %scan3A_54, %gt3A : i32
      %convert_element_type3A = arith.extui %gt3A_55 : i1 to i32
      %cond3A = arith.constant 0 : i32
      %cond3A_56 = arith.cmpi ne, %convert_element_type3A, %cond3A : i32
      scf.if %cond3A_56 {
        %dma_wait3A_143 = arith.constant 0 : i32
        %dma_wait3A_144 = tpu.memref_slice %arg6[%mul3A_2, %dma_wait3A_143] : memref<160000x256xi32, #tpu.memory_space<hbm>> -> memref<40x256xi32, #tpu.memory_space<hbm>>
        %dma_wait3A_145 = arith.constant 0 : i32
        %dma_wait3A_146 = tpu.memref_slice %arg6[%mul3A_2, %dma_wait3A_145] : memref<160000x256xi32, #tpu.memory_space<hbm>> -> memref<40x256xi32, #tpu.memory_space<hbm>>
        tpu.wait_dma2 semaphore(%arg17 : memref<!tpu.dma_semaphore, #tpu.memory_space<semaphore_mem>>) src(%arg12 : memref<40x256xi32, #tpu.memory_space<vmem>>) dst(%dma_wait3A_146 : memref<40x256xi32, #tpu.memory_space<hbm>>)
        %dma_wait3A_147 = arith.constant 0 : i32
        %dma_wait3A_148 = tpu.memref_slice %arg7[%mul3A_2, %dma_wait3A_147] : memref<160000x256xi32, #tpu.memory_space<hbm>> -> memref<40x256xi32, #tpu.memory_space<hbm>>
        %dma_wait3A_149 = arith.constant 0 : i32
        %dma_wait3A_150 = tpu.memref_slice %arg7[%mul3A_2, %dma_wait3A_149] : memref<160000x256xi32, #tpu.memory_space<hbm>> -> memref<40x256xi32, #tpu.memory_space<hbm>>
        tpu.wait_dma2 semaphore(%arg17 : memref<!tpu.dma_semaphore, #tpu.memory_space<semaphore_mem>>) src(%arg13 : memref<40x256xi32, #tpu.memory_space<vmem>>) dst(%dma_wait3A_150 : memref<40x256xi32, #tpu.memory_space<hbm>>)
      } else {
      }
      %mul3A_57 = arith.constant 2 : i32
      %mul3A_58 = arith.muli %mul3A_57, %scan3A_54 : i32
      %add3A_59 = arith.constant 1 : i32
      %add3A_60 = arith.addi %mul3A_58, %add3A_59 : i32
      %mul3A_61 = arith.constant 40 : i32
      %mul3A_62 = arith.muli %add3A_60, %mul3A_61 : i32
      %dma_start3A_63 = tpu.memref_slice %arg8[%mul3A_62] : memref<5000xi32, #tpu.memory_space<vmem>> -> memref<40xi32, #tpu.memory_space<vmem>>
      %dma_start3A_64 = arith.constant 0 : i32
      %dma_start3A_65 = arith.constant 0 : i32
      %dma_start3A_66 = tpu.memref_slice %arg2[%dma_start3A_64, %dma_start3A_65] : memref<10000x256xi32, #tpu.memory_space<hbm>> -> memref<10000x256xi32, #tpu.memory_space<hbm>>
      tpu.enqueue_indirect_dma source(%dma_start3A_66 : memref<10000x256xi32, #tpu.memory_space<hbm>>) target(%arg12 : memref<40x256xi32, #tpu.memory_space<vmem>>) offsets(%dma_start3A_63 : memref<40xi32, #tpu.memory_space<vmem>>) semaphore(%arg15 : memref<!tpu.dma_semaphore, #tpu.memory_space<semaphore_mem>>)
      %dma_start3A_67 = tpu.memref_slice %arg9[%mul3A_62] : memref<5000xi32, #tpu.memory_space<vmem>> -> memref<40xi32, #tpu.memory_space<vmem>>
      %dma_start3A_68 = arith.constant 0 : i32
      %dma_start3A_69 = arith.constant 0 : i32
      %dma_start3A_70 = tpu.memref_slice %arg3[%dma_start3A_68, %dma_start3A_69] : memref<160000x256xi32, #tpu.memory_space<hbm>> -> memref<160000x256xi32, #tpu.memory_space<hbm>>
      tpu.enqueue_indirect_dma source(%dma_start3A_70 : memref<160000x256xi32, #tpu.memory_space<hbm>>) target(%arg13 : memref<40x256xi32, #tpu.memory_space<vmem>>) offsets(%dma_start3A_67 : memref<40xi32, #tpu.memory_space<vmem>>) semaphore(%arg15 : memref<!tpu.dma_semaphore, #tpu.memory_space<semaphore_mem>>)
      %dma_wait3A_71 = arith.constant 0 : i32
      %dma_wait3A_72 = tpu.memref_slice %arg8[%dma_wait3A_71] : memref<5000xi32, #tpu.memory_space<vmem>> -> memref<40xi32, #tpu.memory_space<vmem>>
      %dma_wait3A_73 = arith.constant 0 : i32
      %dma_wait3A_74 = arith.constant 0 : i32
      %dma_wait3A_75 = tpu.memref_slice %arg2[%dma_wait3A_73, %dma_wait3A_74] : memref<10000x256xi32, #tpu.memory_space<hbm>> -> memref<10000x256xi32, #tpu.memory_space<hbm>>
      tpu.wait_indirect_dma semaphore(%arg14 : memref<!tpu.dma_semaphore, #tpu.memory_space<semaphore_mem>>) src(%dma_wait3A_75 : memref<10000x256xi32, #tpu.memory_space<hbm>>) dst(%arg10 : memref<40x256xi32, #tpu.memory_space<vmem>>)
      %dma_wait3A_76 = arith.constant 0 : i32
      %dma_wait3A_77 = tpu.memref_slice %arg9[%dma_wait3A_76] : memref<5000xi32, #tpu.memory_space<vmem>> -> memref<40xi32, #tpu.memory_space<vmem>>
      %dma_wait3A_78 = arith.constant 0 : i32
      %dma_wait3A_79 = arith.constant 0 : i32
      %dma_wait3A_80 = tpu.memref_slice %arg3[%dma_wait3A_78, %dma_wait3A_79] : memref<160000x256xi32, #tpu.memory_space<hbm>> -> memref<160000x256xi32, #tpu.memory_space<hbm>>
      tpu.wait_indirect_dma semaphore(%arg14 : memref<!tpu.dma_semaphore, #tpu.memory_space<semaphore_mem>>) src(%dma_wait3A_80 : memref<160000x256xi32, #tpu.memory_space<hbm>>) dst(%arg11 : memref<40x256xi32, #tpu.memory_space<vmem>>)
      %mul3A_81 = arith.constant 2 : i32
      %mul3A_82 = arith.muli %mul3A_81, %scan3A_54 : i32
      %mul3A_83 = arith.constant 40 : i32
      %mul3A_84 = arith.muli %mul3A_82, %mul3A_83 : i32
      %add3A_85 = arith.addi %mul3A_2, %mul3A_84 : i32
      %dma_start3A_86 = arith.constant 0 : i32
      %dma_start3A_87 = tpu.memref_slice %arg6[%add3A_85, %dma_start3A_86] : memref<160000x256xi32, #tpu.memory_space<hbm>> -> memref<40x256xi32, #tpu.memory_space<hbm>>
      %dma_start3A_88 = arith.constant 0 : i32
      %dma_start3A_89 = tpu.memref_slice %arg6[%add3A_85, %dma_start3A_88] : memref<160000x256xi32, #tpu.memory_space<hbm>> -> memref<40x256xi32, #tpu.memory_space<hbm>>
      tpu.enqueue_dma source(%arg10 : memref<40x256xi32, #tpu.memory_space<vmem>>) target(%dma_start3A_89 : memref<40x256xi32, #tpu.memory_space<hbm>>) target_semaphore(%arg16 : memref<!tpu.dma_semaphore, #tpu.memory_space<semaphore_mem>>)
      %add3A_90 = arith.addi %mul3A_2, %mul3A_84 : i32
      %dma_start3A_91 = arith.constant 0 : i32
      %dma_start3A_92 = tpu.memref_slice %arg7[%add3A_90, %dma_start3A_91] : memref<160000x256xi32, #tpu.memory_space<hbm>> -> memref<40x256xi32, #tpu.memory_space<hbm>>
      %dma_start3A_93 = arith.constant 0 : i32
      %dma_start3A_94 = tpu.memref_slice %arg7[%add3A_90, %dma_start3A_93] : memref<160000x256xi32, #tpu.memory_space<hbm>> -> memref<40x256xi32, #tpu.memory_space<hbm>>
      tpu.enqueue_dma source(%arg11 : memref<40x256xi32, #tpu.memory_space<vmem>>) target(%dma_start3A_94 : memref<40x256xi32, #tpu.memory_space<hbm>>) target_semaphore(%arg16 : memref<!tpu.dma_semaphore, #tpu.memory_space<semaphore_mem>>)
      %dma_wait3A_95 = arith.constant 0 : i32
      %dma_wait3A_96 = tpu.memref_slice %arg6[%mul3A_2, %dma_wait3A_95] : memref<160000x256xi32, #tpu.memory_space<hbm>> -> memref<40x256xi32, #tpu.memory_space<hbm>>
      %dma_wait3A_97 = arith.constant 0 : i32
      %dma_wait3A_98 = tpu.memref_slice %arg6[%mul3A_2, %dma_wait3A_97] : memref<160000x256xi32, #tpu.memory_space<hbm>> -> memref<40x256xi32, #tpu.memory_space<hbm>>
      tpu.wait_dma2 semaphore(%arg16 : memref<!tpu.dma_semaphore, #tpu.memory_space<semaphore_mem>>) src(%arg10 : memref<40x256xi32, #tpu.memory_space<vmem>>) dst(%dma_wait3A_98 : memref<40x256xi32, #tpu.memory_space<hbm>>)
      %dma_wait3A_99 = arith.constant 0 : i32
      %dma_wait3A_100 = tpu.memref_slice %arg7[%mul3A_2, %dma_wait3A_99] : memref<160000x256xi32, #tpu.memory_space<hbm>> -> memref<40x256xi32, #tpu.memory_space<hbm>>
      %dma_wait3A_101 = arith.constant 0 : i32
      %dma_wait3A_102 = tpu.memref_slice %arg7[%mul3A_2, %dma_wait3A_101] : memref<160000x256xi32, #tpu.memory_space<hbm>> -> memref<40x256xi32, #tpu.memory_space<hbm>>
      tpu.wait_dma2 semaphore(%arg16 : memref<!tpu.dma_semaphore, #tpu.memory_space<semaphore_mem>>) src(%arg11 : memref<40x256xi32, #tpu.memory_space<vmem>>) dst(%dma_wait3A_102 : memref<40x256xi32, #tpu.memory_space<hbm>>)
      %mul3A_103 = arith.constant 2 : i32
      %mul3A_104 = arith.muli %mul3A_103, %scan3A_54 : i32
      %add3A_105 = arith.constant 2 : i32
      %add3A_106 = arith.addi %mul3A_104, %add3A_105 : i32
      %mul3A_107 = arith.constant 40 : i32
      %mul3A_108 = arith.muli %add3A_106, %mul3A_107 : i32
      %dma_start3A_109 = tpu.memref_slice %arg8[%mul3A_108] : memref<5000xi32, #tpu.memory_space<vmem>> -> memref<40xi32, #tpu.memory_space<vmem>>
      %dma_start3A_110 = arith.constant 0 : i32
      %dma_start3A_111 = arith.constant 0 : i32
      %dma_start3A_112 = tpu.memref_slice %arg2[%dma_start3A_110, %dma_start3A_111] : memref<10000x256xi32, #tpu.memory_space<hbm>> -> memref<10000x256xi32, #tpu.memory_space<hbm>>
      tpu.enqueue_indirect_dma source(%dma_start3A_112 : memref<10000x256xi32, #tpu.memory_space<hbm>>) target(%arg10 : memref<40x256xi32, #tpu.memory_space<vmem>>) offsets(%dma_start3A_109 : memref<40xi32, #tpu.memory_space<vmem>>) semaphore(%arg14 : memref<!tpu.dma_semaphore, #tpu.memory_space<semaphore_mem>>)
      %dma_start3A_113 = tpu.memref_slice %arg9[%mul3A_108] : memref<5000xi32, #tpu.memory_space<vmem>> -> memref<40xi32, #tpu.memory_space<vmem>>
      %dma_start3A_114 = arith.constant 0 : i32
      %dma_start3A_115 = arith.constant 0 : i32
      %dma_start3A_116 = tpu.memref_slice %arg3[%dma_start3A_114, %dma_start3A_115] : memref<160000x256xi32, #tpu.memory_space<hbm>> -> memref<160000x256xi32, #tpu.memory_space<hbm>>
      tpu.enqueue_indirect_dma source(%dma_start3A_116 : memref<160000x256xi32, #tpu.memory_space<hbm>>) target(%arg11 : memref<40x256xi32, #tpu.memory_space<vmem>>) offsets(%dma_start3A_113 : memref<40xi32, #tpu.memory_space<vmem>>) semaphore(%arg14 : memref<!tpu.dma_semaphore, #tpu.memory_space<semaphore_mem>>)
      %dma_wait3A_117 = arith.constant 0 : i32
      %dma_wait3A_118 = tpu.memref_slice %arg8[%dma_wait3A_117] : memref<5000xi32, #tpu.memory_space<vmem>> -> memref<40xi32, #tpu.memory_space<vmem>>
      %dma_wait3A_119 = arith.constant 0 : i32
      %dma_wait3A_120 = arith.constant 0 : i32
      %dma_wait3A_121 = tpu.memref_slice %arg2[%dma_wait3A_119, %dma_wait3A_120] : memref<10000x256xi32, #tpu.memory_space<hbm>> -> memref<10000x256xi32, #tpu.memory_space<hbm>>
      tpu.wait_indirect_dma semaphore(%arg15 : memref<!tpu.dma_semaphore, #tpu.memory_space<semaphore_mem>>) src(%dma_wait3A_121 : memref<10000x256xi32, #tpu.memory_space<hbm>>) dst(%arg12 : memref<40x256xi32, #tpu.memory_space<vmem>>)
      %dma_wait3A_122 = arith.constant 0 : i32
      %dma_wait3A_123 = tpu.memref_slice %arg9[%dma_wait3A_122] : memref<5000xi32, #tpu.memory_space<vmem>> -> memref<40xi32, #tpu.memory_space<vmem>>
      %dma_wait3A_124 = arith.constant 0 : i32
      %dma_wait3A_125 = arith.constant 0 : i32
      %dma_wait3A_126 = tpu.memref_slice %arg3[%dma_wait3A_124, %dma_wait3A_125] : memref<160000x256xi32, #tpu.memory_space<hbm>> -> memref<160000x256xi32, #tpu.memory_space<hbm>>
      tpu.wait_indirect_dma semaphore(%arg15 : memref<!tpu.dma_semaphore, #tpu.memory_space<semaphore_mem>>) src(%dma_wait3A_126 : memref<160000x256xi32, #tpu.memory_space<hbm>>) dst(%arg13 : memref<40x256xi32, #tpu.memory_space<vmem>>)
      %mul3A_127 = arith.constant 2 : i32
      %mul3A_128 = arith.muli %mul3A_127, %scan3A_54 : i32
      %add3A_129 = arith.constant 1 : i32
      %add3A_130 = arith.addi %mul3A_128, %add3A_129 : i32
      %mul3A_131 = arith.constant 40 : i32
      %mul3A_132 = arith.muli %add3A_130, %mul3A_131 : i32
      %add3A_133 = arith.addi %mul3A_2, %mul3A_132 : i32
      %dma_start3A_134 = arith.constant 0 : i32
      %dma_start3A_135 = tpu.memref_slice %arg6[%add3A_133, %dma_start3A_134] : memref<160000x256xi32, #tpu.memory_space<hbm>> -> memref<40x256xi32, #tpu.memory_space<hbm>>
      %dma_start3A_136 = arith.constant 0 : i32
      %dma_start3A_137 = tpu.memref_slice %arg6[%add3A_133, %dma_start3A_136] : memref<160000x256xi32, #tpu.memory_space<hbm>> -> memref<40x256xi32, #tpu.memory_space<hbm>>
      tpu.enqueue_dma source(%arg12 : memref<40x256xi32, #tpu.memory_space<vmem>>) target(%dma_start3A_137 : memref<40x256xi32, #tpu.memory_space<hbm>>) target_semaphore(%arg17 : memref<!tpu.dma_semaphore, #tpu.memory_space<semaphore_mem>>)
      %add3A_138 = arith.addi %mul3A_2, %mul3A_132 : i32
      %dma_start3A_139 = arith.constant 0 : i32
      %dma_start3A_140 = tpu.memref_slice %arg7[%add3A_138, %dma_start3A_139] : memref<160000x256xi32, #tpu.memory_space<hbm>> -> memref<40x256xi32, #tpu.memory_space<hbm>>
      %dma_start3A_141 = arith.constant 0 : i32
      %dma_start3A_142 = tpu.memref_slice %arg7[%add3A_138, %dma_start3A_141] : memref<160000x256xi32, #tpu.memory_space<hbm>> -> memref<40x256xi32, #tpu.memory_space<hbm>>
      tpu.enqueue_dma source(%arg13 : memref<40x256xi32, #tpu.memory_space<vmem>>) target(%dma_start3A_142 : memref<40x256xi32, #tpu.memory_space<hbm>>) target_semaphore(%arg17 : memref<!tpu.dma_semaphore, #tpu.memory_space<semaphore_mem>>)
    }
    %scan3A_16 = arith.constant 62 : i32
    %dma_wait3A = arith.constant 0 : i32
    %dma_wait3A_17 = tpu.memref_slice %arg8[%dma_wait3A] : memref<5000xi32, #tpu.memory_space<vmem>> -> memref<40xi32, #tpu.memory_space<vmem>>
    %dma_wait3A_18 = arith.constant 0 : i32
    %dma_wait3A_19 = arith.constant 0 : i32
    %dma_wait3A_20 = tpu.memref_slice %arg2[%dma_wait3A_18, %dma_wait3A_19] : memref<10000x256xi32, #tpu.memory_space<hbm>> -> memref<10000x256xi32, #tpu.memory_space<hbm>>
    tpu.wait_indirect_dma semaphore(%arg14 : memref<!tpu.dma_semaphore, #tpu.memory_space<semaphore_mem>>) src(%dma_wait3A_20 : memref<10000x256xi32, #tpu.memory_space<hbm>>) dst(%arg10 : memref<40x256xi32, #tpu.memory_space<vmem>>)
    %dma_wait3A_21 = arith.constant 0 : i32
    %dma_wait3A_22 = tpu.memref_slice %arg9[%dma_wait3A_21] : memref<5000xi32, #tpu.memory_space<vmem>> -> memref<40xi32, #tpu.memory_space<vmem>>
    %dma_wait3A_23 = arith.constant 0 : i32
    %dma_wait3A_24 = arith.constant 0 : i32
    %dma_wait3A_25 = tpu.memref_slice %arg3[%dma_wait3A_23, %dma_wait3A_24] : memref<160000x256xi32, #tpu.memory_space<hbm>> -> memref<160000x256xi32, #tpu.memory_space<hbm>>
    tpu.wait_indirect_dma semaphore(%arg14 : memref<!tpu.dma_semaphore, #tpu.memory_space<semaphore_mem>>) src(%dma_wait3A_25 : memref<160000x256xi32, #tpu.memory_space<hbm>>) dst(%arg11 : memref<40x256xi32, #tpu.memory_space<vmem>>)
    %add3A_26 = arith.constant 4960 : i32
    %add3A_27 = arith.addi %mul3A_2, %add3A_26 : i32
    %dma_start3A_28 = arith.constant 0 : i32
    %dma_start3A_29 = tpu.memref_slice %arg6[%add3A_27, %dma_start3A_28] : memref<160000x256xi32, #tpu.memory_space<hbm>> -> memref<40x256xi32, #tpu.memory_space<hbm>>
    %dma_start3A_30 = arith.constant 0 : i32
    %dma_start3A_31 = tpu.memref_slice %arg6[%add3A_27, %dma_start3A_30] : memref<160000x256xi32, #tpu.memory_space<hbm>> -> memref<40x256xi32, #tpu.memory_space<hbm>>
    tpu.enqueue_dma source(%arg10 : memref<40x256xi32, #tpu.memory_space<vmem>>) target(%dma_start3A_31 : memref<40x256xi32, #tpu.memory_space<hbm>>) target_semaphore(%arg16 : memref<!tpu.dma_semaphore, #tpu.memory_space<semaphore_mem>>)
    %add3A_32 = arith.constant 4960 : i32
    %add3A_33 = arith.addi %mul3A_2, %add3A_32 : i32
    %dma_start3A_34 = arith.constant 0 : i32
    %dma_start3A_35 = tpu.memref_slice %arg7[%add3A_33, %dma_start3A_34] : memref<160000x256xi32, #tpu.memory_space<hbm>> -> memref<40x256xi32, #tpu.memory_space<hbm>>
    %dma_start3A_36 = arith.constant 0 : i32
    %dma_start3A_37 = tpu.memref_slice %arg7[%add3A_33, %dma_start3A_36] : memref<160000x256xi32, #tpu.memory_space<hbm>> -> memref<40x256xi32, #tpu.memory_space<hbm>>
    tpu.enqueue_dma source(%arg11 : memref<40x256xi32, #tpu.memory_space<vmem>>) target(%dma_start3A_37 : memref<40x256xi32, #tpu.memory_space<hbm>>) target_semaphore(%arg16 : memref<!tpu.dma_semaphore, #tpu.memory_space<semaphore_mem>>)
    %dma_wait3A_38 = arith.constant 0 : i32
    %dma_wait3A_39 = tpu.memref_slice %arg6[%mul3A_2, %dma_wait3A_38] : memref<160000x256xi32, #tpu.memory_space<hbm>> -> memref<40x256xi32, #tpu.memory_space<hbm>>
    %dma_wait3A_40 = arith.constant 0 : i32
    %dma_wait3A_41 = tpu.memref_slice %arg6[%mul3A_2, %dma_wait3A_40] : memref<160000x256xi32, #tpu.memory_space<hbm>> -> memref<40x256xi32, #tpu.memory_space<hbm>>
    tpu.wait_dma2 semaphore(%arg17 : memref<!tpu.dma_semaphore, #tpu.memory_space<semaphore_mem>>) src(%arg12 : memref<40x256xi32, #tpu.memory_space<vmem>>) dst(%dma_wait3A_41 : memref<40x256xi32, #tpu.memory_space<hbm>>)
    %dma_wait3A_42 = arith.constant 0 : i32
    %dma_wait3A_43 = tpu.memref_slice %arg7[%mul3A_2, %dma_wait3A_42] : memref<160000x256xi32, #tpu.memory_space<hbm>> -> memref<40x256xi32, #tpu.memory_space<hbm>>
    %dma_wait3A_44 = arith.constant 0 : i32
    %dma_wait3A_45 = tpu.memref_slice %arg7[%mul3A_2, %dma_wait3A_44] : memref<160000x256xi32, #tpu.memory_space<hbm>> -> memref<40x256xi32, #tpu.memory_space<hbm>>
    tpu.wait_dma2 semaphore(%arg17 : memref<!tpu.dma_semaphore, #tpu.memory_space<semaphore_mem>>) src(%arg13 : memref<40x256xi32, #tpu.memory_space<vmem>>) dst(%dma_wait3A_45 : memref<40x256xi32, #tpu.memory_space<hbm>>)
    %dma_wait3A_46 = arith.constant 0 : i32
    %dma_wait3A_47 = tpu.memref_slice %arg6[%mul3A_2, %dma_wait3A_46] : memref<160000x256xi32, #tpu.memory_space<hbm>> -> memref<40x256xi32, #tpu.memory_space<hbm>>
    %dma_wait3A_48 = arith.constant 0 : i32
    %dma_wait3A_49 = tpu.memref_slice %arg6[%mul3A_2, %dma_wait3A_48] : memref<160000x256xi32, #tpu.memory_space<hbm>> -> memref<40x256xi32, #tpu.memory_space<hbm>>
    tpu.wait_dma2 semaphore(%arg16 : memref<!tpu.dma_semaphore, #tpu.memory_space<semaphore_mem>>) src(%arg10 : memref<40x256xi32, #tpu.memory_space<vmem>>) dst(%dma_wait3A_49 : memref<40x256xi32, #tpu.memory_space<hbm>>)
    %dma_wait3A_50 = arith.constant 0 : i32
    %dma_wait3A_51 = tpu.memref_slice %arg7[%mul3A_2, %dma_wait3A_50] : memref<160000x256xi32, #tpu.memory_space<hbm>> -> memref<40x256xi32, #tpu.memory_space<hbm>>
    %dma_wait3A_52 = arith.constant 0 : i32
    %dma_wait3A_53 = tpu.memref_slice %arg7[%mul3A_2, %dma_wait3A_52] : memref<160000x256xi32, #tpu.memory_space<hbm>> -> memref<40x256xi32, #tpu.memory_space<hbm>>
    tpu.wait_dma2 semaphore(%arg16 : memref<!tpu.dma_semaphore, #tpu.memory_space<semaphore_mem>>) src(%arg11 : memref<40x256xi32, #tpu.memory_space<vmem>>) dst(%dma_wait3A_53 : memref<40x256xi32, #tpu.memory_space<hbm>>)
    return
  }
}

#map = affine_map<(d0, d1) -> (0, 0)>
#map1 = affine_map<(d0, d1) -> (0)>
module attributes {stable_mosaic.version = 14 : i64} {
  func.func @_gather_body(%arg0: i32, %arg1: i32, %arg2: memref<10000x256xi32, #tpu.memory_space<hbm>>, %arg3: memref<160000x256xi32, #tpu.memory_space<hbm>>, %arg4: memref<160000xi32, #tpu.memory_space<hbm>>, %arg5: memref<160000xi32, #tpu.memory_space<hbm>>, %arg6: memref<160000x256xi32, #tpu.memory_space<hbm>>, %arg7: memref<160000x256xi32, #tpu.memory_space<hbm>>, %arg8: memref<5000xi32, #tpu.memory_space<vmem>>, %arg9: memref<5000xi32, #tpu.memory_space<vmem>>, %arg10: memref<40x256xi32, #tpu.memory_space<vmem>>, %arg11: memref<40x256xi32, #tpu.memory_space<vmem>>, %arg12: memref<40x256xi32, #tpu.memory_space<vmem>>, %arg13: memref<40x256xi32, #tpu.memory_space<vmem>>, %arg14: memref<!tpu.dma_semaphore, #tpu.memory_space<semaphore_mem>>, %arg15: memref<!tpu.dma_semaphore, #tpu.memory_space<semaphore_mem>>, %arg16: memref<!tpu.dma_semaphore, #tpu.memory_space<semaphore_mem>>, %arg17: memref<!tpu.dma_semaphore, #tpu.memory_space<semaphore_mem>>) attributes {dimension_semantics = [#tpu.dimension_semantics<core_parallel>, #tpu.dimension_semantics<subcore_parallel>], iteration_bounds = array<i64: 2, 16>, scalar_prefetch = 0 : i64, scratch_operands = 10 : i64, tpu.core_type = #tpu.core_type<sc_vector_subcore>, window_params = [{transform_indices = #map}, {transform_indices = #map}, {transform_indices = #map1}, {transform_indices = #map1}, {transform_indices = #map}, {transform_indices = #map}]} {
    %mul3A = arith.constant 2 : i32
    %mul3A_0 = arith.muli %arg1, %mul3A : i32
    %add3A = arith.addi %mul3A_0, %arg0 : i32
    %mul3A_1 = arith.constant 5000 : i32
    %mul3A_2 = arith.muli %add3A, %mul3A_1 : i32
    "tpu.region"() ({
      %run_scoped3A = tpu.sem_alloc : memref<!tpu.dma_semaphore, #tpu.memory_space<semaphore_mem>>
      %dma_start3A_54 = tpu.memref_slice %arg4[%mul3A_2] : memref<160000xi32, #tpu.memory_space<hbm>> -> memref<5000xi32, #tpu.memory_space<hbm>>
      %dma_start3A_55 = tpu.memref_slice %arg4[%mul3A_2] : memref<160000xi32, #tpu.memory_space<hbm>> -> memref<5000xi32, #tpu.memory_space<hbm>>
      tpu.enqueue_dma source(%dma_start3A_55 : memref<5000xi32, #tpu.memory_space<hbm>>) target(%arg8 : memref<5000xi32, #tpu.memory_space<vmem>>) target_semaphore(%run_scoped3A : memref<!tpu.dma_semaphore, #tpu.memory_space<semaphore_mem>>)
      %dma_wait3A_56 = tpu.memref_slice %arg4[%mul3A_2] : memref<160000xi32, #tpu.memory_space<hbm>> -> memref<5000xi32, #tpu.memory_space<hbm>>
      %dma_wait3A_57 = tpu.memref_slice %arg4[%mul3A_2] : memref<160000xi32, #tpu.memory_space<hbm>> -> memref<5000xi32, #tpu.memory_space<hbm>>
      tpu.wait_dma2 semaphore(%run_scoped3A : memref<!tpu.dma_semaphore, #tpu.memory_space<semaphore_mem>>) src(%dma_wait3A_57 : memref<5000xi32, #tpu.memory_space<hbm>>) dst(%arg8 : memref<5000xi32, #tpu.memory_space<vmem>>)
      tpu.yield
    }) : () -> ()
    "tpu.region"() ({
      %run_scoped3A = tpu.sem_alloc : memref<!tpu.dma_semaphore, #tpu.memory_space<semaphore_mem>>
      %dma_start3A_54 = tpu.memref_slice %arg5[%mul3A_2] : memref<160000xi32, #tpu.memory_space<hbm>> -> memref<5000xi32, #tpu.memory_space<hbm>>
      %dma_start3A_55 = tpu.memref_slice %arg5[%mul3A_2] : memref<160000xi32, #tpu.memory_space<hbm>> -> memref<5000xi32, #tpu.memory_space<hbm>>
      tpu.enqueue_dma source(%dma_start3A_55 : memref<5000xi32, #tpu.memory_space<hbm>>) target(%arg9 : memref<5000xi32, #tpu.memory_space<vmem>>) target_semaphore(%run_scoped3A : memref<!tpu.dma_semaphore, #tpu.memory_space<semaphore_mem>>)
      %dma_wait3A_56 = tpu.memref_slice %arg5[%mul3A_2] : memref<160000xi32, #tpu.memory_space<hbm>> -> memref<5000xi32, #tpu.memory_space<hbm>>
      %dma_wait3A_57 = tpu.memref_slice %arg5[%mul3A_2] : memref<160000xi32, #tpu.memory_space<hbm>> -> memref<5000xi32, #tpu.memory_space<hbm>>
      tpu.wait_dma2 semaphore(%run_scoped3A : memref<!tpu.dma_semaphore, #tpu.memory_space<semaphore_mem>>) src(%dma_wait3A_57 : memref<5000xi32, #tpu.memory_space<hbm>>) dst(%arg9 : memref<5000xi32, #tpu.memory_space<vmem>>)
      tpu.yield
    }) : () -> ()
    %dma_start3A = arith.constant 0 : i32
    %dma_start3A_3 = tpu.memref_slice %arg8[%dma_start3A] : memref<5000xi32, #tpu.memory_space<vmem>> -> memref<40xi32, #tpu.memory_space<vmem>>
    %dma_start3A_4 = arith.constant 0 : i32
    %dma_start3A_5 = arith.constant 0 : i32
    %dma_start3A_6 = tpu.memref_slice %arg2[%dma_start3A_4, %dma_start3A_5] : memref<10000x256xi32, #tpu.memory_space<hbm>> -> memref<10000x256xi32, #tpu.memory_space<hbm>>
    tpu.enqueue_indirect_dma source(%dma_start3A_6 : memref<10000x256xi32, #tpu.memory_space<hbm>>) target(%arg10 : memref<40x256xi32, #tpu.memory_space<vmem>>) offsets(%dma_start3A_3 : memref<40xi32, #tpu.memory_space<vmem>>) semaphore(%arg14 : memref<!tpu.dma_semaphore, #tpu.memory_space<semaphore_mem>>)
    %dma_start3A_7 = arith.constant 0 : i32
    %dma_start3A_8 = tpu.memref_slice %arg9[%dma_start3A_7] : memref<5000xi32, #tpu.memory_space<vmem>> -> memref<40xi32, #tpu.memory_space<vmem>>
    %dma_start3A_9 = arith.constant 0 : i32
    %dma_start3A_10 = arith.constant 0 : i32
    %dma_start3A_11 = tpu.memref_slice %arg3[%dma_start3A_9, %dma_start3A_10] : memref<160000x256xi32, #tpu.memory_space<hbm>> -> memref<160000x256xi32, #tpu.memory_space<hbm>>
    tpu.enqueue_indirect_dma source(%dma_start3A_11 : memref<160000x256xi32, #tpu.memory_space<hbm>>) target(%arg11 : memref<40x256xi32, #tpu.memory_space<vmem>>) offsets(%dma_start3A_8 : memref<40xi32, #tpu.memory_space<vmem>>) semaphore(%arg14 : memref<!tpu.dma_semaphore, #tpu.memory_space<semaphore_mem>>)
    %scan3A = arith.constant 0 : i32
    %scan3A_12 = arith.constant 0 : i32
    %scan3A_13 = arith.constant 62 : i32
    %scan3A_14 = arith.addi %scan3A_12, %scan3A_13 : i32
    %scan3A_15 = arith.constant 1 : i32
    scf.for %scan3A_54 = %scan3A_12 to %scan3A_14 step %scan3A_15  : i32 {
      %gt3A = arith.constant 0 : i32
      %gt3A_55 = arith.cmpi sgt, %scan3A_54, %gt3A : i32
      %convert_element_type3A = arith.extui %gt3A_55 : i1 to i32
      %cond3A = arith.constant 0 : i32
      %cond3A_56 = arith.cmpi ne, %convert_element_type3A, %cond3A : i32
      scf.if %cond3A_56 {
        %dma_wait3A_143 = arith.constant 0 : i32
        %dma_wait3A_144 = tpu.memref_slice %arg6[%mul3A_2, %dma_wait3A_143] : memref<160000x256xi32, #tpu.memory_space<hbm>> -> memref<40x256xi32, #tpu.memory_space<hbm>>
        %dma_wait3A_145 = arith.constant 0 : i32
        %dma_wait3A_146 = tpu.memref_slice %arg6[%mul3A_2, %dma_wait3A_145] : memref<160000x256xi32, #tpu.memory_space<hbm>> -> memref<40x256xi32, #tpu.memory_space<hbm>>
        tpu.wait_dma2 semaphore(%arg17 : memref<!tpu.dma_semaphore, #tpu.memory_space<semaphore_mem>>) src(%arg12 : memref<40x256xi32, #tpu.memory_space<vmem>>) dst(%dma_wait3A_146 : memref<40x256xi32, #tpu.memory_space<hbm>>)
        %dma_wait3A_147 = arith.constant 0 : i32
        %dma_wait3A_148 = tpu.memref_slice %arg7[%mul3A_2, %dma_wait3A_147] : memref<160000x256xi32, #tpu.memory_space<hbm>> -> memref<40x256xi32, #tpu.memory_space<hbm>>
        %dma_wait3A_149 = arith.constant 0 : i32
        %dma_wait3A_150 = tpu.memref_slice %arg7[%mul3A_2, %dma_wait3A_149] : memref<160000x256xi32, #tpu.memory_space<hbm>> -> memref<40x256xi32, #tpu.memory_space<hbm>>
        tpu.wait_dma2 semaphore(%arg17 : memref<!tpu.dma_semaphore, #tpu.memory_space<semaphore_mem>>) src(%arg13 : memref<40x256xi32, #tpu.memory_space<vmem>>) dst(%dma_wait3A_150 : memref<40x256xi32, #tpu.memory_space<hbm>>)
      } else {
      }
      %mul3A_57 = arith.constant 2 : i32
      %mul3A_58 = arith.muli %mul3A_57, %scan3A_54 : i32
      %add3A_59 = arith.constant 1 : i32
      %add3A_60 = arith.addi %mul3A_58, %add3A_59 : i32
      %mul3A_61 = arith.constant 40 : i32
      %mul3A_62 = arith.muli %add3A_60, %mul3A_61 : i32
      %dma_start3A_63 = tpu.memref_slice %arg8[%mul3A_62] : memref<5000xi32, #tpu.memory_space<vmem>> -> memref<40xi32, #tpu.memory_space<vmem>>
      %dma_start3A_64 = arith.constant 0 : i32
      %dma_start3A_65 = arith.constant 0 : i32
      %dma_start3A_66 = tpu.memref_slice %arg2[%dma_start3A_64, %dma_start3A_65] : memref<10000x256xi32, #tpu.memory_space<hbm>> -> memref<10000x256xi32, #tpu.memory_space<hbm>>
      tpu.enqueue_indirect_dma source(%dma_start3A_66 : memref<10000x256xi32, #tpu.memory_space<hbm>>) target(%arg12 : memref<40x256xi32, #tpu.memory_space<vmem>>) offsets(%dma_start3A_63 : memref<40xi32, #tpu.memory_space<vmem>>) semaphore(%arg15 : memref<!tpu.dma_semaphore, #tpu.memory_space<semaphore_mem>>)
      %dma_start3A_67 = tpu.memref_slice %arg9[%mul3A_62] : memref<5000xi32, #tpu.memory_space<vmem>> -> memref<40xi32, #tpu.memory_space<vmem>>
      %dma_start3A_68 = arith.constant 0 : i32
      %dma_start3A_69 = arith.constant 0 : i32
      %dma_start3A_70 = tpu.memref_slice %arg3[%dma_start3A_68, %dma_start3A_69] : memref<160000x256xi32, #tpu.memory_space<hbm>> -> memref<160000x256xi32, #tpu.memory_space<hbm>>
      tpu.enqueue_indirect_dma source(%dma_start3A_70 : memref<160000x256xi32, #tpu.memory_space<hbm>>) target(%arg13 : memref<40x256xi32, #tpu.memory_space<vmem>>) offsets(%dma_start3A_67 : memref<40xi32, #tpu.memory_space<vmem>>) semaphore(%arg15 : memref<!tpu.dma_semaphore, #tpu.memory_space<semaphore_mem>>)
      %dma_wait3A_71 = arith.constant 0 : i32
      %dma_wait3A_72 = tpu.memref_slice %arg8[%dma_wait3A_71] : memref<5000xi32, #tpu.memory_space<vmem>> -> memref<40xi32, #tpu.memory_space<vmem>>
      %dma_wait3A_73 = arith.constant 0 : i32
      %dma_wait3A_74 = arith.constant 0 : i32
      %dma_wait3A_75 = tpu.memref_slice %arg2[%dma_wait3A_73, %dma_wait3A_74] : memref<10000x256xi32, #tpu.memory_space<hbm>> -> memref<10000x256xi32, #tpu.memory_space<hbm>>
      tpu.wait_indirect_dma semaphore(%arg14 : memref<!tpu.dma_semaphore, #tpu.memory_space<semaphore_mem>>) src(%dma_wait3A_75 : memref<10000x256xi32, #tpu.memory_space<hbm>>) dst(%arg10 : memref<40x256xi32, #tpu.memory_space<vmem>>)
      %dma_wait3A_76 = arith.constant 0 : i32
      %dma_wait3A_77 = tpu.memref_slice %arg9[%dma_wait3A_76] : memref<5000xi32, #tpu.memory_space<vmem>> -> memref<40xi32, #tpu.memory_space<vmem>>
      %dma_wait3A_78 = arith.constant 0 : i32
      %dma_wait3A_79 = arith.constant 0 : i32
      %dma_wait3A_80 = tpu.memref_slice %arg3[%dma_wait3A_78, %dma_wait3A_79] : memref<160000x256xi32, #tpu.memory_space<hbm>> -> memref<160000x256xi32, #tpu.memory_space<hbm>>
      tpu.wait_indirect_dma semaphore(%arg14 : memref<!tpu.dma_semaphore, #tpu.memory_space<semaphore_mem>>) src(%dma_wait3A_80 : memref<160000x256xi32, #tpu.memory_space<hbm>>) dst(%arg11 : memref<40x256xi32, #tpu.memory_space<vmem>>)
      %mul3A_81 = arith.constant 2 : i32
      %mul3A_82 = arith.muli %mul3A_81, %scan3A_54 : i32
      %mul3A_83 = arith.constant 40 : i32
      %mul3A_84 = arith.muli %mul3A_82, %mul3A_83 : i32
      %add3A_85 = arith.addi %mul3A_2, %mul3A_84 : i32
      %dma_start3A_86 = arith.constant 0 : i32
      %dma_start3A_87 = tpu.memref_slice %arg6[%add3A_85, %dma_start3A_86] : memref<160000x256xi32, #tpu.memory_space<hbm>> -> memref<40x256xi32, #tpu.memory_space<hbm>>
      %dma_start3A_88 = arith.constant 0 : i32
      %dma_start3A_89 = tpu.memref_slice %arg6[%add3A_85, %dma_start3A_88] : memref<160000x256xi32, #tpu.memory_space<hbm>> -> memref<40x256xi32, #tpu.memory_space<hbm>>
      tpu.enqueue_dma source(%arg10 : memref<40x256xi32, #tpu.memory_space<vmem>>) target(%dma_start3A_89 : memref<40x256xi32, #tpu.memory_space<hbm>>) target_semaphore(%arg16 : memref<!tpu.dma_semaphore, #tpu.memory_space<semaphore_mem>>)
      %add3A_90 = arith.addi %mul3A_2, %mul3A_84 : i32
      %dma_start3A_91 = arith.constant 0 : i32
      %dma_start3A_92 = tpu.memref_slice %arg7[%add3A_90, %dma_start3A_91] : memref<160000x256xi32, #tpu.memory_space<hbm>> -> memref<40x256xi32, #tpu.memory_space<hbm>>
      %dma_start3A_93 = arith.constant 0 : i32
      %dma_start3A_94 = tpu.memref_slice %arg7[%add3A_90, %dma_start3A_93] : memref<160000x256xi32, #tpu.memory_space<hbm>> -> memref<40x256xi32, #tpu.memory_space<hbm>>
      tpu.enqueue_dma source(%arg11 : memref<40x256xi32, #tpu.memory_space<vmem>>) target(%dma_start3A_94 : memref<40x256xi32, #tpu.memory_space<hbm>>) target_semaphore(%arg16 : memref<!tpu.dma_semaphore, #tpu.memory_space<semaphore_mem>>)
      %dma_wait3A_95 = arith.constant 0 : i32
      %dma_wait3A_96 = tpu.memref_slice %arg6[%mul3A_2, %dma_wait3A_95] : memref<160000x256xi32, #tpu.memory_space<hbm>> -> memref<40x256xi32, #tpu.memory_space<hbm>>
      %dma_wait3A_97 = arith.constant 0 : i32
      %dma_wait3A_98 = tpu.memref_slice %arg6[%mul3A_2, %dma_wait3A_97] : memref<160000x256xi32, #tpu.memory_space<hbm>> -> memref<40x256xi32, #tpu.memory_space<hbm>>
      tpu.wait_dma2 semaphore(%arg16 : memref<!tpu.dma_semaphore, #tpu.memory_space<semaphore_mem>>) src(%arg10 : memref<40x256xi32, #tpu.memory_space<vmem>>) dst(%dma_wait3A_98 : memref<40x256xi32, #tpu.memory_space<hbm>>)
      %dma_wait3A_99 = arith.constant 0 : i32
      %dma_wait3A_100 = tpu.memref_slice %arg7[%mul3A_2, %dma_wait3A_99] : memref<160000x256xi32, #tpu.memory_space<hbm>> -> memref<40x256xi32, #tpu.memory_space<hbm>>
      %dma_wait3A_101 = arith.constant 0 : i32
      %dma_wait3A_102 = tpu.memref_slice %arg7[%mul3A_2, %dma_wait3A_101] : memref<160000x256xi32, #tpu.memory_space<hbm>> -> memref<40x256xi32, #tpu.memory_space<hbm>>
      tpu.wait_dma2 semaphore(%arg16 : memref<!tpu.dma_semaphore, #tpu.memory_space<semaphore_mem>>) src(%arg11 : memref<40x256xi32, #tpu.memory_space<vmem>>) dst(%dma_wait3A_102 : memref<40x256xi32, #tpu.memory_space<hbm>>)
      %mul3A_103 = arith.constant 2 : i32
      %mul3A_104 = arith.muli %mul3A_103, %scan3A_54 : i32
      %add3A_105 = arith.constant 2 : i32
      %add3A_106 = arith.addi %mul3A_104, %add3A_105 : i32
      %mul3A_107 = arith.constant 40 : i32
      %mul3A_108 = arith.muli %add3A_106, %mul3A_107 : i32
      %dma_start3A_109 = tpu.memref_slice %arg8[%mul3A_108] : memref<5000xi32, #tpu.memory_space<vmem>> -> memref<40xi32, #tpu.memory_space<vmem>>
      %dma_start3A_110 = arith.constant 0 : i32
      %dma_start3A_111 = arith.constant 0 : i32
      %dma_start3A_112 = tpu.memref_slice %arg2[%dma_start3A_110, %dma_start3A_111] : memref<10000x256xi32, #tpu.memory_space<hbm>> -> memref<10000x256xi32, #tpu.memory_space<hbm>>
      tpu.enqueue_indirect_dma source(%dma_start3A_112 : memref<10000x256xi32, #tpu.memory_space<hbm>>) target(%arg10 : memref<40x256xi32, #tpu.memory_space<vmem>>) offsets(%dma_start3A_109 : memref<40xi32, #tpu.memory_space<vmem>>) semaphore(%arg14 : memref<!tpu.dma_semaphore, #tpu.memory_space<semaphore_mem>>)
      %dma_start3A_113 = tpu.memref_slice %arg9[%mul3A_108] : memref<5000xi32, #tpu.memory_space<vmem>> -> memref<40xi32, #tpu.memory_space<vmem>>
      %dma_start3A_114 = arith.constant 0 : i32
      %dma_start3A_115 = arith.constant 0 : i32
      %dma_start3A_116 = tpu.memref_slice %arg3[%dma_start3A_114, %dma_start3A_115] : memref<160000x256xi32, #tpu.memory_space<hbm>> -> memref<160000x256xi32, #tpu.memory_space<hbm>>
      tpu.enqueue_indirect_dma source(%dma_start3A_116 : memref<160000x256xi32, #tpu.memory_space<hbm>>) target(%arg11 : memref<40x256xi32, #tpu.memory_space<vmem>>) offsets(%dma_start3A_113 : memref<40xi32, #tpu.memory_space<vmem>>) semaphore(%arg14 : memref<!tpu.dma_semaphore, #tpu.memory_space<semaphore_mem>>)
      %dma_wait3A_117 = arith.constant 0 : i32
      %dma_wait3A_118 = tpu.memref_slice %arg8[%dma_wait3A_117] : memref<5000xi32, #tpu.memory_space<vmem>> -> memref<40xi32, #tpu.memory_space<vmem>>
      %dma_wait3A_119 = arith.constant 0 : i32
      %dma_wait3A_120 = arith.constant 0 : i32
      %dma_wait3A_121 = tpu.memref_slice %arg2[%dma_wait3A_119, %dma_wait3A_120] : memref<10000x256xi32, #tpu.memory_space<hbm>> -> memref<10000x256xi32, #tpu.memory_space<hbm>>
      tpu.wait_indirect_dma semaphore(%arg15 : memref<!tpu.dma_semaphore, #tpu.memory_space<semaphore_mem>>) src(%dma_wait3A_121 : memref<10000x256xi32, #tpu.memory_space<hbm>>) dst(%arg12 : memref<40x256xi32, #tpu.memory_space<vmem>>)
      %dma_wait3A_122 = arith.constant 0 : i32
      %dma_wait3A_123 = tpu.memref_slice %arg9[%dma_wait3A_122] : memref<5000xi32, #tpu.memory_space<vmem>> -> memref<40xi32, #tpu.memory_space<vmem>>
      %dma_wait3A_124 = arith.constant 0 : i32
      %dma_wait3A_125 = arith.constant 0 : i32
      %dma_wait3A_126 = tpu.memref_slice %arg3[%dma_wait3A_124, %dma_wait3A_125] : memref<160000x256xi32, #tpu.memory_space<hbm>> -> memref<160000x256xi32, #tpu.memory_space<hbm>>
      tpu.wait_indirect_dma semaphore(%arg15 : memref<!tpu.dma_semaphore, #tpu.memory_space<semaphore_mem>>) src(%dma_wait3A_126 : memref<160000x256xi32, #tpu.memory_space<hbm>>) dst(%arg13 : memref<40x256xi32, #tpu.memory_space<vmem>>)
      %mul3A_127 = arith.constant 2 : i32
      %mul3A_128 = arith.muli %mul3A_127, %scan3A_54 : i32
      %add3A_129 = arith.constant 1 : i32
      %add3A_130 = arith.addi %mul3A_128, %add3A_129 : i32
      %mul3A_131 = arith.constant 40 : i32
      %mul3A_132 = arith.muli %add3A_130, %mul3A_131 : i32
      %add3A_133 = arith.addi %mul3A_2, %mul3A_132 : i32
      %dma_start3A_134 = arith.constant 0 : i32
      %dma_start3A_135 = tpu.memref_slice %arg6[%add3A_133, %dma_start3A_134] : memref<160000x256xi32, #tpu.memory_space<hbm>> -> memref<40x256xi32, #tpu.memory_space<hbm>>
      %dma_start3A_136 = arith.constant 0 : i32
      %dma_start3A_137 = tpu.memref_slice %arg6[%add3A_133, %dma_start3A_136] : memref<160000x256xi32, #tpu.memory_space<hbm>> -> memref<40x256xi32, #tpu.memory_space<hbm>>
      tpu.enqueue_dma source(%arg12 : memref<40x256xi32, #tpu.memory_space<vmem>>) target(%dma_start3A_137 : memref<40x256xi32, #tpu.memory_space<hbm>>) target_semaphore(%arg17 : memref<!tpu.dma_semaphore, #tpu.memory_space<semaphore_mem>>)
      %add3A_138 = arith.addi %mul3A_2, %mul3A_132 : i32
      %dma_start3A_139 = arith.constant 0 : i32
      %dma_start3A_140 = tpu.memref_slice %arg7[%add3A_138, %dma_start3A_139] : memref<160000x256xi32, #tpu.memory_space<hbm>> -> memref<40x256xi32, #tpu.memory_space<hbm>>
      %dma_start3A_141 = arith.constant 0 : i32
      %dma_start3A_142 = tpu.memref_slice %arg7[%add3A_138, %dma_start3A_141] : memref<160000x256xi32, #tpu.memory_space<hbm>> -> memref<40x256xi32, #tpu.memory_space<hbm>>
      tpu.enqueue_dma source(%arg13 : memref<40x256xi32, #tpu.memory_space<vmem>>) target(%dma_start3A_142 : memref<40x256xi32, #tpu.memory_space<hbm>>) target_semaphore(%arg17 : memref<!tpu.dma_semaphore, #tpu.memory_space<semaphore_mem>>)
    }
    %scan3A_16 = arith.constant 62 : i32
    %dma_wait3A = arith.constant 0 : i32
    %dma_wait3A_17 = tpu.memref_slice %arg8[%dma_wait3A] : memref<5000xi32, #tpu.memory_space<vmem>> -> memref<40xi32, #tpu.memory_space<vmem>>
    %dma_wait3A_18 = arith.constant 0 : i32
    %dma_wait3A_19 = arith.constant 0 : i32
    %dma_wait3A_20 = tpu.memref_slice %arg2[%dma_wait3A_18, %dma_wait3A_19] : memref<10000x256xi32, #tpu.memory_space<hbm>> -> memref<10000x256xi32, #tpu.memory_space<hbm>>
    tpu.wait_indirect_dma semaphore(%arg14 : memref<!tpu.dma_semaphore, #tpu.memory_space<semaphore_mem>>) src(%dma_wait3A_20 : memref<10000x256xi32, #tpu.memory_space<hbm>>) dst(%arg10 : memref<40x256xi32, #tpu.memory_space<vmem>>)
    %dma_wait3A_21 = arith.constant 0 : i32
    %dma_wait3A_22 = tpu.memref_slice %arg9[%dma_wait3A_21] : memref<5000xi32, #tpu.memory_space<vmem>> -> memref<40xi32, #tpu.memory_space<vmem>>
    %dma_wait3A_23 = arith.constant 0 : i32
    %dma_wait3A_24 = arith.constant 0 : i32
    %dma_wait3A_25 = tpu.memref_slice %arg3[%dma_wait3A_23, %dma_wait3A_24] : memref<160000x256xi32, #tpu.memory_space<hbm>> -> memref<160000x256xi32, #tpu.memory_space<hbm>>
    tpu.wait_indirect_dma semaphore(%arg14 : memref<!tpu.dma_semaphore, #tpu.memory_space<semaphore_mem>>) src(%dma_wait3A_25 : memref<160000x256xi32, #tpu.memory_space<hbm>>) dst(%arg11 : memref<40x256xi32, #tpu.memory_space<vmem>>)
    %add3A_26 = arith.constant 4960 : i32
    %add3A_27 = arith.addi %mul3A_2, %add3A_26 : i32
    %dma_start3A_28 = arith.constant 0 : i32
    %dma_start3A_29 = tpu.memref_slice %arg6[%add3A_27, %dma_start3A_28] : memref<160000x256xi32, #tpu.memory_space<hbm>> -> memref<40x256xi32, #tpu.memory_space<hbm>>
    %dma_start3A_30 = arith.constant 0 : i32
    %dma_start3A_31 = tpu.memref_slice %arg6[%add3A_27, %dma_start3A_30] : memref<160000x256xi32, #tpu.memory_space<hbm>> -> memref<40x256xi32, #tpu.memory_space<hbm>>
    tpu.enqueue_dma source(%arg10 : memref<40x256xi32, #tpu.memory_space<vmem>>) target(%dma_start3A_31 : memref<40x256xi32, #tpu.memory_space<hbm>>) target_semaphore(%arg16 : memref<!tpu.dma_semaphore, #tpu.memory_space<semaphore_mem>>)
    %add3A_32 = arith.constant 4960 : i32
    %add3A_33 = arith.addi %mul3A_2, %add3A_32 : i32
    %dma_start3A_34 = arith.constant 0 : i32
    %dma_start3A_35 = tpu.memref_slice %arg7[%add3A_33, %dma_start3A_34] : memref<160000x256xi32, #tpu.memory_space<hbm>> -> memref<40x256xi32, #tpu.memory_space<hbm>>
    %dma_start3A_36 = arith.constant 0 : i32
    %dma_start3A_37 = tpu.memref_slice %arg7[%add3A_33, %dma_start3A_36] : memref<160000x256xi32, #tpu.memory_space<hbm>> -> memref<40x256xi32, #tpu.memory_space<hbm>>
    tpu.enqueue_dma source(%arg11 : memref<40x256xi32, #tpu.memory_space<vmem>>) target(%dma_start3A_37 : memref<40x256xi32, #tpu.memory_space<hbm>>) target_semaphore(%arg16 : memref<!tpu.dma_semaphore, #tpu.memory_space<semaphore_mem>>)
    %dma_wait3A_38 = arith.constant 0 : i32
    %dma_wait3A_39 = tpu.memref_slice %arg6[%mul3A_2, %dma_wait3A_38] : memref<160000x256xi32, #tpu.memory_space<hbm>> -> memref<40x256xi32, #tpu.memory_space<hbm>>
    %dma_wait3A_40 = arith.constant 0 : i32
    %dma_wait3A_41 = tpu.memref_slice %arg6[%mul3A_2, %dma_wait3A_40] : memref<160000x256xi32, #tpu.memory_space<hbm>> -> memref<40x256xi32, #tpu.memory_space<hbm>>
    tpu.wait_dma2 semaphore(%arg17 : memref<!tpu.dma_semaphore, #tpu.memory_space<semaphore_mem>>) src(%arg12 : memref<40x256xi32, #tpu.memory_space<vmem>>) dst(%dma_wait3A_41 : memref<40x256xi32, #tpu.memory_space<hbm>>)
    %dma_wait3A_42 = arith.constant 0 : i32
    %dma_wait3A_43 = tpu.memref_slice %arg7[%mul3A_2, %dma_wait3A_42] : memref<160000x256xi32, #tpu.memory_space<hbm>> -> memref<40x256xi32, #tpu.memory_space<hbm>>
    %dma_wait3A_44 = arith.constant 0 : i32
    %dma_wait3A_45 = tpu.memref_slice %arg7[%mul3A_2, %dma_wait3A_44] : memref<160000x256xi32, #tpu.memory_space<hbm>> -> memref<40x256xi32, #tpu.memory_space<hbm>>
    tpu.wait_dma2 semaphore(%arg17 : memref<!tpu.dma_semaphore, #tpu.memory_space<semaphore_mem>>) src(%arg13 : memref<40x256xi32, #tpu.memory_space<vmem>>) dst(%dma_wait3A_45 : memref<40x256xi32, #tpu.memory_space<hbm>>)
    %dma_wait3A_46 = arith.constant 0 : i32
    %dma_wait3A_47 = tpu.memref_slice %arg6[%mul3A_2, %dma_wait3A_46] : memref<160000x256xi32, #tpu.memory_space<hbm>> -> memref<40x256xi32, #tpu.memory_space<hbm>>
    %dma_wait3A_48 = arith.constant 0 : i32
    %dma_wait3A_49 = tpu.memref_slice %arg6[%mul3A_2, %dma_wait3A_48] : memref<160000x256xi32, #tpu.memory_space<hbm>> -> memref<40x256xi32, #tpu.memory_space<hbm>>
    tpu.wait_dma2 semaphore(%arg16 : memref<!tpu.dma_semaphore, #tpu.memory_space<semaphore_mem>>) src(%arg10 : memref<40x256xi32, #tpu.memory_space<vmem>>) dst(%dma_wait3A_49 : memref<40x256xi32, #tpu.memory_space<hbm>>)
    %dma_wait3A_50 = arith.constant 0 : i32
    %dma_wait3A_51 = tpu.memref_slice %arg7[%mul3A_2, %dma_wait3A_50] : memref<160000x256xi32, #tpu.memory_space<hbm>> -> memref<40x256xi32, #tpu.memory_space<hbm>>
    %dma_wait3A_52 = arith.constant 0 : i32
    %dma_wait3A_53 = tpu.memref_slice %arg7[%mul3A_2, %dma_wait3A_52] : memref<160000x256xi32, #tpu.memory_space<hbm>> -> memref<40x256xi32, #tpu.memory_space<hbm>>
    tpu.wait_dma2 semaphore(%arg16 : memref<!tpu.dma_semaphore, #tpu.memory_space<semaphore_mem>>) src(%arg11 : memref<40x256xi32, #tpu.memory_space<vmem>>) dst(%dma_wait3A_53 : memref<40x256xi32, #tpu.memory_space<hbm>>)
    return
  }
}

#map = affine_map<(d0, d1) -> (0, 0)>
#map1 = affine_map<(d0, d1) -> (0)>
module attributes {stable_mosaic.version = 14 : i64} {
  func.func @_gather_body(%arg0: i32, %arg1: i32, %arg2: memref<10000x256xi32, #tpu.memory_space<hbm>>, %arg3: memref<160000x256xi32, #tpu.memory_space<hbm>>, %arg4: memref<160000xi32, #tpu.memory_space<hbm>>, %arg5: memref<160000xi32, #tpu.memory_space<hbm>>, %arg6: memref<160000x256xi32, #tpu.memory_space<hbm>>, %arg7: memref<160000x256xi32, #tpu.memory_space<hbm>>, %arg8: memref<5000xi32, #tpu.memory_space<vmem>>, %arg9: memref<5000xi32, #tpu.memory_space<vmem>>, %arg10: memref<40x256xi32, #tpu.memory_space<vmem>>, %arg11: memref<40x256xi32, #tpu.memory_space<vmem>>, %arg12: memref<40x256xi32, #tpu.memory_space<vmem>>, %arg13: memref<40x256xi32, #tpu.memory_space<vmem>>, %arg14: memref<!tpu.dma_semaphore, #tpu.memory_space<semaphore_mem>>, %arg15: memref<!tpu.dma_semaphore, #tpu.memory_space<semaphore_mem>>, %arg16: memref<!tpu.dma_semaphore, #tpu.memory_space<semaphore_mem>>, %arg17: memref<!tpu.dma_semaphore, #tpu.memory_space<semaphore_mem>>) attributes {dimension_semantics = [#tpu.dimension_semantics<core_parallel>, #tpu.dimension_semantics<subcore_parallel>], iteration_bounds = array<i64: 2, 16>, scalar_prefetch = 0 : i64, scratch_operands = 10 : i64, tpu.core_type = #tpu.core_type<sc_vector_subcore>, window_params = [{transform_indices = #map}, {transform_indices = #map}, {transform_indices = #map1}, {transform_indices = #map1}, {transform_indices = #map}, {transform_indices = #map}]} {
    %mul3A = arith.constant 2 : i32
    %mul3A_0 = arith.muli %arg1, %mul3A : i32
    %add3A = arith.addi %mul3A_0, %arg0 : i32
    %mul3A_1 = arith.constant 5000 : i32
    %mul3A_2 = arith.muli %add3A, %mul3A_1 : i32
    "tpu.region"() ({
      %run_scoped3A = tpu.sem_alloc : memref<!tpu.dma_semaphore, #tpu.memory_space<semaphore_mem>>
      %dma_start3A_54 = tpu.memref_slice %arg4[%mul3A_2] : memref<160000xi32, #tpu.memory_space<hbm>> -> memref<5000xi32, #tpu.memory_space<hbm>>
      %dma_start3A_55 = tpu.memref_slice %arg4[%mul3A_2] : memref<160000xi32, #tpu.memory_space<hbm>> -> memref<5000xi32, #tpu.memory_space<hbm>>
      tpu.enqueue_dma source(%dma_start3A_55 : memref<5000xi32, #tpu.memory_space<hbm>>) target(%arg8 : memref<5000xi32, #tpu.memory_space<vmem>>) target_semaphore(%run_scoped3A : memref<!tpu.dma_semaphore, #tpu.memory_space<semaphore_mem>>)
      %dma_wait3A_56 = tpu.memref_slice %arg4[%mul3A_2] : memref<160000xi32, #tpu.memory_space<hbm>> -> memref<5000xi32, #tpu.memory_space<hbm>>
      %dma_wait3A_57 = tpu.memref_slice %arg4[%mul3A_2] : memref<160000xi32, #tpu.memory_space<hbm>> -> memref<5000xi32, #tpu.memory_space<hbm>>
      tpu.wait_dma2 semaphore(%run_scoped3A : memref<!tpu.dma_semaphore, #tpu.memory_space<semaphore_mem>>) src(%dma_wait3A_57 : memref<5000xi32, #tpu.memory_space<hbm>>) dst(%arg8 : memref<5000xi32, #tpu.memory_space<vmem>>)
      tpu.yield
    }) : () -> ()
    "tpu.region"() ({
      %run_scoped3A = tpu.sem_alloc : memref<!tpu.dma_semaphore, #tpu.memory_space<semaphore_mem>>
      %dma_start3A_54 = tpu.memref_slice %arg5[%mul3A_2] : memref<160000xi32, #tpu.memory_space<hbm>> -> memref<5000xi32, #tpu.memory_space<hbm>>
      %dma_start3A_55 = tpu.memref_slice %arg5[%mul3A_2] : memref<160000xi32, #tpu.memory_space<hbm>> -> memref<5000xi32, #tpu.memory_space<hbm>>
      tpu.enqueue_dma source(%dma_start3A_55 : memref<5000xi32, #tpu.memory_space<hbm>>) target(%arg9 : memref<5000xi32, #tpu.memory_space<vmem>>) target_semaphore(%run_scoped3A : memref<!tpu.dma_semaphore, #tpu.memory_space<semaphore_mem>>)
      %dma_wait3A_56 = tpu.memref_slice %arg5[%mul3A_2] : memref<160000xi32, #tpu.memory_space<hbm>> -> memref<5000xi32, #tpu.memory_space<hbm>>
      %dma_wait3A_57 = tpu.memref_slice %arg5[%mul3A_2] : memref<160000xi32, #tpu.memory_space<hbm>> -> memref<5000xi32, #tpu.memory_space<hbm>>
      tpu.wait_dma2 semaphore(%run_scoped3A : memref<!tpu.dma_semaphore, #tpu.memory_space<semaphore_mem>>) src(%dma_wait3A_57 : memref<5000xi32, #tpu.memory_space<hbm>>) dst(%arg9 : memref<5000xi32, #tpu.memory_space<vmem>>)
      tpu.yield
    }) : () -> ()
    %dma_start3A = arith.constant 0 : i32
    %dma_start3A_3 = tpu.memref_slice %arg8[%dma_start3A] : memref<5000xi32, #tpu.memory_space<vmem>> -> memref<40xi32, #tpu.memory_space<vmem>>
    %dma_start3A_4 = arith.constant 0 : i32
    %dma_start3A_5 = arith.constant 0 : i32
    %dma_start3A_6 = tpu.memref_slice %arg2[%dma_start3A_4, %dma_start3A_5] : memref<10000x256xi32, #tpu.memory_space<hbm>> -> memref<10000x256xi32, #tpu.memory_space<hbm>>
    tpu.enqueue_indirect_dma source(%dma_start3A_6 : memref<10000x256xi32, #tpu.memory_space<hbm>>) target(%arg10 : memref<40x256xi32, #tpu.memory_space<vmem>>) offsets(%dma_start3A_3 : memref<40xi32, #tpu.memory_space<vmem>>) semaphore(%arg14 : memref<!tpu.dma_semaphore, #tpu.memory_space<semaphore_mem>>)
    %dma_start3A_7 = arith.constant 0 : i32
    %dma_start3A_8 = tpu.memref_slice %arg9[%dma_start3A_7] : memref<5000xi32, #tpu.memory_space<vmem>> -> memref<40xi32, #tpu.memory_space<vmem>>
    %dma_start3A_9 = arith.constant 0 : i32
    %dma_start3A_10 = arith.constant 0 : i32
    %dma_start3A_11 = tpu.memref_slice %arg3[%dma_start3A_9, %dma_start3A_10] : memref<160000x256xi32, #tpu.memory_space<hbm>> -> memref<160000x256xi32, #tpu.memory_space<hbm>>
    tpu.enqueue_indirect_dma source(%dma_start3A_11 : memref<160000x256xi32, #tpu.memory_space<hbm>>) target(%arg11 : memref<40x256xi32, #tpu.memory_space<vmem>>) offsets(%dma_start3A_8 : memref<40xi32, #tpu.memory_space<vmem>>) semaphore(%arg14 : memref<!tpu.dma_semaphore, #tpu.memory_space<semaphore_mem>>)
    %scan3A = arith.constant 0 : i32
    %scan3A_12 = arith.constant 0 : i32
    %scan3A_13 = arith.constant 62 : i32
    %scan3A_14 = arith.addi %scan3A_12, %scan3A_13 : i32
    %scan3A_15 = arith.constant 1 : i32
    scf.for %scan3A_54 = %scan3A_12 to %scan3A_14 step %scan3A_15  : i32 {
      %gt3A = arith.constant 0 : i32
      %gt3A_55 = arith.cmpi sgt, %scan3A_54, %gt3A : i32
      %convert_element_type3A = arith.extui %gt3A_55 : i1 to i32
      %cond3A = arith.constant 0 : i32
      %cond3A_56 = arith.cmpi ne, %convert_element_type3A, %cond3A : i32
      scf.if %cond3A_56 {
        %dma_wait3A_143 = arith.constant 0 : i32
        %dma_wait3A_144 = tpu.memref_slice %arg6[%mul3A_2, %dma_wait3A_143] : memref<160000x256xi32, #tpu.memory_space<hbm>> -> memref<40x256xi32, #tpu.memory_space<hbm>>
        %dma_wait3A_145 = arith.constant 0 : i32
        %dma_wait3A_146 = tpu.memref_slice %arg6[%mul3A_2, %dma_wait3A_145] : memref<160000x256xi32, #tpu.memory_space<hbm>> -> memref<40x256xi32, #tpu.memory_space<hbm>>
        tpu.wait_dma2 semaphore(%arg17 : memref<!tpu.dma_semaphore, #tpu.memory_space<semaphore_mem>>) src(%arg12 : memref<40x256xi32, #tpu.memory_space<vmem>>) dst(%dma_wait3A_146 : memref<40x256xi32, #tpu.memory_space<hbm>>)
        %dma_wait3A_147 = arith.constant 0 : i32
        %dma_wait3A_148 = tpu.memref_slice %arg7[%mul3A_2, %dma_wait3A_147] : memref<160000x256xi32, #tpu.memory_space<hbm>> -> memref<40x256xi32, #tpu.memory_space<hbm>>
        %dma_wait3A_149 = arith.constant 0 : i32
        %dma_wait3A_150 = tpu.memref_slice %arg7[%mul3A_2, %dma_wait3A_149] : memref<160000x256xi32, #tpu.memory_space<hbm>> -> memref<40x256xi32, #tpu.memory_space<hbm>>
        tpu.wait_dma2 semaphore(%arg17 : memref<!tpu.dma_semaphore, #tpu.memory_space<semaphore_mem>>) src(%arg13 : memref<40x256xi32, #tpu.memory_space<vmem>>) dst(%dma_wait3A_150 : memref<40x256xi32, #tpu.memory_space<hbm>>)
      } else {
      }
      %mul3A_57 = arith.constant 2 : i32
      %mul3A_58 = arith.muli %mul3A_57, %scan3A_54 : i32
      %add3A_59 = arith.constant 1 : i32
      %add3A_60 = arith.addi %mul3A_58, %add3A_59 : i32
      %mul3A_61 = arith.constant 40 : i32
      %mul3A_62 = arith.muli %add3A_60, %mul3A_61 : i32
      %dma_start3A_63 = tpu.memref_slice %arg8[%mul3A_62] : memref<5000xi32, #tpu.memory_space<vmem>> -> memref<40xi32, #tpu.memory_space<vmem>>
      %dma_start3A_64 = arith.constant 0 : i32
      %dma_start3A_65 = arith.constant 0 : i32
      %dma_start3A_66 = tpu.memref_slice %arg2[%dma_start3A_64, %dma_start3A_65] : memref<10000x256xi32, #tpu.memory_space<hbm>> -> memref<10000x256xi32, #tpu.memory_space<hbm>>
      tpu.enqueue_indirect_dma source(%dma_start3A_66 : memref<10000x256xi32, #tpu.memory_space<hbm>>) target(%arg12 : memref<40x256xi32, #tpu.memory_space<vmem>>) offsets(%dma_start3A_63 : memref<40xi32, #tpu.memory_space<vmem>>) semaphore(%arg15 : memref<!tpu.dma_semaphore, #tpu.memory_space<semaphore_mem>>)
      %dma_start3A_67 = tpu.memref_slice %arg9[%mul3A_62] : memref<5000xi32, #tpu.memory_space<vmem>> -> memref<40xi32, #tpu.memory_space<vmem>>
      %dma_start3A_68 = arith.constant 0 : i32
      %dma_start3A_69 = arith.constant 0 : i32
      %dma_start3A_70 = tpu.memref_slice %arg3[%dma_start3A_68, %dma_start3A_69] : memref<160000x256xi32, #tpu.memory_space<hbm>> -> memref<160000x256xi32, #tpu.memory_space<hbm>>
      tpu.enqueue_indirect_dma source(%dma_start3A_70 : memref<160000x256xi32, #tpu.memory_space<hbm>>) target(%arg13 : memref<40x256xi32, #tpu.memory_space<vmem>>) offsets(%dma_start3A_67 : memref<40xi32, #tpu.memory_space<vmem>>) semaphore(%arg15 : memref<!tpu.dma_semaphore, #tpu.memory_space<semaphore_mem>>)
      %dma_wait3A_71 = arith.constant 0 : i32
      %dma_wait3A_72 = tpu.memref_slice %arg8[%dma_wait3A_71] : memref<5000xi32, #tpu.memory_space<vmem>> -> memref<40xi32, #tpu.memory_space<vmem>>
      %dma_wait3A_73 = arith.constant 0 : i32
      %dma_wait3A_74 = arith.constant 0 : i32
      %dma_wait3A_75 = tpu.memref_slice %arg2[%dma_wait3A_73, %dma_wait3A_74] : memref<10000x256xi32, #tpu.memory_space<hbm>> -> memref<10000x256xi32, #tpu.memory_space<hbm>>
      tpu.wait_indirect_dma semaphore(%arg14 : memref<!tpu.dma_semaphore, #tpu.memory_space<semaphore_mem>>) src(%dma_wait3A_75 : memref<10000x256xi32, #tpu.memory_space<hbm>>) dst(%arg10 : memref<40x256xi32, #tpu.memory_space<vmem>>)
      %dma_wait3A_76 = arith.constant 0 : i32
      %dma_wait3A_77 = tpu.memref_slice %arg9[%dma_wait3A_76] : memref<5000xi32, #tpu.memory_space<vmem>> -> memref<40xi32, #tpu.memory_space<vmem>>
      %dma_wait3A_78 = arith.constant 0 : i32
      %dma_wait3A_79 = arith.constant 0 : i32
      %dma_wait3A_80 = tpu.memref_slice %arg3[%dma_wait3A_78, %dma_wait3A_79] : memref<160000x256xi32, #tpu.memory_space<hbm>> -> memref<160000x256xi32, #tpu.memory_space<hbm>>
      tpu.wait_indirect_dma semaphore(%arg14 : memref<!tpu.dma_semaphore, #tpu.memory_space<semaphore_mem>>) src(%dma_wait3A_80 : memref<160000x256xi32, #tpu.memory_space<hbm>>) dst(%arg11 : memref<40x256xi32, #tpu.memory_space<vmem>>)
      %mul3A_81 = arith.constant 2 : i32
      %mul3A_82 = arith.muli %mul3A_81, %scan3A_54 : i32
      %mul3A_83 = arith.constant 40 : i32
      %mul3A_84 = arith.muli %mul3A_82, %mul3A_83 : i32
      %add3A_85 = arith.addi %mul3A_2, %mul3A_84 : i32
      %dma_start3A_86 = arith.constant 0 : i32
      %dma_start3A_87 = tpu.memref_slice %arg6[%add3A_85, %dma_start3A_86] : memref<160000x256xi32, #tpu.memory_space<hbm>> -> memref<40x256xi32, #tpu.memory_space<hbm>>
      %dma_start3A_88 = arith.constant 0 : i32
      %dma_start3A_89 = tpu.memref_slice %arg6[%add3A_85, %dma_start3A_88] : memref<160000x256xi32, #tpu.memory_space<hbm>> -> memref<40x256xi32, #tpu.memory_space<hbm>>
      tpu.enqueue_dma source(%arg10 : memref<40x256xi32, #tpu.memory_space<vmem>>) target(%dma_start3A_89 : memref<40x256xi32, #tpu.memory_space<hbm>>) target_semaphore(%arg16 : memref<!tpu.dma_semaphore, #tpu.memory_space<semaphore_mem>>)
      %add3A_90 = arith.addi %mul3A_2, %mul3A_84 : i32
      %dma_start3A_91 = arith.constant 0 : i32
      %dma_start3A_92 = tpu.memref_slice %arg7[%add3A_90, %dma_start3A_91] : memref<160000x256xi32, #tpu.memory_space<hbm>> -> memref<40x256xi32, #tpu.memory_space<hbm>>
      %dma_start3A_93 = arith.constant 0 : i32
      %dma_start3A_94 = tpu.memref_slice %arg7[%add3A_90, %dma_start3A_93] : memref<160000x256xi32, #tpu.memory_space<hbm>> -> memref<40x256xi32, #tpu.memory_space<hbm>>
      tpu.enqueue_dma source(%arg11 : memref<40x256xi32, #tpu.memory_space<vmem>>) target(%dma_start3A_94 : memref<40x256xi32, #tpu.memory_space<hbm>>) target_semaphore(%arg16 : memref<!tpu.dma_semaphore, #tpu.memory_space<semaphore_mem>>)
      %dma_wait3A_95 = arith.constant 0 : i32
      %dma_wait3A_96 = tpu.memref_slice %arg6[%mul3A_2, %dma_wait3A_95] : memref<160000x256xi32, #tpu.memory_space<hbm>> -> memref<40x256xi32, #tpu.memory_space<hbm>>
      %dma_wait3A_97 = arith.constant 0 : i32
      %dma_wait3A_98 = tpu.memref_slice %arg6[%mul3A_2, %dma_wait3A_97] : memref<160000x256xi32, #tpu.memory_space<hbm>> -> memref<40x256xi32, #tpu.memory_space<hbm>>
      tpu.wait_dma2 semaphore(%arg16 : memref<!tpu.dma_semaphore, #tpu.memory_space<semaphore_mem>>) src(%arg10 : memref<40x256xi32, #tpu.memory_space<vmem>>) dst(%dma_wait3A_98 : memref<40x256xi32, #tpu.memory_space<hbm>>)
      %dma_wait3A_99 = arith.constant 0 : i32
      %dma_wait3A_100 = tpu.memref_slice %arg7[%mul3A_2, %dma_wait3A_99] : memref<160000x256xi32, #tpu.memory_space<hbm>> -> memref<40x256xi32, #tpu.memory_space<hbm>>
      %dma_wait3A_101 = arith.constant 0 : i32
      %dma_wait3A_102 = tpu.memref_slice %arg7[%mul3A_2, %dma_wait3A_101] : memref<160000x256xi32, #tpu.memory_space<hbm>> -> memref<40x256xi32, #tpu.memory_space<hbm>>
      tpu.wait_dma2 semaphore(%arg16 : memref<!tpu.dma_semaphore, #tpu.memory_space<semaphore_mem>>) src(%arg11 : memref<40x256xi32, #tpu.memory_space<vmem>>) dst(%dma_wait3A_102 : memref<40x256xi32, #tpu.memory_space<hbm>>)
      %mul3A_103 = arith.constant 2 : i32
      %mul3A_104 = arith.muli %mul3A_103, %scan3A_54 : i32
      %add3A_105 = arith.constant 2 : i32
      %add3A_106 = arith.addi %mul3A_104, %add3A_105 : i32
      %mul3A_107 = arith.constant 40 : i32
      %mul3A_108 = arith.muli %add3A_106, %mul3A_107 : i32
      %dma_start3A_109 = tpu.memref_slice %arg8[%mul3A_108] : memref<5000xi32, #tpu.memory_space<vmem>> -> memref<40xi32, #tpu.memory_space<vmem>>
      %dma_start3A_110 = arith.constant 0 : i32
      %dma_start3A_111 = arith.constant 0 : i32
      %dma_start3A_112 = tpu.memref_slice %arg2[%dma_start3A_110, %dma_start3A_111] : memref<10000x256xi32, #tpu.memory_space<hbm>> -> memref<10000x256xi32, #tpu.memory_space<hbm>>
      tpu.enqueue_indirect_dma source(%dma_start3A_112 : memref<10000x256xi32, #tpu.memory_space<hbm>>) target(%arg10 : memref<40x256xi32, #tpu.memory_space<vmem>>) offsets(%dma_start3A_109 : memref<40xi32, #tpu.memory_space<vmem>>) semaphore(%arg14 : memref<!tpu.dma_semaphore, #tpu.memory_space<semaphore_mem>>)
      %dma_start3A_113 = tpu.memref_slice %arg9[%mul3A_108] : memref<5000xi32, #tpu.memory_space<vmem>> -> memref<40xi32, #tpu.memory_space<vmem>>
      %dma_start3A_114 = arith.constant 0 : i32
      %dma_start3A_115 = arith.constant 0 : i32
      %dma_start3A_116 = tpu.memref_slice %arg3[%dma_start3A_114, %dma_start3A_115] : memref<160000x256xi32, #tpu.memory_space<hbm>> -> memref<160000x256xi32, #tpu.memory_space<hbm>>
      tpu.enqueue_indirect_dma source(%dma_start3A_116 : memref<160000x256xi32, #tpu.memory_space<hbm>>) target(%arg11 : memref<40x256xi32, #tpu.memory_space<vmem>>) offsets(%dma_start3A_113 : memref<40xi32, #tpu.memory_space<vmem>>) semaphore(%arg14 : memref<!tpu.dma_semaphore, #tpu.memory_space<semaphore_mem>>)
      %dma_wait3A_117 = arith.constant 0 : i32
      %dma_wait3A_118 = tpu.memref_slice %arg8[%dma_wait3A_117] : memref<5000xi32, #tpu.memory_space<vmem>> -> memref<40xi32, #tpu.memory_space<vmem>>
      %dma_wait3A_119 = arith.constant 0 : i32
      %dma_wait3A_120 = arith.constant 0 : i32
      %dma_wait3A_121 = tpu.memref_slice %arg2[%dma_wait3A_119, %dma_wait3A_120] : memref<10000x256xi32, #tpu.memory_space<hbm>> -> memref<10000x256xi32, #tpu.memory_space<hbm>>
      tpu.wait_indirect_dma semaphore(%arg15 : memref<!tpu.dma_semaphore, #tpu.memory_space<semaphore_mem>>) src(%dma_wait3A_121 : memref<10000x256xi32, #tpu.memory_space<hbm>>) dst(%arg12 : memref<40x256xi32, #tpu.memory_space<vmem>>)
      %dma_wait3A_122 = arith.constant 0 : i32
      %dma_wait3A_123 = tpu.memref_slice %arg9[%dma_wait3A_122] : memref<5000xi32, #tpu.memory_space<vmem>> -> memref<40xi32, #tpu.memory_space<vmem>>
      %dma_wait3A_124 = arith.constant 0 : i32
      %dma_wait3A_125 = arith.constant 0 : i32
      %dma_wait3A_126 = tpu.memref_slice %arg3[%dma_wait3A_124, %dma_wait3A_125] : memref<160000x256xi32, #tpu.memory_space<hbm>> -> memref<160000x256xi32, #tpu.memory_space<hbm>>
      tpu.wait_indirect_dma semaphore(%arg15 : memref<!tpu.dma_semaphore, #tpu.memory_space<semaphore_mem>>) src(%dma_wait3A_126 : memref<160000x256xi32, #tpu.memory_space<hbm>>) dst(%arg13 : memref<40x256xi32, #tpu.memory_space<vmem>>)
      %mul3A_127 = arith.constant 2 : i32
      %mul3A_128 = arith.muli %mul3A_127, %scan3A_54 : i32
      %add3A_129 = arith.constant 1 : i32
      %add3A_130 = arith.addi %mul3A_128, %add3A_129 : i32
      %mul3A_131 = arith.constant 40 : i32
      %mul3A_132 = arith.muli %add3A_130, %mul3A_131 : i32
      %add3A_133 = arith.addi %mul3A_2, %mul3A_132 : i32
      %dma_start3A_134 = arith.constant 0 : i32
      %dma_start3A_135 = tpu.memref_slice %arg6[%add3A_133, %dma_start3A_134] : memref<160000x256xi32, #tpu.memory_space<hbm>> -> memref<40x256xi32, #tpu.memory_space<hbm>>
      %dma_start3A_136 = arith.constant 0 : i32
      %dma_start3A_137 = tpu.memref_slice %arg6[%add3A_133, %dma_start3A_136] : memref<160000x256xi32, #tpu.memory_space<hbm>> -> memref<40x256xi32, #tpu.memory_space<hbm>>
      tpu.enqueue_dma source(%arg12 : memref<40x256xi32, #tpu.memory_space<vmem>>) target(%dma_start3A_137 : memref<40x256xi32, #tpu.memory_space<hbm>>) target_semaphore(%arg17 : memref<!tpu.dma_semaphore, #tpu.memory_space<semaphore_mem>>)
      %add3A_138 = arith.addi %mul3A_2, %mul3A_132 : i32
      %dma_start3A_139 = arith.constant 0 : i32
      %dma_start3A_140 = tpu.memref_slice %arg7[%add3A_138, %dma_start3A_139] : memref<160000x256xi32, #tpu.memory_space<hbm>> -> memref<40x256xi32, #tpu.memory_space<hbm>>
      %dma_start3A_141 = arith.constant 0 : i32
      %dma_start3A_142 = tpu.memref_slice %arg7[%add3A_138, %dma_start3A_141] : memref<160000x256xi32, #tpu.memory_space<hbm>> -> memref<40x256xi32, #tpu.memory_space<hbm>>
      tpu.enqueue_dma source(%arg13 : memref<40x256xi32, #tpu.memory_space<vmem>>) target(%dma_start3A_142 : memref<40x256xi32, #tpu.memory_space<hbm>>) target_semaphore(%arg17 : memref<!tpu.dma_semaphore, #tpu.memory_space<semaphore_mem>>)
    }
    %scan3A_16 = arith.constant 62 : i32
    %dma_wait3A = arith.constant 0 : i32
    %dma_wait3A_17 = tpu.memref_slice %arg8[%dma_wait3A] : memref<5000xi32, #tpu.memory_space<vmem>> -> memref<40xi32, #tpu.memory_space<vmem>>
    %dma_wait3A_18 = arith.constant 0 : i32
    %dma_wait3A_19 = arith.constant 0 : i32
    %dma_wait3A_20 = tpu.memref_slice %arg2[%dma_wait3A_18, %dma_wait3A_19] : memref<10000x256xi32, #tpu.memory_space<hbm>> -> memref<10000x256xi32, #tpu.memory_space<hbm>>
    tpu.wait_indirect_dma semaphore(%arg14 : memref<!tpu.dma_semaphore, #tpu.memory_space<semaphore_mem>>) src(%dma_wait3A_20 : memref<10000x256xi32, #tpu.memory_space<hbm>>) dst(%arg10 : memref<40x256xi32, #tpu.memory_space<vmem>>)
    %dma_wait3A_21 = arith.constant 0 : i32
    %dma_wait3A_22 = tpu.memref_slice %arg9[%dma_wait3A_21] : memref<5000xi32, #tpu.memory_space<vmem>> -> memref<40xi32, #tpu.memory_space<vmem>>
    %dma_wait3A_23 = arith.constant 0 : i32
    %dma_wait3A_24 = arith.constant 0 : i32
    %dma_wait3A_25 = tpu.memref_slice %arg3[%dma_wait3A_23, %dma_wait3A_24] : memref<160000x256xi32, #tpu.memory_space<hbm>> -> memref<160000x256xi32, #tpu.memory_space<hbm>>
    tpu.wait_indirect_dma semaphore(%arg14 : memref<!tpu.dma_semaphore, #tpu.memory_space<semaphore_mem>>) src(%dma_wait3A_25 : memref<160000x256xi32, #tpu.memory_space<hbm>>) dst(%arg11 : memref<40x256xi32, #tpu.memory_space<vmem>>)
    %add3A_26 = arith.constant 4960 : i32
    %add3A_27 = arith.addi %mul3A_2, %add3A_26 : i32
    %dma_start3A_28 = arith.constant 0 : i32
    %dma_start3A_29 = tpu.memref_slice %arg6[%add3A_27, %dma_start3A_28] : memref<160000x256xi32, #tpu.memory_space<hbm>> -> memref<40x256xi32, #tpu.memory_space<hbm>>
    %dma_start3A_30 = arith.constant 0 : i32
    %dma_start3A_31 = tpu.memref_slice %arg6[%add3A_27, %dma_start3A_30] : memref<160000x256xi32, #tpu.memory_space<hbm>> -> memref<40x256xi32, #tpu.memory_space<hbm>>
    tpu.enqueue_dma source(%arg10 : memref<40x256xi32, #tpu.memory_space<vmem>>) target(%dma_start3A_31 : memref<40x256xi32, #tpu.memory_space<hbm>>) target_semaphore(%arg16 : memref<!tpu.dma_semaphore, #tpu.memory_space<semaphore_mem>>)
    %add3A_32 = arith.constant 4960 : i32
    %add3A_33 = arith.addi %mul3A_2, %add3A_32 : i32
    %dma_start3A_34 = arith.constant 0 : i32
    %dma_start3A_35 = tpu.memref_slice %arg7[%add3A_33, %dma_start3A_34] : memref<160000x256xi32, #tpu.memory_space<hbm>> -> memref<40x256xi32, #tpu.memory_space<hbm>>
    %dma_start3A_36 = arith.constant 0 : i32
    %dma_start3A_37 = tpu.memref_slice %arg7[%add3A_33, %dma_start3A_36] : memref<160000x256xi32, #tpu.memory_space<hbm>> -> memref<40x256xi32, #tpu.memory_space<hbm>>
    tpu.enqueue_dma source(%arg11 : memref<40x256xi32, #tpu.memory_space<vmem>>) target(%dma_start3A_37 : memref<40x256xi32, #tpu.memory_space<hbm>>) target_semaphore(%arg16 : memref<!tpu.dma_semaphore, #tpu.memory_space<semaphore_mem>>)
    %dma_wait3A_38 = arith.constant 0 : i32
    %dma_wait3A_39 = tpu.memref_slice %arg6[%mul3A_2, %dma_wait3A_38] : memref<160000x256xi32, #tpu.memory_space<hbm>> -> memref<40x256xi32, #tpu.memory_space<hbm>>
    %dma_wait3A_40 = arith.constant 0 : i32
    %dma_wait3A_41 = tpu.memref_slice %arg6[%mul3A_2, %dma_wait3A_40] : memref<160000x256xi32, #tpu.memory_space<hbm>> -> memref<40x256xi32, #tpu.memory_space<hbm>>
    tpu.wait_dma2 semaphore(%arg17 : memref<!tpu.dma_semaphore, #tpu.memory_space<semaphore_mem>>) src(%arg12 : memref<40x256xi32, #tpu.memory_space<vmem>>) dst(%dma_wait3A_41 : memref<40x256xi32, #tpu.memory_space<hbm>>)
    %dma_wait3A_42 = arith.constant 0 : i32
    %dma_wait3A_43 = tpu.memref_slice %arg7[%mul3A_2, %dma_wait3A_42] : memref<160000x256xi32, #tpu.memory_space<hbm>> -> memref<40x256xi32, #tpu.memory_space<hbm>>
    %dma_wait3A_44 = arith.constant 0 : i32
    %dma_wait3A_45 = tpu.memref_slice %arg7[%mul3A_2, %dma_wait3A_44] : memref<160000x256xi32, #tpu.memory_space<hbm>> -> memref<40x256xi32, #tpu.memory_space<hbm>>
    tpu.wait_dma2 semaphore(%arg17 : memref<!tpu.dma_semaphore, #tpu.memory_space<semaphore_mem>>) src(%arg13 : memref<40x256xi32, #tpu.memory_space<vmem>>) dst(%dma_wait3A_45 : memref<40x256xi32, #tpu.memory_space<hbm>>)
    %dma_wait3A_46 = arith.constant 0 : i32
    %dma_wait3A_47 = tpu.memref_slice %arg6[%mul3A_2, %dma_wait3A_46] : memref<160000x256xi32, #tpu.memory_space<hbm>> -> memref<40x256xi32, #tpu.memory_space<hbm>>
    %dma_wait3A_48 = arith.constant 0 : i32
    %dma_wait3A_49 = tpu.memref_slice %arg6[%mul3A_2, %dma_wait3A_48] : memref<160000x256xi32, #tpu.memory_space<hbm>> -> memref<40x256xi32, #tpu.memory_space<hbm>>
    tpu.wait_dma2 semaphore(%arg16 : memref<!tpu.dma_semaphore, #tpu.memory_space<semaphore_mem>>) src(%arg10 : memref<40x256xi32, #tpu.memory_space<vmem>>) dst(%dma_wait3A_49 : memref<40x256xi32, #tpu.memory_space<hbm>>)
    %dma_wait3A_50 = arith.constant 0 : i32
    %dma_wait3A_51 = tpu.memref_slice %arg7[%mul3A_2, %dma_wait3A_50] : memref<160000x256xi32, #tpu.memory_space<hbm>> -> memref<40x256xi32, #tpu.memory_space<hbm>>
    %dma_wait3A_52 = arith.constant 0 : i32
    %dma_wait3A_53 = tpu.memref_slice %arg7[%mul3A_2, %dma_wait3A_52] : memref<160000x256xi32, #tpu.memory_space<hbm>> -> memref<40x256xi32, #tpu.memory_space<hbm>>
    tpu.wait_dma2 semaphore(%arg16 : memref<!tpu.dma_semaphore, #tpu.memory_space<semaphore_mem>>) src(%arg11 : memref<40x256xi32, #tpu.memory_space<vmem>>) dst(%dma_wait3A_53 : memref<40x256xi32, #tpu.memory_space<hbm>>)
    return
  }
}

#map = affine_map<(d0, d1) -> (0, 0)>
#map1 = affine_map<(d0, d1) -> (0)>
module attributes {stable_mosaic.version = 14 : i64} {
  func.func @_gather_body(%arg0: i32, %arg1: i32, %arg2: memref<10000x256xi32, #tpu.memory_space<hbm>>, %arg3: memref<160000x256xi32, #tpu.memory_space<hbm>>, %arg4: memref<160000xi32, #tpu.memory_space<hbm>>, %arg5: memref<160000xi32, #tpu.memory_space<hbm>>, %arg6: memref<160000x256xi32, #tpu.memory_space<hbm>>, %arg7: memref<160000x256xi32, #tpu.memory_space<hbm>>, %arg8: memref<5000xi32, #tpu.memory_space<vmem>>, %arg9: memref<5000xi32, #tpu.memory_space<vmem>>, %arg10: memref<40x256xi32, #tpu.memory_space<vmem>>, %arg11: memref<40x256xi32, #tpu.memory_space<vmem>>, %arg12: memref<40x256xi32, #tpu.memory_space<vmem>>, %arg13: memref<40x256xi32, #tpu.memory_space<vmem>>, %arg14: memref<!tpu.dma_semaphore, #tpu.memory_space<semaphore_mem>>, %arg15: memref<!tpu.dma_semaphore, #tpu.memory_space<semaphore_mem>>, %arg16: memref<!tpu.dma_semaphore, #tpu.memory_space<semaphore_mem>>, %arg17: memref<!tpu.dma_semaphore, #tpu.memory_space<semaphore_mem>>) attributes {dimension_semantics = [#tpu.dimension_semantics<core_parallel>, #tpu.dimension_semantics<subcore_parallel>], iteration_bounds = array<i64: 2, 16>, scalar_prefetch = 0 : i64, scratch_operands = 10 : i64, tpu.core_type = #tpu.core_type<sc_vector_subcore>, window_params = [{transform_indices = #map}, {transform_indices = #map}, {transform_indices = #map1}, {transform_indices = #map1}, {transform_indices = #map}, {transform_indices = #map}]} {
    %mul3A = arith.constant 2 : i32
    %mul3A_0 = arith.muli %arg1, %mul3A : i32
    %add3A = arith.addi %mul3A_0, %arg0 : i32
    %mul3A_1 = arith.constant 5000 : i32
    %mul3A_2 = arith.muli %add3A, %mul3A_1 : i32
    "tpu.region"() ({
      %run_scoped3A = tpu.sem_alloc : memref<!tpu.dma_semaphore, #tpu.memory_space<semaphore_mem>>
      %dma_start3A_54 = tpu.memref_slice %arg4[%mul3A_2] : memref<160000xi32, #tpu.memory_space<hbm>> -> memref<5000xi32, #tpu.memory_space<hbm>>
      %dma_start3A_55 = tpu.memref_slice %arg4[%mul3A_2] : memref<160000xi32, #tpu.memory_space<hbm>> -> memref<5000xi32, #tpu.memory_space<hbm>>
      tpu.enqueue_dma source(%dma_start3A_55 : memref<5000xi32, #tpu.memory_space<hbm>>) target(%arg8 : memref<5000xi32, #tpu.memory_space<vmem>>) target_semaphore(%run_scoped3A : memref<!tpu.dma_semaphore, #tpu.memory_space<semaphore_mem>>)
      %dma_wait3A_56 = tpu.memref_slice %arg4[%mul3A_2] : memref<160000xi32, #tpu.memory_space<hbm>> -> memref<5000xi32, #tpu.memory_space<hbm>>
      %dma_wait3A_57 = tpu.memref_slice %arg4[%mul3A_2] : memref<160000xi32, #tpu.memory_space<hbm>> -> memref<5000xi32, #tpu.memory_space<hbm>>
      tpu.wait_dma2 semaphore(%run_scoped3A : memref<!tpu.dma_semaphore, #tpu.memory_space<semaphore_mem>>) src(%dma_wait3A_57 : memref<5000xi32, #tpu.memory_space<hbm>>) dst(%arg8 : memref<5000xi32, #tpu.memory_space<vmem>>)
      tpu.yield
    }) : () -> ()
    "tpu.region"() ({
      %run_scoped3A = tpu.sem_alloc : memref<!tpu.dma_semaphore, #tpu.memory_space<semaphore_mem>>
      %dma_start3A_54 = tpu.memref_slice %arg5[%mul3A_2] : memref<160000xi32, #tpu.memory_space<hbm>> -> memref<5000xi32, #tpu.memory_space<hbm>>
      %dma_start3A_55 = tpu.memref_slice %arg5[%mul3A_2] : memref<160000xi32, #tpu.memory_space<hbm>> -> memref<5000xi32, #tpu.memory_space<hbm>>
      tpu.enqueue_dma source(%dma_start3A_55 : memref<5000xi32, #tpu.memory_space<hbm>>) target(%arg9 : memref<5000xi32, #tpu.memory_space<vmem>>) target_semaphore(%run_scoped3A : memref<!tpu.dma_semaphore, #tpu.memory_space<semaphore_mem>>)
      %dma_wait3A_56 = tpu.memref_slice %arg5[%mul3A_2] : memref<160000xi32, #tpu.memory_space<hbm>> -> memref<5000xi32, #tpu.memory_space<hbm>>
      %dma_wait3A_57 = tpu.memref_slice %arg5[%mul3A_2] : memref<160000xi32, #tpu.memory_space<hbm>> -> memref<5000xi32, #tpu.memory_space<hbm>>
      tpu.wait_dma2 semaphore(%run_scoped3A : memref<!tpu.dma_semaphore, #tpu.memory_space<semaphore_mem>>) src(%dma_wait3A_57 : memref<5000xi32, #tpu.memory_space<hbm>>) dst(%arg9 : memref<5000xi32, #tpu.memory_space<vmem>>)
      tpu.yield
    }) : () -> ()
    %dma_start3A = arith.constant 0 : i32
    %dma_start3A_3 = tpu.memref_slice %arg8[%dma_start3A] : memref<5000xi32, #tpu.memory_space<vmem>> -> memref<40xi32, #tpu.memory_space<vmem>>
    %dma_start3A_4 = arith.constant 0 : i32
    %dma_start3A_5 = arith.constant 0 : i32
    %dma_start3A_6 = tpu.memref_slice %arg2[%dma_start3A_4, %dma_start3A_5] : memref<10000x256xi32, #tpu.memory_space<hbm>> -> memref<10000x256xi32, #tpu.memory_space<hbm>>
    tpu.enqueue_indirect_dma source(%dma_start3A_6 : memref<10000x256xi32, #tpu.memory_space<hbm>>) target(%arg10 : memref<40x256xi32, #tpu.memory_space<vmem>>) offsets(%dma_start3A_3 : memref<40xi32, #tpu.memory_space<vmem>>) semaphore(%arg14 : memref<!tpu.dma_semaphore, #tpu.memory_space<semaphore_mem>>)
    %dma_start3A_7 = arith.constant 0 : i32
    %dma_start3A_8 = tpu.memref_slice %arg9[%dma_start3A_7] : memref<5000xi32, #tpu.memory_space<vmem>> -> memref<40xi32, #tpu.memory_space<vmem>>
    %dma_start3A_9 = arith.constant 0 : i32
    %dma_start3A_10 = arith.constant 0 : i32
    %dma_start3A_11 = tpu.memref_slice %arg3[%dma_start3A_9, %dma_start3A_10] : memref<160000x256xi32, #tpu.memory_space<hbm>> -> memref<160000x256xi32, #tpu.memory_space<hbm>>
    tpu.enqueue_indirect_dma source(%dma_start3A_11 : memref<160000x256xi32, #tpu.memory_space<hbm>>) target(%arg11 : memref<40x256xi32, #tpu.memory_space<vmem>>) offsets(%dma_start3A_8 : memref<40xi32, #tpu.memory_space<vmem>>) semaphore(%arg14 : memref<!tpu.dma_semaphore, #tpu.memory_space<semaphore_mem>>)
    %scan3A = arith.constant 0 : i32
    %scan3A_12 = arith.constant 0 : i32
    %scan3A_13 = arith.constant 62 : i32
    %scan3A_14 = arith.addi %scan3A_12, %scan3A_13 : i32
    %scan3A_15 = arith.constant 1 : i32
    scf.for %scan3A_54 = %scan3A_12 to %scan3A_14 step %scan3A_15  : i32 {
      %gt3A = arith.constant 0 : i32
      %gt3A_55 = arith.cmpi sgt, %scan3A_54, %gt3A : i32
      %convert_element_type3A = arith.extui %gt3A_55 : i1 to i32
      %cond3A = arith.constant 0 : i32
      %cond3A_56 = arith.cmpi ne, %convert_element_type3A, %cond3A : i32
      scf.if %cond3A_56 {
        %dma_wait3A_143 = arith.constant 0 : i32
        %dma_wait3A_144 = tpu.memref_slice %arg6[%mul3A_2, %dma_wait3A_143] : memref<160000x256xi32, #tpu.memory_space<hbm>> -> memref<40x256xi32, #tpu.memory_space<hbm>>
        %dma_wait3A_145 = arith.constant 0 : i32
        %dma_wait3A_146 = tpu.memref_slice %arg6[%mul3A_2, %dma_wait3A_145] : memref<160000x256xi32, #tpu.memory_space<hbm>> -> memref<40x256xi32, #tpu.memory_space<hbm>>
        tpu.wait_dma2 semaphore(%arg17 : memref<!tpu.dma_semaphore, #tpu.memory_space<semaphore_mem>>) src(%arg12 : memref<40x256xi32, #tpu.memory_space<vmem>>) dst(%dma_wait3A_146 : memref<40x256xi32, #tpu.memory_space<hbm>>)
        %dma_wait3A_147 = arith.constant 0 : i32
        %dma_wait3A_148 = tpu.memref_slice %arg7[%mul3A_2, %dma_wait3A_147] : memref<160000x256xi32, #tpu.memory_space<hbm>> -> memref<40x256xi32, #tpu.memory_space<hbm>>
        %dma_wait3A_149 = arith.constant 0 : i32
        %dma_wait3A_150 = tpu.memref_slice %arg7[%mul3A_2, %dma_wait3A_149] : memref<160000x256xi32, #tpu.memory_space<hbm>> -> memref<40x256xi32, #tpu.memory_space<hbm>>
        tpu.wait_dma2 semaphore(%arg17 : memref<!tpu.dma_semaphore, #tpu.memory_space<semaphore_mem>>) src(%arg13 : memref<40x256xi32, #tpu.memory_space<vmem>>) dst(%dma_wait3A_150 : memref<40x256xi32, #tpu.memory_space<hbm>>)
      } else {
      }
      %mul3A_57 = arith.constant 2 : i32
      %mul3A_58 = arith.muli %mul3A_57, %scan3A_54 : i32
      %add3A_59 = arith.constant 1 : i32
      %add3A_60 = arith.addi %mul3A_58, %add3A_59 : i32
      %mul3A_61 = arith.constant 40 : i32
      %mul3A_62 = arith.muli %add3A_60, %mul3A_61 : i32
      %dma_start3A_63 = tpu.memref_slice %arg8[%mul3A_62] : memref<5000xi32, #tpu.memory_space<vmem>> -> memref<40xi32, #tpu.memory_space<vmem>>
      %dma_start3A_64 = arith.constant 0 : i32
      %dma_start3A_65 = arith.constant 0 : i32
      %dma_start3A_66 = tpu.memref_slice %arg2[%dma_start3A_64, %dma_start3A_65] : memref<10000x256xi32, #tpu.memory_space<hbm>> -> memref<10000x256xi32, #tpu.memory_space<hbm>>
      tpu.enqueue_indirect_dma source(%dma_start3A_66 : memref<10000x256xi32, #tpu.memory_space<hbm>>) target(%arg12 : memref<40x256xi32, #tpu.memory_space<vmem>>) offsets(%dma_start3A_63 : memref<40xi32, #tpu.memory_space<vmem>>) semaphore(%arg15 : memref<!tpu.dma_semaphore, #tpu.memory_space<semaphore_mem>>)
      %dma_start3A_67 = tpu.memref_slice %arg9[%mul3A_62] : memref<5000xi32, #tpu.memory_space<vmem>> -> memref<40xi32, #tpu.memory_space<vmem>>
      %dma_start3A_68 = arith.constant 0 : i32
      %dma_start3A_69 = arith.constant 0 : i32
      %dma_start3A_70 = tpu.memref_slice %arg3[%dma_start3A_68, %dma_start3A_69] : memref<160000x256xi32, #tpu.memory_space<hbm>> -> memref<160000x256xi32, #tpu.memory_space<hbm>>
      tpu.enqueue_indirect_dma source(%dma_start3A_70 : memref<160000x256xi32, #tpu.memory_space<hbm>>) target(%arg13 : memref<40x256xi32, #tpu.memory_space<vmem>>) offsets(%dma_start3A_67 : memref<40xi32, #tpu.memory_space<vmem>>) semaphore(%arg15 : memref<!tpu.dma_semaphore, #tpu.memory_space<semaphore_mem>>)
      %dma_wait3A_71 = arith.constant 0 : i32
      %dma_wait3A_72 = tpu.memref_slice %arg8[%dma_wait3A_71] : memref<5000xi32, #tpu.memory_space<vmem>> -> memref<40xi32, #tpu.memory_space<vmem>>
      %dma_wait3A_73 = arith.constant 0 : i32
      %dma_wait3A_74 = arith.constant 0 : i32
      %dma_wait3A_75 = tpu.memref_slice %arg2[%dma_wait3A_73, %dma_wait3A_74] : memref<10000x256xi32, #tpu.memory_space<hbm>> -> memref<10000x256xi32, #tpu.memory_space<hbm>>
      tpu.wait_indirect_dma semaphore(%arg14 : memref<!tpu.dma_semaphore, #tpu.memory_space<semaphore_mem>>) src(%dma_wait3A_75 : memref<10000x256xi32, #tpu.memory_space<hbm>>) dst(%arg10 : memref<40x256xi32, #tpu.memory_space<vmem>>)
      %dma_wait3A_76 = arith.constant 0 : i32
      %dma_wait3A_77 = tpu.memref_slice %arg9[%dma_wait3A_76] : memref<5000xi32, #tpu.memory_space<vmem>> -> memref<40xi32, #tpu.memory_space<vmem>>
      %dma_wait3A_78 = arith.constant 0 : i32
      %dma_wait3A_79 = arith.constant 0 : i32
      %dma_wait3A_80 = tpu.memref_slice %arg3[%dma_wait3A_78, %dma_wait3A_79] : memref<160000x256xi32, #tpu.memory_space<hbm>> -> memref<160000x256xi32, #tpu.memory_space<hbm>>
      tpu.wait_indirect_dma semaphore(%arg14 : memref<!tpu.dma_semaphore, #tpu.memory_space<semaphore_mem>>) src(%dma_wait3A_80 : memref<160000x256xi32, #tpu.memory_space<hbm>>) dst(%arg11 : memref<40x256xi32, #tpu.memory_space<vmem>>)
      %mul3A_81 = arith.constant 2 : i32
      %mul3A_82 = arith.muli %mul3A_81, %scan3A_54 : i32
      %mul3A_83 = arith.constant 40 : i32
      %mul3A_84 = arith.muli %mul3A_82, %mul3A_83 : i32
      %add3A_85 = arith.addi %mul3A_2, %mul3A_84 : i32
      %dma_start3A_86 = arith.constant 0 : i32
      %dma_start3A_87 = tpu.memref_slice %arg6[%add3A_85, %dma_start3A_86] : memref<160000x256xi32, #tpu.memory_space<hbm>> -> memref<40x256xi32, #tpu.memory_space<hbm>>
      %dma_start3A_88 = arith.constant 0 : i32
      %dma_start3A_89 = tpu.memref_slice %arg6[%add3A_85, %dma_start3A_88] : memref<160000x256xi32, #tpu.memory_space<hbm>> -> memref<40x256xi32, #tpu.memory_space<hbm>>
      tpu.enqueue_dma source(%arg10 : memref<40x256xi32, #tpu.memory_space<vmem>>) target(%dma_start3A_89 : memref<40x256xi32, #tpu.memory_space<hbm>>) target_semaphore(%arg16 : memref<!tpu.dma_semaphore, #tpu.memory_space<semaphore_mem>>)
      %add3A_90 = arith.addi %mul3A_2, %mul3A_84 : i32
      %dma_start3A_91 = arith.constant 0 : i32
      %dma_start3A_92 = tpu.memref_slice %arg7[%add3A_90, %dma_start3A_91] : memref<160000x256xi32, #tpu.memory_space<hbm>> -> memref<40x256xi32, #tpu.memory_space<hbm>>
      %dma_start3A_93 = arith.constant 0 : i32
      %dma_start3A_94 = tpu.memref_slice %arg7[%add3A_90, %dma_start3A_93] : memref<160000x256xi32, #tpu.memory_space<hbm>> -> memref<40x256xi32, #tpu.memory_space<hbm>>
      tpu.enqueue_dma source(%arg11 : memref<40x256xi32, #tpu.memory_space<vmem>>) target(%dma_start3A_94 : memref<40x256xi32, #tpu.memory_space<hbm>>) target_semaphore(%arg16 : memref<!tpu.dma_semaphore, #tpu.memory_space<semaphore_mem>>)
      %dma_wait3A_95 = arith.constant 0 : i32
      %dma_wait3A_96 = tpu.memref_slice %arg6[%mul3A_2, %dma_wait3A_95] : memref<160000x256xi32, #tpu.memory_space<hbm>> -> memref<40x256xi32, #tpu.memory_space<hbm>>
      %dma_wait3A_97 = arith.constant 0 : i32
      %dma_wait3A_98 = tpu.memref_slice %arg6[%mul3A_2, %dma_wait3A_97] : memref<160000x256xi32, #tpu.memory_space<hbm>> -> memref<40x256xi32, #tpu.memory_space<hbm>>
      tpu.wait_dma2 semaphore(%arg16 : memref<!tpu.dma_semaphore, #tpu.memory_space<semaphore_mem>>) src(%arg10 : memref<40x256xi32, #tpu.memory_space<vmem>>) dst(%dma_wait3A_98 : memref<40x256xi32, #tpu.memory_space<hbm>>)
      %dma_wait3A_99 = arith.constant 0 : i32
      %dma_wait3A_100 = tpu.memref_slice %arg7[%mul3A_2, %dma_wait3A_99] : memref<160000x256xi32, #tpu.memory_space<hbm>> -> memref<40x256xi32, #tpu.memory_space<hbm>>
      %dma_wait3A_101 = arith.constant 0 : i32
      %dma_wait3A_102 = tpu.memref_slice %arg7[%mul3A_2, %dma_wait3A_101] : memref<160000x256xi32, #tpu.memory_space<hbm>> -> memref<40x256xi32, #tpu.memory_space<hbm>>
      tpu.wait_dma2 semaphore(%arg16 : memref<!tpu.dma_semaphore, #tpu.memory_space<semaphore_mem>>) src(%arg11 : memref<40x256xi32, #tpu.memory_space<vmem>>) dst(%dma_wait3A_102 : memref<40x256xi32, #tpu.memory_space<hbm>>)
      %mul3A_103 = arith.constant 2 : i32
      %mul3A_104 = arith.muli %mul3A_103, %scan3A_54 : i32
      %add3A_105 = arith.constant 2 : i32
      %add3A_106 = arith.addi %mul3A_104, %add3A_105 : i32
      %mul3A_107 = arith.constant 40 : i32
      %mul3A_108 = arith.muli %add3A_106, %mul3A_107 : i32
      %dma_start3A_109 = tpu.memref_slice %arg8[%mul3A_108] : memref<5000xi32, #tpu.memory_space<vmem>> -> memref<40xi32, #tpu.memory_space<vmem>>
      %dma_start3A_110 = arith.constant 0 : i32
      %dma_start3A_111 = arith.constant 0 : i32
      %dma_start3A_112 = tpu.memref_slice %arg2[%dma_start3A_110, %dma_start3A_111] : memref<10000x256xi32, #tpu.memory_space<hbm>> -> memref<10000x256xi32, #tpu.memory_space<hbm>>
      tpu.enqueue_indirect_dma source(%dma_start3A_112 : memref<10000x256xi32, #tpu.memory_space<hbm>>) target(%arg10 : memref<40x256xi32, #tpu.memory_space<vmem>>) offsets(%dma_start3A_109 : memref<40xi32, #tpu.memory_space<vmem>>) semaphore(%arg14 : memref<!tpu.dma_semaphore, #tpu.memory_space<semaphore_mem>>)
      %dma_start3A_113 = tpu.memref_slice %arg9[%mul3A_108] : memref<5000xi32, #tpu.memory_space<vmem>> -> memref<40xi32, #tpu.memory_space<vmem>>
      %dma_start3A_114 = arith.constant 0 : i32
      %dma_start3A_115 = arith.constant 0 : i32
      %dma_start3A_116 = tpu.memref_slice %arg3[%dma_start3A_114, %dma_start3A_115] : memref<160000x256xi32, #tpu.memory_space<hbm>> -> memref<160000x256xi32, #tpu.memory_space<hbm>>
      tpu.enqueue_indirect_dma source(%dma_start3A_116 : memref<160000x256xi32, #tpu.memory_space<hbm>>) target(%arg11 : memref<40x256xi32, #tpu.memory_space<vmem>>) offsets(%dma_start3A_113 : memref<40xi32, #tpu.memory_space<vmem>>) semaphore(%arg14 : memref<!tpu.dma_semaphore, #tpu.memory_space<semaphore_mem>>)
      %dma_wait3A_117 = arith.constant 0 : i32
      %dma_wait3A_118 = tpu.memref_slice %arg8[%dma_wait3A_117] : memref<5000xi32, #tpu.memory_space<vmem>> -> memref<40xi32, #tpu.memory_space<vmem>>
      %dma_wait3A_119 = arith.constant 0 : i32
      %dma_wait3A_120 = arith.constant 0 : i32
      %dma_wait3A_121 = tpu.memref_slice %arg2[%dma_wait3A_119, %dma_wait3A_120] : memref<10000x256xi32, #tpu.memory_space<hbm>> -> memref<10000x256xi32, #tpu.memory_space<hbm>>
      tpu.wait_indirect_dma semaphore(%arg15 : memref<!tpu.dma_semaphore, #tpu.memory_space<semaphore_mem>>) src(%dma_wait3A_121 : memref<10000x256xi32, #tpu.memory_space<hbm>>) dst(%arg12 : memref<40x256xi32, #tpu.memory_space<vmem>>)
      %dma_wait3A_122 = arith.constant 0 : i32
      %dma_wait3A_123 = tpu.memref_slice %arg9[%dma_wait3A_122] : memref<5000xi32, #tpu.memory_space<vmem>> -> memref<40xi32, #tpu.memory_space<vmem>>
      %dma_wait3A_124 = arith.constant 0 : i32
      %dma_wait3A_125 = arith.constant 0 : i32
      %dma_wait3A_126 = tpu.memref_slice %arg3[%dma_wait3A_124, %dma_wait3A_125] : memref<160000x256xi32, #tpu.memory_space<hbm>> -> memref<160000x256xi32, #tpu.memory_space<hbm>>
      tpu.wait_indirect_dma semaphore(%arg15 : memref<!tpu.dma_semaphore, #tpu.memory_space<semaphore_mem>>) src(%dma_wait3A_126 : memref<160000x256xi32, #tpu.memory_space<hbm>>) dst(%arg13 : memref<40x256xi32, #tpu.memory_space<vmem>>)
      %mul3A_127 = arith.constant 2 : i32
      %mul3A_128 = arith.muli %mul3A_127, %scan3A_54 : i32
      %add3A_129 = arith.constant 1 : i32
      %add3A_130 = arith.addi %mul3A_128, %add3A_129 : i32
      %mul3A_131 = arith.constant 40 : i32
      %mul3A_132 = arith.muli %add3A_130, %mul3A_131 : i32
      %add3A_133 = arith.addi %mul3A_2, %mul3A_132 : i32
      %dma_start3A_134 = arith.constant 0 : i32
      %dma_start3A_135 = tpu.memref_slice %arg6[%add3A_133, %dma_start3A_134] : memref<160000x256xi32, #tpu.memory_space<hbm>> -> memref<40x256xi32, #tpu.memory_space<hbm>>
      %dma_start3A_136 = arith.constant 0 : i32
      %dma_start3A_137 = tpu.memref_slice %arg6[%add3A_133, %dma_start3A_136] : memref<160000x256xi32, #tpu.memory_space<hbm>> -> memref<40x256xi32, #tpu.memory_space<hbm>>
      tpu.enqueue_dma source(%arg12 : memref<40x256xi32, #tpu.memory_space<vmem>>) target(%dma_start3A_137 : memref<40x256xi32, #tpu.memory_space<hbm>>) target_semaphore(%arg17 : memref<!tpu.dma_semaphore, #tpu.memory_space<semaphore_mem>>)
      %add3A_138 = arith.addi %mul3A_2, %mul3A_132 : i32
      %dma_start3A_139 = arith.constant 0 : i32
      %dma_start3A_140 = tpu.memref_slice %arg7[%add3A_138, %dma_start3A_139] : memref<160000x256xi32, #tpu.memory_space<hbm>> -> memref<40x256xi32, #tpu.memory_space<hbm>>
      %dma_start3A_141 = arith.constant 0 : i32
      %dma_start3A_142 = tpu.memref_slice %arg7[%add3A_138, %dma_start3A_141] : memref<160000x256xi32, #tpu.memory_space<hbm>> -> memref<40x256xi32, #tpu.memory_space<hbm>>
      tpu.enqueue_dma source(%arg13 : memref<40x256xi32, #tpu.memory_space<vmem>>) target(%dma_start3A_142 : memref<40x256xi32, #tpu.memory_space<hbm>>) target_semaphore(%arg17 : memref<!tpu.dma_semaphore, #tpu.memory_space<semaphore_mem>>)
    }
    %scan3A_16 = arith.constant 62 : i32
    %dma_wait3A = arith.constant 0 : i32
    %dma_wait3A_17 = tpu.memref_slice %arg8[%dma_wait3A] : memref<5000xi32, #tpu.memory_space<vmem>> -> memref<40xi32, #tpu.memory_space<vmem>>
    %dma_wait3A_18 = arith.constant 0 : i32
    %dma_wait3A_19 = arith.constant 0 : i32
    %dma_wait3A_20 = tpu.memref_slice %arg2[%dma_wait3A_18, %dma_wait3A_19] : memref<10000x256xi32, #tpu.memory_space<hbm>> -> memref<10000x256xi32, #tpu.memory_space<hbm>>
    tpu.wait_indirect_dma semaphore(%arg14 : memref<!tpu.dma_semaphore, #tpu.memory_space<semaphore_mem>>) src(%dma_wait3A_20 : memref<10000x256xi32, #tpu.memory_space<hbm>>) dst(%arg10 : memref<40x256xi32, #tpu.memory_space<vmem>>)
    %dma_wait3A_21 = arith.constant 0 : i32
    %dma_wait3A_22 = tpu.memref_slice %arg9[%dma_wait3A_21] : memref<5000xi32, #tpu.memory_space<vmem>> -> memref<40xi32, #tpu.memory_space<vmem>>
    %dma_wait3A_23 = arith.constant 0 : i32
    %dma_wait3A_24 = arith.constant 0 : i32
    %dma_wait3A_25 = tpu.memref_slice %arg3[%dma_wait3A_23, %dma_wait3A_24] : memref<160000x256xi32, #tpu.memory_space<hbm>> -> memref<160000x256xi32, #tpu.memory_space<hbm>>
    tpu.wait_indirect_dma semaphore(%arg14 : memref<!tpu.dma_semaphore, #tpu.memory_space<semaphore_mem>>) src(%dma_wait3A_25 : memref<160000x256xi32, #tpu.memory_space<hbm>>) dst(%arg11 : memref<40x256xi32, #tpu.memory_space<vmem>>)
    %add3A_26 = arith.constant 4960 : i32
    %add3A_27 = arith.addi %mul3A_2, %add3A_26 : i32
    %dma_start3A_28 = arith.constant 0 : i32
    %dma_start3A_29 = tpu.memref_slice %arg6[%add3A_27, %dma_start3A_28] : memref<160000x256xi32, #tpu.memory_space<hbm>> -> memref<40x256xi32, #tpu.memory_space<hbm>>
    %dma_start3A_30 = arith.constant 0 : i32
    %dma_start3A_31 = tpu.memref_slice %arg6[%add3A_27, %dma_start3A_30] : memref<160000x256xi32, #tpu.memory_space<hbm>> -> memref<40x256xi32, #tpu.memory_space<hbm>>
    tpu.enqueue_dma source(%arg10 : memref<40x256xi32, #tpu.memory_space<vmem>>) target(%dma_start3A_31 : memref<40x256xi32, #tpu.memory_space<hbm>>) target_semaphore(%arg16 : memref<!tpu.dma_semaphore, #tpu.memory_space<semaphore_mem>>)
    %add3A_32 = arith.constant 4960 : i32
    %add3A_33 = arith.addi %mul3A_2, %add3A_32 : i32
    %dma_start3A_34 = arith.constant 0 : i32
    %dma_start3A_35 = tpu.memref_slice %arg7[%add3A_33, %dma_start3A_34] : memref<160000x256xi32, #tpu.memory_space<hbm>> -> memref<40x256xi32, #tpu.memory_space<hbm>>
    %dma_start3A_36 = arith.constant 0 : i32
    %dma_start3A_37 = tpu.memref_slice %arg7[%add3A_33, %dma_start3A_36] : memref<160000x256xi32, #tpu.memory_space<hbm>> -> memref<40x256xi32, #tpu.memory_space<hbm>>
    tpu.enqueue_dma source(%arg11 : memref<40x256xi32, #tpu.memory_space<vmem>>) target(%dma_start3A_37 : memref<40x256xi32, #tpu.memory_space<hbm>>) target_semaphore(%arg16 : memref<!tpu.dma_semaphore, #tpu.memory_space<semaphore_mem>>)
    %dma_wait3A_38 = arith.constant 0 : i32
    %dma_wait3A_39 = tpu.memref_slice %arg6[%mul3A_2, %dma_wait3A_38] : memref<160000x256xi32, #tpu.memory_space<hbm>> -> memref<40x256xi32, #tpu.memory_space<hbm>>
    %dma_wait3A_40 = arith.constant 0 : i32
    %dma_wait3A_41 = tpu.memref_slice %arg6[%mul3A_2, %dma_wait3A_40] : memref<160000x256xi32, #tpu.memory_space<hbm>> -> memref<40x256xi32, #tpu.memory_space<hbm>>
    tpu.wait_dma2 semaphore(%arg17 : memref<!tpu.dma_semaphore, #tpu.memory_space<semaphore_mem>>) src(%arg12 : memref<40x256xi32, #tpu.memory_space<vmem>>) dst(%dma_wait3A_41 : memref<40x256xi32, #tpu.memory_space<hbm>>)
    %dma_wait3A_42 = arith.constant 0 : i32
    %dma_wait3A_43 = tpu.memref_slice %arg7[%mul3A_2, %dma_wait3A_42] : memref<160000x256xi32, #tpu.memory_space<hbm>> -> memref<40x256xi32, #tpu.memory_space<hbm>>
    %dma_wait3A_44 = arith.constant 0 : i32
    %dma_wait3A_45 = tpu.memref_slice %arg7[%mul3A_2, %dma_wait3A_44] : memref<160000x256xi32, #tpu.memory_space<hbm>> -> memref<40x256xi32, #tpu.memory_space<hbm>>
    tpu.wait_dma2 semaphore(%arg17 : memref<!tpu.dma_semaphore, #tpu.memory_space<semaphore_mem>>) src(%arg13 : memref<40x256xi32, #tpu.memory_space<vmem>>) dst(%dma_wait3A_45 : memref<40x256xi32, #tpu.memory_space<hbm>>)
    %dma_wait3A_46 = arith.constant 0 : i32
    %dma_wait3A_47 = tpu.memref_slice %arg6[%mul3A_2, %dma_wait3A_46] : memref<160000x256xi32, #tpu.memory_space<hbm>> -> memref<40x256xi32, #tpu.memory_space<hbm>>
    %dma_wait3A_48 = arith.constant 0 : i32
    %dma_wait3A_49 = tpu.memref_slice %arg6[%mul3A_2, %dma_wait3A_48] : memref<160000x256xi32, #tpu.memory_space<hbm>> -> memref<40x256xi32, #tpu.memory_space<hbm>>
    tpu.wait_dma2 semaphore(%arg16 : memref<!tpu.dma_semaphore, #tpu.memory_space<semaphore_mem>>) src(%arg10 : memref<40x256xi32, #tpu.memory_space<vmem>>) dst(%dma_wait3A_49 : memref<40x256xi32, #tpu.memory_space<hbm>>)
    %dma_wait3A_50 = arith.constant 0 : i32
    %dma_wait3A_51 = tpu.memref_slice %arg7[%mul3A_2, %dma_wait3A_50] : memref<160000x256xi32, #tpu.memory_space<hbm>> -> memref<40x256xi32, #tpu.memory_space<hbm>>
    %dma_wait3A_52 = arith.constant 0 : i32
    %dma_wait3A_53 = tpu.memref_slice %arg7[%mul3A_2, %dma_wait3A_52] : memref<160000x256xi32, #tpu.memory_space<hbm>> -> memref<40x256xi32, #tpu.memory_space<hbm>>
    tpu.wait_dma2 semaphore(%arg16 : memref<!tpu.dma_semaphore, #tpu.memory_space<semaphore_mem>>) src(%arg11 : memref<40x256xi32, #tpu.memory_space<vmem>>) dst(%dma_wait3A_53 : memref<40x256xi32, #tpu.memory_space<hbm>>)
    return
  }
}

module attributes {stable_mosaic.version = 14 : i64} {
  func.func @_stage0_body(%arg0: i32, %arg1: memref<3200x256xbf16, #tpu.memory_space<vmem>>, %arg2: memref<256x512xbf16, #tpu.memory_space<vmem>>, %arg3: memref<512x512xbf16, #tpu.memory_space<vmem>>, %arg4: memref<200x3200xbf16, #tpu.memory_space<vmem>>, %arg5: memref<3200x512xbf16, #tpu.memory_space<vmem>>, %arg6: memref<3200x256xi32, #tpu.memory_space<vmem>>, %arg7: memref<200x256xi32, #tpu.memory_space<vmem>>) attributes {dimension_semantics = [#tpu.dimension_semantics<arbitrary>], iteration_bounds = array<i64: 50>, scalar_prefetch = 0 : i64, scratch_operands = 0 : i64, tpu.core_type = #tpu.core_type<tc>, window_params = [{transform_indices = @transform_0, window_bounds = array<i64: 3200, 256>}, {pipeline_mode = #tpu.pipeline_mode<synchronous>, transform_indices = @transform_1, window_bounds = array<i64: 256, 512>}, {pipeline_mode = #tpu.pipeline_mode<synchronous>, transform_indices = @transform_2, window_bounds = array<i64: 512, 512>}, {pipeline_mode = #tpu.pipeline_mode<synchronous>, transform_indices = @transform_3, window_bounds = array<i64: 200, 3200>}, {transform_indices = @transform_4, window_bounds = array<i64: 3200, 512>}, {transform_indices = @transform_5, window_bounds = array<i64: 3200, 256>}, {transform_indices = @transform_6, window_bounds = array<i64: 200, 256>}]} {
    %get3A = arith.constant 0 : index
    %get3A_0 = arith.constant 0 : index
    %get3A_1 = vector.load %arg1[%get3A, %get3A_0] : memref<3200x256xbf16, #tpu.memory_space<vmem>>, vector<3200x256xbf16>
    %get3A_2 = arith.constant 0 : index
    %get3A_3 = arith.constant 0 : index
    %get3A_4 = vector.load %arg2[%get3A_2, %get3A_3] : memref<256x512xbf16, #tpu.memory_space<vmem>>, vector<256x512xbf16>
    %dot_general3A = arith.constant dense<0.000000e+00> : vector<3200x512xf32>
    %dot_general3A_5 = tpu.matmul %get3A_1, %get3A_4, %dot_general3A {dimension_numbers = #tpu.dot_dimension_numbers<[1], [0], [0], [1], [0, 0, 1, 1], [], []>, transpose_lhs_hint = false} : vector<3200x256xbf16>, vector<256x512xbf16>, vector<3200x512xf32> -> vector<3200x512xf32>
    %max3A = arith.constant 0.000000e+00 : f32
    %max3A_6 = vector.broadcast %max3A : f32 to vector<3200x512xf32>
    %max3A_7 = arith.maximumf %dot_general3A_5, %max3A_6 : vector<3200x512xf32>
    %convert_element_type3A = arith.truncf %max3A_7 : vector<3200x512xf32> to vector<3200x512xbf16>
    %get3A_8 = arith.constant 0 : index
    %get3A_9 = arith.constant 0 : index
    %get3A_10 = vector.load %arg3[%get3A_8, %get3A_9] : memref<512x512xbf16, #tpu.memory_space<vmem>>, vector<512x512xbf16>
    %dot_general3A_11 = arith.constant dense<0.000000e+00> : vector<3200x512xf32>
    %dot_general3A_12 = tpu.matmul %convert_element_type3A, %get3A_10, %dot_general3A_11 {dimension_numbers = #tpu.dot_dimension_numbers<[1], [0], [0], [1], [0, 0, 1, 1], [], []>, transpose_lhs_hint = false} : vector<3200x512xbf16>, vector<512x512xbf16>, vector<3200x512xf32> -> vector<3200x512xf32>
    %convert_element_type3A_13 = arith.truncf %dot_general3A_12 : vector<3200x512xf32> to vector<3200x512xbf16>
    %convert_element_type3A_14 = arith.truncf %dot_general3A_5 : vector<3200x512xf32> to vector<3200x512xbf16>
    %swap3A = arith.constant 0 : index
    %swap3A_15 = arith.constant 0 : index
    %swap3A_16 = vector.load %arg5[%swap3A, %swap3A_15] : memref<3200x512xbf16, #tpu.memory_space<vmem>>, vector<3200x512xbf16>
    tpu.vector_store %arg5[%swap3A, %swap3A_15], %convert_element_type3A_14 {strides = array<i32>} : memref<3200x512xbf16, #tpu.memory_space<vmem>>, vector<3200x512xbf16>,
    %slice3A = vector.extract_strided_slice %convert_element_type3A_13 {offsets = [0, 0], sizes = [3200, 256], strides = [1, 1]} : vector<3200x512xbf16> to vector<3200x256xbf16>
    %bitcast_convert_type3A = tpu.bitcast %slice3A : vector<3200x256xbf16> -> vector<3200x256xi16>
    %convert_element_type3A_17 = arith.extui %bitcast_convert_type3A : vector<3200x256xi16> to vector<3200x256xi32>
    %slice3A_18 = vector.extract_strided_slice %convert_element_type3A_13 {offsets = [0, 256], sizes = [3200, 256], strides = [1, 1]} : vector<3200x512xbf16> to vector<3200x256xbf16>
    %bitcast_convert_type3A_19 = tpu.bitcast %slice3A_18 : vector<3200x256xbf16> -> vector<3200x256xi16>
    %convert_element_type3A_20 = arith.extui %bitcast_convert_type3A_19 : vector<3200x256xi16> to vector<3200x256xi32>
    %shift_left3A = arith.constant 16 : i32
    %shift_left3A_21 = vector.broadcast %shift_left3A : i32 to vector<3200x256xi32>
    %shift_left3A_22 = arith.shli %convert_element_type3A_20, %shift_left3A_21 : vector<3200x256xi32>
    %or3A = arith.ori %convert_element_type3A_17, %shift_left3A_22 : vector<3200x256xi32>
    %bitcast_convert_type3A_23 = tpu.bitcast %or3A : vector<3200x256xi32> -> vector<3200x256xi32>
    %swap3A_24 = arith.constant 0 : index
    %swap3A_25 = arith.constant 0 : index
    %swap3A_26 = vector.load %arg6[%swap3A_24, %swap3A_25] : memref<3200x256xi32, #tpu.memory_space<vmem>>, vector<3200x256xi32>
    tpu.vector_store %arg6[%swap3A_24, %swap3A_25], %bitcast_convert_type3A_23 {strides = array<i32>} : memref<3200x256xi32, #tpu.memory_space<vmem>>, vector<3200x256xi32>,
    %get3A_27 = arith.constant 0 : index
    %get3A_28 = arith.constant 0 : index
    %get3A_29 = vector.load %arg4[%get3A_27, %get3A_28] : memref<200x3200xbf16, #tpu.memory_space<vmem>>, vector<200x3200xbf16>
    %dot_general3A_30 = arith.constant dense<0.000000e+00> : vector<200x512xf32>
    %dot_general3A_31 = tpu.matmul %get3A_29, %convert_element_type3A_13, %dot_general3A_30 {dimension_numbers = #tpu.dot_dimension_numbers<[1], [0], [0], [1], [0, 0, 1, 1], [], []>, transpose_lhs_hint = false} : vector<200x3200xbf16>, vector<3200x512xbf16>, vector<200x512xf32> -> vector<200x512xf32>
    %convert_element_type3A_32 = arith.truncf %dot_general3A_31 : vector<200x512xf32> to vector<200x512xbf16>
    %slice3A_33 = vector.extract_strided_slice %convert_element_type3A_32 {offsets = [0, 0], sizes = [200, 256], strides = [1, 1]} : vector<200x512xbf16> to vector<200x256xbf16>
    %bitcast_convert_type3A_34 = tpu.bitcast %slice3A_33 : vector<200x256xbf16> -> vector<200x256xi16>
    %convert_element_type3A_35 = arith.extui %bitcast_convert_type3A_34 : vector<200x256xi16> to vector<200x256xi32>
    %slice3A_36 = vector.extract_strided_slice %convert_element_type3A_32 {offsets = [0, 256], sizes = [200, 256], strides = [1, 1]} : vector<200x512xbf16> to vector<200x256xbf16>
    %bitcast_convert_type3A_37 = tpu.bitcast %slice3A_36 : vector<200x256xbf16> -> vector<200x256xi16>
    %convert_element_type3A_38 = arith.extui %bitcast_convert_type3A_37 : vector<200x256xi16> to vector<200x256xi32>
    %shift_left3A_39 = arith.constant 16 : i32
    %shift_left3A_40 = vector.broadcast %shift_left3A_39 : i32 to vector<200x256xi32>
    %shift_left3A_41 = arith.shli %convert_element_type3A_38, %shift_left3A_40 : vector<200x256xi32>
    %or3A_42 = arith.ori %convert_element_type3A_35, %shift_left3A_41 : vector<200x256xi32>
    %bitcast_convert_type3A_43 = tpu.bitcast %or3A_42 : vector<200x256xi32> -> vector<200x256xi32>
    %swap3A_44 = arith.constant 0 : index
    %swap3A_45 = arith.constant 0 : index
    %swap3A_46 = vector.load %arg7[%swap3A_44, %swap3A_45] : memref<200x256xi32, #tpu.memory_space<vmem>>, vector<200x256xi32>
    tpu.vector_store %arg7[%swap3A_44, %swap3A_45], %bitcast_convert_type3A_43 {strides = array<i32>} : memref<200x256xi32, #tpu.memory_space<vmem>>, vector<200x256xi32>,
    return
  }
  func.func @transform_0(%arg0: i32) -> (i32, i32) {
    %c0_i32 = arith.constant 0 : i32
    %c0_i32_0 = arith.constant 0 : i32
    return %arg0, %c0_i32 : i32, i32
  }
  func.func @transform_1(%arg0: i32) -> (i32, i32) {
    %c0_i32 = arith.constant 0 : i32
    %c0_i32_0 = arith.constant 0 : i32
    %c0_i32_1 = arith.constant 0 : i32
    return %c0_i32, %c0_i32_0 : i32, i32
  }
  func.func @transform_2(%arg0: i32) -> (i32, i32) {
    %c0_i32 = arith.constant 0 : i32
    %c0_i32_0 = arith.constant 0 : i32
    %c0_i32_1 = arith.constant 0 : i32
    return %c0_i32, %c0_i32_0 : i32, i32
  }
  func.func @transform_3(%arg0: i32) -> (i32, i32) {
    %c0_i32 = arith.constant 0 : i32
    %c0_i32_0 = arith.constant 0 : i32
    %c0_i32_1 = arith.constant 0 : i32
    return %c0_i32, %c0_i32_0 : i32, i32
  }
  func.func @transform_4(%arg0: i32) -> (i32, i32) {
    %c0_i32 = arith.constant 0 : i32
    %c0_i32_0 = arith.constant 0 : i32
    return %arg0, %c0_i32 : i32, i32
  }
  func.func @transform_5(%arg0: i32) -> (i32, i32) {
    %c0_i32 = arith.constant 0 : i32
    %c0_i32_0 = arith.constant 0 : i32
    return %arg0, %c0_i32 : i32, i32
  }
  func.func @transform_6(%arg0: i32) -> (i32, i32) {
    %c0_i32 = arith.constant 0 : i32
    %c0_i32_0 = arith.constant 0 : i32
    return %arg0, %c0_i32 : i32, i32
  }
}

module attributes {stable_mosaic.version = 14 : i64} {
  func.func @_iter_body(%arg0: i32, %arg1: memref<3200x512xbf16, #tpu.memory_space<vmem>>, %arg2: memref<3200x256xi32, #tpu.memory_space<vmem>>, %arg3: memref<3200x256xi32, #tpu.memory_space<vmem>>, %arg4: memref<512x512xbf16, #tpu.memory_space<vmem>>, %arg5: memref<200x3200xbf16, #tpu.memory_space<vmem>>, %arg6: memref<3200x256xi32, #tpu.memory_space<vmem>>, %arg7: memref<200x256xi32, #tpu.memory_space<vmem>>) attributes {dimension_semantics = [#tpu.dimension_semantics<arbitrary>], iteration_bounds = array<i64: 50>, scalar_prefetch = 0 : i64, scratch_operands = 0 : i64, tpu.core_type = #tpu.core_type<tc>, window_params = [{transform_indices = @transform_0, window_bounds = array<i64: 3200, 512>}, {transform_indices = @transform_1, window_bounds = array<i64: 3200, 256>}, {transform_indices = @transform_2, window_bounds = array<i64: 3200, 256>}, {pipeline_mode = #tpu.pipeline_mode<synchronous>, transform_indices = @transform_3, window_bounds = array<i64: 512, 512>}, {pipeline_mode = #tpu.pipeline_mode<synchronous>, transform_indices = @transform_4, window_bounds = array<i64: 200, 3200>}, {transform_indices = @transform_5, window_bounds = array<i64: 3200, 256>}, {transform_indices = @transform_6, window_bounds = array<i64: 200, 256>}]} {
    %get3A = arith.constant 0 : index
    %get3A_0 = arith.constant 0 : index
    %get3A_1 = vector.load %arg1[%get3A, %get3A_0] : memref<3200x512xbf16, #tpu.memory_space<vmem>>, vector<3200x512xbf16>
    %get3A_2 = arith.constant 0 : index
    %get3A_3 = arith.constant 0 : index
    %get3A_4 = vector.load %arg2[%get3A_2, %get3A_3] : memref<3200x256xi32, #tpu.memory_space<vmem>>, vector<3200x256xi32>
    %get3A_5 = arith.constant 0 : index
    %get3A_6 = arith.constant 0 : index
    %get3A_7 = vector.load %arg3[%get3A_5, %get3A_6] : memref<3200x256xi32, #tpu.memory_space<vmem>>, vector<3200x256xi32>
    %bitcast_convert_type3A = tpu.bitcast %get3A_4 : vector<3200x256xi32> -> vector<3200x256xi32>
    %and3A = arith.constant 65535 : i32
    %and3A_8 = vector.broadcast %and3A : i32 to vector<3200x256xi32>
    %and3A_9 = arith.andi %bitcast_convert_type3A, %and3A_8 : vector<3200x256xi32>
    %convert_element_type3A = arith.trunci %and3A_9 : vector<3200x256xi32> to vector<3200x256xi16>
    %bitcast_convert_type3A_10 = tpu.bitcast %convert_element_type3A : vector<3200x256xi16> -> vector<3200x256xbf16>
    %shift_right_logical3A = arith.constant 16 : i32
    %shift_right_logical3A_11 = vector.broadcast %shift_right_logical3A : i32 to vector<3200x256xi32>
    %shift_right_logical3A_12 = arith.shrui %bitcast_convert_type3A, %shift_right_logical3A_11 : vector<3200x256xi32>
    %convert_element_type3A_13 = arith.trunci %shift_right_logical3A_12 : vector<3200x256xi32> to vector<3200x256xi16>
    %bitcast_convert_type3A_14 = tpu.bitcast %convert_element_type3A_13 : vector<3200x256xi16> -> vector<3200x256xbf16>
    %bitcast_convert_type3A_15 = tpu.bitcast %get3A_7 : vector<3200x256xi32> -> vector<3200x256xi32>
    %and3A_16 = arith.constant 65535 : i32
    %and3A_17 = vector.broadcast %and3A_16 : i32 to vector<3200x256xi32>
    %and3A_18 = arith.andi %bitcast_convert_type3A_15, %and3A_17 : vector<3200x256xi32>
    %convert_element_type3A_19 = arith.trunci %and3A_18 : vector<3200x256xi32> to vector<3200x256xi16>
    %bitcast_convert_type3A_20 = tpu.bitcast %convert_element_type3A_19 : vector<3200x256xi16> -> vector<3200x256xbf16>
    %shift_right_logical3A_21 = arith.constant 16 : i32
    %shift_right_logical3A_22 = vector.broadcast %shift_right_logical3A_21 : i32 to vector<3200x256xi32>
    %shift_right_logical3A_23 = arith.shrui %bitcast_convert_type3A_15, %shift_right_logical3A_22 : vector<3200x256xi32>
    %convert_element_type3A_24 = arith.trunci %shift_right_logical3A_23 : vector<3200x256xi32> to vector<3200x256xi16>
    %bitcast_convert_type3A_25 = tpu.bitcast %convert_element_type3A_24 : vector<3200x256xi16> -> vector<3200x256xbf16>
    %slice3A = vector.extract_strided_slice %get3A_1 {offsets = [0, 0], sizes = [3200, 256], strides = [1, 1]} : vector<3200x512xbf16> to vector<3200x256xbf16>
    %add3A = arith.addf %slice3A, %bitcast_convert_type3A_10 : vector<3200x256xbf16>
    %sub3A = arith.subf %add3A, %bitcast_convert_type3A_20 : vector<3200x256xbf16>
    %max3A = arith.constant 0.000000e+00 : bf16
    %max3A_26 = vector.broadcast %max3A : bf16 to vector<3200x256xbf16>
    %max3A_27 = arith.maximumf %sub3A, %max3A_26 : vector<3200x256xbf16>
    %slice3A_28 = vector.extract_strided_slice %get3A_1 {offsets = [0, 256], sizes = [3200, 256], strides = [1, 1]} : vector<3200x512xbf16> to vector<3200x256xbf16>
    %add3A_29 = arith.addf %slice3A_28, %bitcast_convert_type3A_14 : vector<3200x256xbf16>
    %sub3A_30 = arith.subf %add3A_29, %bitcast_convert_type3A_25 : vector<3200x256xbf16>
    %max3A_31 = arith.constant 0.000000e+00 : bf16
    %max3A_32 = vector.broadcast %max3A_31 : bf16 to vector<3200x256xbf16>
    %max3A_33 = arith.maximumf %sub3A_30, %max3A_32 : vector<3200x256xbf16>
    %get3A_34 = arith.constant 0 : index
    %get3A_35 = arith.constant 0 : index
    %get3A_36 = vector.load %arg4[%get3A_34, %get3A_35] : memref<512x512xbf16, #tpu.memory_space<vmem>>, vector<256x512xbf16>
    %dot_general3A = arith.constant dense<0.000000e+00> : vector<3200x512xf32>
    %dot_general3A_37 = tpu.matmul %max3A_27, %get3A_36, %dot_general3A {dimension_numbers = #tpu.dot_dimension_numbers<[1], [0], [0], [1], [0, 0, 1, 1], [], []>, transpose_lhs_hint = false} : vector<3200x256xbf16>, vector<256x512xbf16>, vector<3200x512xf32> -> vector<3200x512xf32>
    %get3A_38 = arith.constant 256 : index
    %get3A_39 = arith.constant 0 : index
    %get3A_40 = vector.load %arg4[%get3A_38, %get3A_39] : memref<512x512xbf16, #tpu.memory_space<vmem>>, vector<256x512xbf16>
    %dot_general3A_41 = arith.constant dense<0.000000e+00> : vector<3200x512xf32>
    %dot_general3A_42 = tpu.matmul %max3A_33, %get3A_40, %dot_general3A_41 {dimension_numbers = #tpu.dot_dimension_numbers<[1], [0], [0], [1], [0, 0, 1, 1], [], []>, transpose_lhs_hint = false} : vector<3200x256xbf16>, vector<256x512xbf16>, vector<3200x512xf32> -> vector<3200x512xf32>
    %add3A_43 = arith.addf %dot_general3A_37, %dot_general3A_42 : vector<3200x512xf32>
    %convert_element_type3A_44 = arith.truncf %add3A_43 : vector<3200x512xf32> to vector<3200x512xbf16>
    %slice3A_45 = vector.extract_strided_slice %convert_element_type3A_44 {offsets = [0, 0], sizes = [3200, 256], strides = [1, 1]} : vector<3200x512xbf16> to vector<3200x256xbf16>
    %bitcast_convert_type3A_46 = tpu.bitcast %slice3A_45 : vector<3200x256xbf16> -> vector<3200x256xi16>
    %convert_element_type3A_47 = arith.extui %bitcast_convert_type3A_46 : vector<3200x256xi16> to vector<3200x256xi32>
    %slice3A_48 = vector.extract_strided_slice %convert_element_type3A_44 {offsets = [0, 256], sizes = [3200, 256], strides = [1, 1]} : vector<3200x512xbf16> to vector<3200x256xbf16>
    %bitcast_convert_type3A_49 = tpu.bitcast %slice3A_48 : vector<3200x256xbf16> -> vector<3200x256xi16>
    %convert_element_type3A_50 = arith.extui %bitcast_convert_type3A_49 : vector<3200x256xi16> to vector<3200x256xi32>
    %shift_left3A = arith.constant 16 : i32
    %shift_left3A_51 = vector.broadcast %shift_left3A : i32 to vector<3200x256xi32>
    %shift_left3A_52 = arith.shli %convert_element_type3A_50, %shift_left3A_51 : vector<3200x256xi32>
    %or3A = arith.ori %convert_element_type3A_47, %shift_left3A_52 : vector<3200x256xi32>
    %bitcast_convert_type3A_53 = tpu.bitcast %or3A : vector<3200x256xi32> -> vector<3200x256xi32>
    %swap3A = arith.constant 0 : index
    %swap3A_54 = arith.constant 0 : index
    %swap3A_55 = vector.load %arg6[%swap3A, %swap3A_54] : memref<3200x256xi32, #tpu.memory_space<vmem>>, vector<3200x256xi32>
    tpu.vector_store %arg6[%swap3A, %swap3A_54], %bitcast_convert_type3A_53 {strides = array<i32>} : memref<3200x256xi32, #tpu.memory_space<vmem>>, vector<3200x256xi32>,
    %get3A_56 = arith.constant 0 : index
    %get3A_57 = arith.constant 0 : index
    %get3A_58 = vector.load %arg5[%get3A_56, %get3A_57] : memref<200x3200xbf16, #tpu.memory_space<vmem>>, vector<200x3200xbf16>
    %dot_general3A_59 = arith.constant dense<0.000000e+00> : vector<200x512xf32>
    %dot_general3A_60 = tpu.matmul %get3A_58, %convert_element_type3A_44, %dot_general3A_59 {dimension_numbers = #tpu.dot_dimension_numbers<[1], [0], [0], [1], [0, 0, 1, 1], [], []>, transpose_lhs_hint = false} : vector<200x3200xbf16>, vector<3200x512xbf16>, vector<200x512xf32> -> vector<200x512xf32>
    %convert_element_type3A_61 = arith.truncf %dot_general3A_60 : vector<200x512xf32> to vector<200x512xbf16>
    %slice3A_62 = vector.extract_strided_slice %convert_element_type3A_61 {offsets = [0, 0], sizes = [200, 256], strides = [1, 1]} : vector<200x512xbf16> to vector<200x256xbf16>
    %bitcast_convert_type3A_63 = tpu.bitcast %slice3A_62 : vector<200x256xbf16> -> vector<200x256xi16>
    %convert_element_type3A_64 = arith.extui %bitcast_convert_type3A_63 : vector<200x256xi16> to vector<200x256xi32>
    %slice3A_65 = vector.extract_strided_slice %convert_element_type3A_61 {offsets = [0, 256], sizes = [200, 256], strides = [1, 1]} : vector<200x512xbf16> to vector<200x256xbf16>
    %bitcast_convert_type3A_66 = tpu.bitcast %slice3A_65 : vector<200x256xbf16> -> vector<200x256xi16>
    %convert_element_type3A_67 = arith.extui %bitcast_convert_type3A_66 : vector<200x256xi16> to vector<200x256xi32>
    %shift_left3A_68 = arith.constant 16 : i32
    %shift_left3A_69 = vector.broadcast %shift_left3A_68 : i32 to vector<200x256xi32>
    %shift_left3A_70 = arith.shli %convert_element_type3A_67, %shift_left3A_69 : vector<200x256xi32>
    %or3A_71 = arith.ori %convert_element_type3A_64, %shift_left3A_70 : vector<200x256xi32>
    %bitcast_convert_type3A_72 = tpu.bitcast %or3A_71 : vector<200x256xi32> -> vector<200x256xi32>
    %swap3A_73 = arith.constant 0 : index
    %swap3A_74 = arith.constant 0 : index
    %swap3A_75 = vector.load %arg7[%swap3A_73, %swap3A_74] : memref<200x256xi32, #tpu.memory_space<vmem>>, vector<200x256xi32>
    tpu.vector_store %arg7[%swap3A_73, %swap3A_74], %bitcast_convert_type3A_72 {strides = array<i32>} : memref<200x256xi32, #tpu.memory_space<vmem>>, vector<200x256xi32>,
    return
  }
  func.func @transform_0(%arg0: i32) -> (i32, i32) {
    %c0_i32 = arith.constant 0 : i32
    %c0_i32_0 = arith.constant 0 : i32
    return %arg0, %c0_i32 : i32, i32
  }
  func.func @transform_1(%arg0: i32) -> (i32, i32) {
    %c0_i32 = arith.constant 0 : i32
    %c0_i32_0 = arith.constant 0 : i32
    return %arg0, %c0_i32 : i32, i32
  }
  func.func @transform_2(%arg0: i32) -> (i32, i32) {
    %c0_i32 = arith.constant 0 : i32
    %c0_i32_0 = arith.constant 0 : i32
    return %arg0, %c0_i32 : i32, i32
  }
  func.func @transform_3(%arg0: i32) -> (i32, i32) {
    %c0_i32 = arith.constant 0 : i32
    %c0_i32_0 = arith.constant 0 : i32
    %c0_i32_1 = arith.constant 0 : i32
    return %c0_i32, %c0_i32_0 : i32, i32
  }
  func.func @transform_4(%arg0: i32) -> (i32, i32) {
    %c0_i32 = arith.constant 0 : i32
    %c0_i32_0 = arith.constant 0 : i32
    %c0_i32_1 = arith.constant 0 : i32
    return %c0_i32, %c0_i32_0 : i32, i32
  }
  func.func @transform_5(%arg0: i32) -> (i32, i32) {
    %c0_i32 = arith.constant 0 : i32
    %c0_i32_0 = arith.constant 0 : i32
    return %arg0, %c0_i32 : i32, i32
  }
  func.func @transform_6(%arg0: i32) -> (i32, i32) {
    %c0_i32 = arith.constant 0 : i32
    %c0_i32_0 = arith.constant 0 : i32
    return %arg0, %c0_i32 : i32, i32
  }
}

module attributes {stable_mosaic.version = 14 : i64} {
  func.func @_final_body(%arg0: i32, %arg1: memref<3200x512xbf16, #tpu.memory_space<vmem>>, %arg2: memref<3200x256xi32, #tpu.memory_space<vmem>>, %arg3: memref<3200x256xi32, #tpu.memory_space<vmem>>, %arg4: memref<200x256xbf16, #tpu.memory_space<vmem>>, %arg5: memref<1x1x200xi32, #tpu.memory_space<vmem>>, %arg6: memref<256x512xbf16, #tpu.memory_space<vmem>>, %arg7: memref<512x512xbf16, #tpu.memory_space<vmem>>, %arg8: memref<1x512xf32, #tpu.memory_space<vmem>>, %arg9: memref<200x3200xbf16, #tpu.memory_space<vmem>>, %arg10: memref<400x512xf32, #tpu.memory_space<vmem>>, %arg11: memref<400x512xf32, #tpu.memory_space<vmem>>, %arg12: memref<400x512xf32, #tpu.memory_space<vmem>>) attributes {dimension_semantics = [#tpu.dimension_semantics<arbitrary>], iteration_bounds = array<i64: 50>, scalar_prefetch = 0 : i64, scratch_operands = 2 : i64, tpu.core_type = #tpu.core_type<tc>, window_params = [{transform_indices = @transform_0, window_bounds = array<i64: 3200, 512>}, {transform_indices = @transform_1, window_bounds = array<i64: 3200, 256>}, {transform_indices = @transform_2, window_bounds = array<i64: 3200, 256>}, {transform_indices = @transform_3, window_bounds = array<i64: 200, 256>}, {transform_indices = @transform_4, window_bounds = array<i64: 1, 1, 200>}, {pipeline_mode = #tpu.pipeline_mode<synchronous>, transform_indices = @transform_5, window_bounds = array<i64: 256, 512>}, {pipeline_mode = #tpu.pipeline_mode<synchronous>, transform_indices = @transform_6, window_bounds = array<i64: 512, 512>}, {pipeline_mode = #tpu.pipeline_mode<synchronous>, transform_indices = @transform_7, window_bounds = array<i64: 1, 512>}, {pipeline_mode = #tpu.pipeline_mode<synchronous>, transform_indices = @transform_8, window_bounds = array<i64: 200, 3200>}, {pipeline_mode = #tpu.pipeline_mode<synchronous>, transform_indices = @transform_9, window_bounds = array<i64: 400, 512>}]} {
    %eq3A = arith.constant 0 : i32
    %eq3A_0 = arith.cmpi eq, %arg0, %eq3A : i32
    %convert_element_type3A = arith.extui %eq3A_0 : i1 to i32
    %cond3A = arith.constant 0 : i32
    %cond3A_1 = arith.cmpi ne, %convert_element_type3A, %cond3A : i32
    scf.if %cond3A_1 {
      %broadcast_in_dim3A_107 = arith.constant 0.000000e+00 : f32
      %broadcast_in_dim3A_108 = vector.broadcast %broadcast_in_dim3A_107 : f32 to vector<400x512xf32>
      %swap3A_109 = arith.constant 0 : index
      %swap3A_110 = arith.constant 0 : index
      %swap3A_111 = vector.load %arg11[%swap3A_109, %swap3A_110] : memref<400x512xf32, #tpu.memory_space<vmem>>, vector<400x512xf32>
      tpu.vector_store %arg11[%swap3A_109, %swap3A_110], %broadcast_in_dim3A_108 {strides = array<i32>} : memref<400x512xf32, #tpu.memory_space<vmem>>, vector<400x512xf32>,
      %broadcast_in_dim3A_112 = arith.constant 0.000000e+00 : f32
      %broadcast_in_dim3A_113 = vector.broadcast %broadcast_in_dim3A_112 : f32 to vector<400x512xf32>
      %swap3A_114 = arith.constant 0 : index
      %swap3A_115 = arith.constant 0 : index
      %swap3A_116 = vector.load %arg12[%swap3A_114, %swap3A_115] : memref<400x512xf32, #tpu.memory_space<vmem>>, vector<400x512xf32>
      tpu.vector_store %arg12[%swap3A_114, %swap3A_115], %broadcast_in_dim3A_113 {strides = array<i32>} : memref<400x512xf32, #tpu.memory_space<vmem>>, vector<400x512xf32>,
    } else {
    }
    %get3A = arith.constant 0 : index
    %get3A_2 = arith.constant 0 : index
    %get3A_3 = vector.load %arg1[%get3A, %get3A_2] : memref<3200x512xbf16, #tpu.memory_space<vmem>>, vector<3200x512xbf16>
    %get3A_4 = arith.constant 0 : index
    %get3A_5 = arith.constant 0 : index
    %get3A_6 = vector.load %arg2[%get3A_4, %get3A_5] : memref<3200x256xi32, #tpu.memory_space<vmem>>, vector<3200x256xi32>
    %get3A_7 = arith.constant 0 : index
    %get3A_8 = arith.constant 0 : index
    %get3A_9 = vector.load %arg3[%get3A_7, %get3A_8] : memref<3200x256xi32, #tpu.memory_space<vmem>>, vector<3200x256xi32>
    %bitcast_convert_type3A = tpu.bitcast %get3A_6 : vector<3200x256xi32> -> vector<3200x256xi32>
    %and3A = arith.constant 65535 : i32
    %and3A_10 = vector.broadcast %and3A : i32 to vector<3200x256xi32>
    %and3A_11 = arith.andi %bitcast_convert_type3A, %and3A_10 : vector<3200x256xi32>
    %convert_element_type3A_12 = arith.trunci %and3A_11 : vector<3200x256xi32> to vector<3200x256xi16>
    %bitcast_convert_type3A_13 = tpu.bitcast %convert_element_type3A_12 : vector<3200x256xi16> -> vector<3200x256xbf16>
    %shift_right_logical3A = arith.constant 16 : i32
    %shift_right_logical3A_14 = vector.broadcast %shift_right_logical3A : i32 to vector<3200x256xi32>
    %shift_right_logical3A_15 = arith.shrui %bitcast_convert_type3A, %shift_right_logical3A_14 : vector<3200x256xi32>
    %convert_element_type3A_16 = arith.trunci %shift_right_logical3A_15 : vector<3200x256xi32> to vector<3200x256xi16>
    %bitcast_convert_type3A_17 = tpu.bitcast %convert_element_type3A_16 : vector<3200x256xi16> -> vector<3200x256xbf16>
    %bitcast_convert_type3A_18 = tpu.bitcast %get3A_9 : vector<3200x256xi32> -> vector<3200x256xi32>
    %and3A_19 = arith.constant 65535 : i32
    %and3A_20 = vector.broadcast %and3A_19 : i32 to vector<3200x256xi32>
    %and3A_21 = arith.andi %bitcast_convert_type3A_18, %and3A_20 : vector<3200x256xi32>
    %convert_element_type3A_22 = arith.trunci %and3A_21 : vector<3200x256xi32> to vector<3200x256xi16>
    %bitcast_convert_type3A_23 = tpu.bitcast %convert_element_type3A_22 : vector<3200x256xi16> -> vector<3200x256xbf16>
    %shift_right_logical3A_24 = arith.constant 16 : i32
    %shift_right_logical3A_25 = vector.broadcast %shift_right_logical3A_24 : i32 to vector<3200x256xi32>
    %shift_right_logical3A_26 = arith.shrui %bitcast_convert_type3A_18, %shift_right_logical3A_25 : vector<3200x256xi32>
    %convert_element_type3A_27 = arith.trunci %shift_right_logical3A_26 : vector<3200x256xi32> to vector<3200x256xi16>
    %bitcast_convert_type3A_28 = tpu.bitcast %convert_element_type3A_27 : vector<3200x256xi16> -> vector<3200x256xbf16>
    %slice3A = vector.extract_strided_slice %get3A_3 {offsets = [0, 0], sizes = [3200, 256], strides = [1, 1]} : vector<3200x512xbf16> to vector<3200x256xbf16>
    %add3A = arith.addf %slice3A, %bitcast_convert_type3A_13 : vector<3200x256xbf16>
    %sub3A = arith.subf %add3A, %bitcast_convert_type3A_23 : vector<3200x256xbf16>
    %max3A = arith.constant 0.000000e+00 : bf16
    %max3A_29 = vector.broadcast %max3A : bf16 to vector<3200x256xbf16>
    %max3A_30 = arith.maximumf %sub3A, %max3A_29 : vector<3200x256xbf16>
    %slice3A_31 = vector.extract_strided_slice %get3A_3 {offsets = [0, 256], sizes = [3200, 256], strides = [1, 1]} : vector<3200x512xbf16> to vector<3200x256xbf16>
    %add3A_32 = arith.addf %slice3A_31, %bitcast_convert_type3A_17 : vector<3200x256xbf16>
    %sub3A_33 = arith.subf %add3A_32, %bitcast_convert_type3A_28 : vector<3200x256xbf16>
    %max3A_34 = arith.constant 0.000000e+00 : bf16
    %max3A_35 = vector.broadcast %max3A_34 : bf16 to vector<3200x256xbf16>
    %max3A_36 = arith.maximumf %sub3A_33, %max3A_35 : vector<3200x256xbf16>
    %get3A_37 = arith.constant 0 : index
    %get3A_38 = arith.constant 0 : index
    %get3A_39 = vector.load %arg9[%get3A_37, %get3A_38] : memref<200x3200xbf16, #tpu.memory_space<vmem>>, vector<200x3200xbf16>
    %dot_general3A = arith.constant dense<0.000000e+00> : vector<200x256xf32>
    %dot_general3A_40 = tpu.matmul %get3A_39, %max3A_30, %dot_general3A {dimension_numbers = #tpu.dot_dimension_numbers<[1], [0], [0], [1], [0, 0, 1, 1], [], []>, transpose_lhs_hint = false} : vector<200x3200xbf16>, vector<3200x256xbf16>, vector<200x256xf32> -> vector<200x256xf32>
    %convert_element_type3A_41 = arith.truncf %dot_general3A_40 : vector<200x256xf32> to vector<200x256xbf16>
    %get3A_42 = arith.constant 0 : index
    %get3A_43 = arith.constant 0 : index
    %get3A_44 = vector.load %arg9[%get3A_42, %get3A_43] : memref<200x3200xbf16, #tpu.memory_space<vmem>>, vector<200x3200xbf16>
    %dot_general3A_45 = arith.constant dense<0.000000e+00> : vector<200x256xf32>
    %dot_general3A_46 = tpu.matmul %get3A_44, %max3A_36, %dot_general3A_45 {dimension_numbers = #tpu.dot_dimension_numbers<[1], [0], [0], [1], [0, 0, 1, 1], [], []>, transpose_lhs_hint = false} : vector<200x3200xbf16>, vector<3200x256xbf16>, vector<200x256xf32> -> vector<200x256xf32>
    %convert_element_type3A_47 = arith.truncf %dot_general3A_46 : vector<200x256xf32> to vector<200x256xbf16>
    %get3A_48 = arith.constant 0 : index
    %get3A_49 = arith.constant 0 : index
    %get3A_50 = vector.load %arg4[%get3A_48, %get3A_49] : memref<200x256xbf16, #tpu.memory_space<vmem>>, vector<200x256xbf16>
    %get3A_51 = arith.constant 0 : index
    %get3A_52 = arith.constant 0 : index
    %get3A_53 = vector.load %arg6[%get3A_51, %get3A_52] : memref<256x512xbf16, #tpu.memory_space<vmem>>, vector<256x512xbf16>
    %dot_general3A_54 = arith.constant dense<0.000000e+00> : vector<200x512xf32>
    %dot_general3A_55 = tpu.matmul %get3A_50, %get3A_53, %dot_general3A_54 {dimension_numbers = #tpu.dot_dimension_numbers<[1], [0], [0], [1], [0, 0, 1, 1], [], []>, transpose_lhs_hint = false} : vector<200x256xbf16>, vector<256x512xbf16>, vector<200x512xf32> -> vector<200x512xf32>
    %get3A_56 = arith.constant 0 : index
    %get3A_57 = arith.constant 0 : index
    %get3A_58 = vector.load %arg7[%get3A_56, %get3A_57] : memref<512x512xbf16, #tpu.memory_space<vmem>>, vector<256x512xbf16>
    %dot_general3A_59 = arith.constant dense<0.000000e+00> : vector<200x512xf32>
    %dot_general3A_60 = tpu.matmul %convert_element_type3A_41, %get3A_58, %dot_general3A_59 {dimension_numbers = #tpu.dot_dimension_numbers<[1], [0], [0], [1], [0, 0, 1, 1], [], []>, transpose_lhs_hint = false} : vector<200x256xbf16>, vector<256x512xbf16>, vector<200x512xf32> -> vector<200x512xf32>
    %add3A_61 = arith.addf %dot_general3A_55, %dot_general3A_60 : vector<200x512xf32>
    %get3A_62 = arith.constant 256 : index
    %get3A_63 = arith.constant 0 : index
    %get3A_64 = vector.load %arg7[%get3A_62, %get3A_63] : memref<512x512xbf16, #tpu.memory_space<vmem>>, vector<256x512xbf16>
    %dot_general3A_65 = arith.constant dense<0.000000e+00> : vector<200x512xf32>
    %dot_general3A_66 = tpu.matmul %convert_element_type3A_47, %get3A_64, %dot_general3A_65 {dimension_numbers = #tpu.dot_dimension_numbers<[1], [0], [0], [1], [0, 0, 1, 1], [], []>, transpose_lhs_hint = false} : vector<200x256xbf16>, vector<256x512xbf16>, vector<200x512xf32> -> vector<200x512xf32>
    %add3A_67 = arith.addf %add3A_61, %dot_general3A_66 : vector<200x512xf32>
    %get3A_68 = arith.constant 0 : index
    %get3A_69 = arith.constant 0 : index
    %get3A_70 = vector.load %arg8[%get3A_68, %get3A_69] : memref<1x512xf32, #tpu.memory_space<vmem>>, vector<1x512xf32>
    %add3A_71 = vector.broadcast %get3A_70 : vector<1x512xf32> to vector<200x512xf32>
    %add3A_72 = arith.addf %add3A_67, %add3A_71 : vector<200x512xf32>
    %max3A_73 = arith.constant 0.000000e+00 : f32
    %max3A_74 = vector.broadcast %max3A_73 : f32 to vector<200x512xf32>
    %max3A_75 = arith.maximumf %add3A_72, %max3A_74 : vector<200x512xf32>
    %get3A_76 = arith.constant 0 : index
    %get3A_77 = arith.constant 0 : index
    %get3A_78 = arith.constant 0 : index
    %get3A_79 = vector.load %arg5[%get3A_76, %get3A_77, %get3A_78] : memref<1x1x200xi32, #tpu.memory_space<vmem>>, vector<1x1x200xi32>
    %reshape3A = vector.shape_cast %get3A_79 : vector<1x1x200xi32> to vector<1x200xi32>
    %iota3A = tpu.iota {dimensions = array<i32: 0>} : vector<400x200xi32>
    %eq3A_80 = vector.broadcast %reshape3A : vector<1x200xi32> to vector<400x200xi32>
    %eq3A_81 = arith.cmpi eq, %iota3A, %eq3A_80 : vector<400x200xi32>
    %convert_element_type3A_82 = arith.extui %eq3A_81 : vector<400x200xi1> to vector<400x200xi32>
    %convert_element_type3A_83 = arith.sitofp %convert_element_type3A_82 : vector<400x200xi32> to vector<400x200xf32>
    %get3A_84 = arith.constant 0 : index
    %get3A_85 = arith.constant 0 : index
    %get3A_86 = vector.load %arg11[%get3A_84, %get3A_85] : memref<400x512xf32, #tpu.memory_space<vmem>>, vector<400x512xf32>
    %dot_general3A_87 = arith.constant dense<0.000000e+00> : vector<400x512xf32>
    %dot_general3A_88 = tpu.matmul %convert_element_type3A_83, %max3A_75, %dot_general3A_87 {dimension_numbers = #tpu.dot_dimension_numbers<[1], [0], [0], [1], [0, 0, 1, 1], [], []>, transpose_lhs_hint = false} : vector<400x200xf32>, vector<200x512xf32>, vector<400x512xf32> -> vector<400x512xf32>
    %add3A_89 = arith.addf %get3A_86, %dot_general3A_88 : vector<400x512xf32>
    %swap3A = arith.constant 0 : index
    %swap3A_90 = arith.constant 0 : index
    %swap3A_91 = vector.load %arg11[%swap3A, %swap3A_90] : memref<400x512xf32, #tpu.memory_space<vmem>>, vector<400x512xf32>
    tpu.vector_store %arg11[%swap3A, %swap3A_90], %add3A_89 {strides = array<i32>} : memref<400x512xf32, #tpu.memory_space<vmem>>, vector<400x512xf32>,
    %get3A_92 = arith.constant 0 : index
    %get3A_93 = arith.constant 0 : index
    %get3A_94 = vector.load %arg12[%get3A_92, %get3A_93] : memref<400x512xf32, #tpu.memory_space<vmem>>, vector<400x512xf32>
    %broadcast_in_dim3A = arith.constant 1.000000e+00 : f32
    %broadcast_in_dim3A_95 = vector.broadcast %broadcast_in_dim3A : f32 to vector<200x512xf32>
    %dot_general3A_96 = arith.constant dense<0.000000e+00> : vector<400x512xf32>
    %dot_general3A_97 = tpu.matmul %convert_element_type3A_83, %broadcast_in_dim3A_95, %dot_general3A_96 {dimension_numbers = #tpu.dot_dimension_numbers<[1], [0], [0], [1], [0, 0, 1, 1], [], []>, transpose_lhs_hint = false} : vector<400x200xf32>, vector<200x512xf32>, vector<400x512xf32> -> vector<400x512xf32>
    %add3A_98 = arith.addf %get3A_94, %dot_general3A_97 : vector<400x512xf32>
    %swap3A_99 = arith.constant 0 : index
    %swap3A_100 = arith.constant 0 : index
    %swap3A_101 = vector.load %arg12[%swap3A_99, %swap3A_100] : memref<400x512xf32, #tpu.memory_space<vmem>>, vector<400x512xf32>
    tpu.vector_store %arg12[%swap3A_99, %swap3A_100], %add3A_98 {strides = array<i32>} : memref<400x512xf32, #tpu.memory_space<vmem>>, vector<400x512xf32>,
    %eq3A_102 = arith.constant 49 : i32
    %eq3A_103 = arith.cmpi eq, %arg0, %eq3A_102 : i32
    %convert_element_type3A_104 = arith.extui %eq3A_103 : i1 to i32
    %cond3A_105 = arith.constant 0 : i32
    %cond3A_106 = arith.cmpi ne, %convert_element_type3A_104, %cond3A_105 : i32
    scf.if %cond3A_106 {
      %get3A_107 = arith.constant 0 : index
      %get3A_108 = arith.constant 0 : index
      %get3A_109 = vector.load %arg11[%get3A_107, %get3A_108] : memref<400x512xf32, #tpu.memory_space<vmem>>, vector<400x512xf32>
      %get3A_110 = arith.constant 0 : index
      %get3A_111 = arith.constant 0 : index
      %get3A_112 = vector.load %arg12[%get3A_110, %get3A_111] : memref<400x512xf32, #tpu.memory_space<vmem>>, vector<400x512xf32>
      %max3A_113 = arith.constant 1.000000e+00 : f32
      %max3A_114 = vector.broadcast %max3A_113 : f32 to vector<400x512xf32>
      %max3A_115 = arith.maximumf %get3A_112, %max3A_114 : vector<400x512xf32>
      %div3A = arith.divf %get3A_109, %max3A_115 : vector<400x512xf32>
      %swap3A_116 = arith.constant 0 : index
      %swap3A_117 = arith.constant 0 : index
      %swap3A_118 = vector.load %arg10[%swap3A_116, %swap3A_117] : memref<400x512xf32, #tpu.memory_space<vmem>>, vector<400x512xf32>
      tpu.vector_store %arg10[%swap3A_116, %swap3A_117], %div3A {strides = array<i32>} : memref<400x512xf32, #tpu.memory_space<vmem>>, vector<400x512xf32>,
    } else {
    }
    return
  }
  func.func @transform_0(%arg0: i32) -> (i32, i32) {
    %c0_i32 = arith.constant 0 : i32
    %c0_i32_0 = arith.constant 0 : i32
    return %arg0, %c0_i32 : i32, i32
  }
  func.func @transform_1(%arg0: i32) -> (i32, i32) {
    %c0_i32 = arith.constant 0 : i32
    %c0_i32_0 = arith.constant 0 : i32
    return %arg0, %c0_i32 : i32, i32
  }
  func.func @transform_2(%arg0: i32) -> (i32, i32) {
    %c0_i32 = arith.constant 0 : i32
    %c0_i32_0 = arith.constant 0 : i32
    return %arg0, %c0_i32 : i32, i32
  }
  func.func @transform_3(%arg0: i32) -> (i32, i32) {
    %c0_i32 = arith.constant 0 : i32
    %c0_i32_0 = arith.constant 0 : i32
    return %arg0, %c0_i32 : i32, i32
  }
  func.func @transform_4(%arg0: i32) -> (i32, i32, i32) {
    %c0_i32 = arith.constant 0 : i32
    %c0_i32_0 = arith.constant 0 : i32
    %c0_i32_1 = arith.constant 0 : i32
    return %arg0, %c0_i32, %c0_i32_0 : i32, i32, i32
  }
  func.func @transform_5(%arg0: i32) -> (i32, i32) {
    %c0_i32 = arith.constant 0 : i32
    %c0_i32_0 = arith.constant 0 : i32
    %c0_i32_1 = arith.constant 0 : i32
    return %c0_i32, %c0_i32_0 : i32, i32
  }
  func.func @transform_6(%arg0: i32) -> (i32, i32) {
    %c0_i32 = arith.constant 0 : i32
    %c0_i32_0 = arith.constant 0 : i32
    %c0_i32_1 = arith.constant 0 : i32
    return %c0_i32, %c0_i32_0 : i32, i32
  }
  func.func @transform_7(%arg0: i32) -> (i32, i32) {
    %c0_i32 = arith.constant 0 : i32
    %c0_i32_0 = arith.constant 0 : i32
    %c0_i32_1 = arith.constant 0 : i32
    return %c0_i32, %c0_i32_0 : i32, i32
  }
  func.func @transform_8(%arg0: i32) -> (i32, i32) {
    %c0_i32 = arith.constant 0 : i32
    %c0_i32_0 = arith.constant 0 : i32
    %c0_i32_1 = arith.constant 0 : i32
    return %c0_i32, %c0_i32_0 : i32, i32
  }
  func.func @transform_9(%arg0: i32) -> (i32, i32) {
    %c0_i32 = arith.constant 0 : i32
    %c0_i32_0 = arith.constant 0 : i32
    %c0_i32_1 = arith.constant 0 : i32
    return %c0_i32, %c0_i32_0 : i32, i32
  }
}

</mosaic_0001>

<sc_bundles>
// kernel: kernel.11.cloned.1.call-start
scs
__scs_entry_jumppad:
0x0: {  	(pc) =	sbr.rel $0x88, $3  }
0x1: {  	(tag) =	ssettag $0x0;
	lr =	simm.s32 $0x1  }
0x2: {  	[smem:$0x3F98] =	sst lr;
	_ =	strace $0xD0000000  }
0x3: {  	_ = 	snop  }
0x4: {  	_ = 	snop  }
0x5: {  	_ = 	snop  }
0x6: {  	_ = 	snop  }
0x7: {  	_ = 	snop  }
__scs_overlays_trampoline_lowered:
0x8: {  	[smem:$0x3FA7] =	sst s0  }
0x9: {  	[smem:$0x3FA8] =	sst s1  }
0xa: {  	[smem:$0x3FA9] =	sst s2  }
0xb: {  	[smem:$0x3FAA] =	sst s3  }
0xc: {  	[smem:$0x3FAB] =	sst s4  }
0xd: {  	[smem:$0x3FAC] =	sst s5  }
0xe: {  	[smem:$0x3FAD] =	sst s6  }
0xf: {  	[smem:$0x3FAE] =	sst s7  }
0x10: {  	[smem:$0x3FAF] =	sst s8  }
0x11: {  	[smem:$0x3FB0] =	sst s9;
	s0 =	simm.s32 @!p0 $0x0  }
0x12: {  	s1 =	sld [smem:$0x3F96];
	s0 =	simm.s32 @p0 $0x1  }
0x13: {  	[smem:$0x3FB1] =	sst s0;
	s0 =	simm.s32 @!p1 $0x0  }
0x14: {  	s2 =	sld [smem:$0x3F95];
	s0 =	simm.s32 @p1 $0x1  }
0x15: {  	[smem:$0x3FB2] =	sst s0;
	s0 =	simm.s32 @!p2 $0x0  }
0x16: {  	s3 =	sld [smem:$0x3FDB];
	s0 =	simm.s32 @p2 $0x1  }
0x17: {  	s4 =	simm.s32 $0x1BF5;
	[smem:$0x3FB4] =	sst s0  }
0x18: {  	s0 =	sld [smem:$0x3F97];
	_ =	swait.ge [sflag:s4], $0x0  }
0x19: {  	s7 =	sld [smem:$0x3F98]  }
0x1a: {  	s8 =	sadd.s32 $0xFFFFE003, lr  }
0x1b: {  	s9 =	sadd.s32 $0xFFFFFEF7, lr;
	s5 =	simm.s32 $0xFFFFFFFF;
	p2 =	slt.u32 s8, $0xFFFFF086  }
0x1c: {  	p1 =	slt.u32 s9, $0xF7A;
	s5 =	simm.s32 @!p2 $0x0  }
0x1d: {  	s5 =	simm.s32 @p1 $0x1;
	p0 =	seq.s32 s7, s2  }
0x1e: {  	s7 =	smul.u32 @!p0 $0xF7A, s2;
	p2 =	seq.s32 @!p0 s5, $0x0  }
0x1f: {  	s9 =	smul.u32 $0xF7A, s1;
	s8 =	simm.s32 @!p0 $0x1BF5;
	p2 =	por !p2, p0  }
0x20: {  	[sflag:s8] =	ssyncset.s32 @!p0 $0xFFFFF086;
	s6 =	sadd.s32 @!p0 s3, s7;
	s7 =	simm.s32 @!p0 $0x108  }
0x21: {  	s3 =	sadd.s32 s3, s9;
	s6 =	sadd.s32 @!p0 $0x88, s6;
	s7 =	simm.s32 @p2 $0x1082  }
0x22: {  	[simem:s7], [sflag:s8] =	dma.local @!p0 [hbm:s6], $0xF7A  }
0x23: {  	s9 =	sor.u32 $0xD0000000, s2;
	s6 =	simm.s32 $0x108;
	_ =	swait.ge @!p0 [sflag:s8], $0x0  }
0x24: {  	s3 =	sadd.s32 $0x88, s3;
	s6 =	simm.s32 @!p1 $0x1082;
	[sflag:s4] =	ssyncset.s32 $0xFFFFF086  }
0x25: {  	[simem:s6], [sflag:s4] =	dma.local [hbm:s3], $0xF7A  }
0x26: {  	[smem:$0x3F98] =	sst s1;
	(tag) =	ssettag s2;
	_ =	strace s9  }
0x27: {  	s1 =	sld [smem:$0x3FA8]  }
0x28: {  	s2 =	sld [smem:$0x3FA9]  }
0x29: {  	s4 =	sld [smem:$0x3FAB]  }
0x2a: {  	p0 =	seq.s32 s5, $0x0;
	s5 =	sld [smem:$0x3FAC]  }
0x2b: {  	s6 =	sld [smem:$0x3FAD]  }
0x2c: {  	s7 =	sld [smem:$0x3FAE]  }
0x2d: {  	s3 =	simm.s32 $0x108;
	s8 =	sld [smem:$0x3FAF]  }
0x2e: {  	s3 =	simm.s32 @!p0 $0x1082;
	s9 =	sld [smem:$0x3FB0]  }
0x2f: {  	lr =	sadd.s32 s0, s3;
	s0 =	sld [smem:$0x3FA7]  }
0x30: {  	s3 =	sld [smem:$0x3FAA]  }
0x31: {  	[smem:$0x3FB3] =	sst s10  }
0x32: {  	s10 =	sld [smem:$0x3FB1];
	_ =	sdelay $0x3  }
0x33: {  	p0 =	seq.s32 s10, $0x1;
	s10 =	sld [smem:$0x3FB3];
	_ =	sdelay $0x3  }
0x34: {  	[smem:$0x3FB3] =	sst s10  }
0x35: {  	s10 =	sld [smem:$0x3FB2];
	_ =	sdelay $0x3  }
0x36: {  	p1 =	seq.s32 s10, $0x1;
	s10 =	sld [smem:$0x3FB3];
	_ =	sdelay $0x3  }
0x37: {  	[smem:$0x3FB3] =	sst s10  }
0x38: {  	s10 =	sld [smem:$0x3FB4]  }
0x39: {  	_ = 	snop;
	(pc) =	sbr.ind lr, $3  }
0x3a: {  	_ = 	snop  }
0x3b: {  	_ = 	snop  }
0x3c: {  	p2 =	seq.s32 s10, $0x1;
	s10 =	sld [smem:$0x3FB3]  }
0x3d: {  	_ =	shalt  }
0x3e: {  	_ =	shalt  }
0x3f: {  	_ =	shalt  }
0x40: {  	_ =	shalt  }
0x41: {  	_ =	shalt  }
0x42: {  	_ =	shalt  }
0x43: {  	_ =	shalt  }
0x44: {  	_ =	shalt  }
0x45: {  	_ =	shalt  }
0x46: {  	_ =	shalt  }
0x47: {  	_ =	shalt  }
0x48: {  	_ =	shalt  }
0x49: {  	_ =	shalt  }
0x4a: {  	_ =	shalt  }
0x4b: {  	_ =	shalt  }
0x4c: {  	_ =	shalt  }
0x4d: {  	_ =	shalt  }
0x4e: {  	_ =	shalt  }
0x4f: {  	_ =	shalt  }
0x50: {  	_ =	shalt  }
0x51: {  	_ =	shalt  }
0x52: {  	_ =	shalt  }
0x53: {  	_ =	shalt  }
0x54: {  	_ =	shalt  }
0x55: {  	_ =	shalt  }
0x56: {  	_ =	shalt  }
0x57: {  	_ =	shalt  }
0x58: {  	_ =	shalt  }
0x59: {  	_ =	shalt  }
0x5a: {  	_ =	shalt  }
0x5b: {  	_ =	shalt  }
0x5c: {  	_ =	shalt  }
0x5d: {  	_ =	shalt  }
0x5e: {  	_ =	shalt  }
0x5f: {  	_ =	shalt  }
0x60: {  	_ =	shalt  }
0x61: {  	_ =	shalt  }
0x62: {  	_ =	shalt  }
0x63: {  	_ =	shalt  }
0x64: {  	_ =	shalt  }
0x65: {  	_ =	shalt  }
0x66: {  	_ =	shalt  }
0x67: {  	_ =	shalt  }
0x68: {  	_ =	shalt  }
0x69: {  	_ =	shalt  }
0x6a: {  	_ =	shalt  }
0x6b: {  	_ =	shalt  }
0x6c: {  	_ =	shalt  }
0x6d: {  	_ =	shalt  }
0x6e: {  	_ =	shalt  }
0x6f: {  	_ =	shalt  }
0x70: {  	_ =	shalt  }
0x71: {  	_ =	shalt  }
0x72: {  	_ =	shalt  }
0x73: {  	_ =	shalt  }
0x74: {  	_ =	shalt  }
0x75: {  	_ =	shalt  }
0x76: {  	_ =	shalt  }
0x77: {  	_ =	shalt  }
0x78: {  	_ =	shalt  }
0x79: {  	_ =	shalt  }
0x7a: {  	_ =	shalt  }
0x7b: {  	_ =	shalt  }
0x7c: {  	_ =	shalt  }
0x7d: {  	_ =	shalt  }
0x7e: {  	_ =	shalt  }
0x7f: {  	_ =	shalt  }
0x80: {  	_ =	shalt  }
0x81: {  	_ =	shalt  }
0x82: {  	_ =	shalt  }
0x83: {  	_ =	shalt  }
0x84: {  	_ =	shalt  }
0x85: {  	_ =	shalt  }
0x86: {  	_ =	shalt  }
0x87: {  	_ =	shalt  }
.Lfunc_end0:
.L_simem_size_0:
called_computation_lowered:
.L_overlay_start_0:
0x88: {  	s2 =	sld [smem:$0x3FD9]  }
0x89: {  	s3 =	sld [smem:$0x3FFE];
	_ =	sdelay $0x1  }
0x8a: {  	s1 =	srdreg.scid  }
0x8b: {  	s0 =	sand.u32 $0x1, s1  }
0x8c: {  	s17 =	sshll.u32 s0, $0xA;
	s2 =	sadd.s32 s3, s2  }
0x8d: {  	s2 =	sadd.s32 s2, s17  }
0x8e: {  	[smem:$0x3FBF] =	sst s2  }
0x8f: {  	_ = 	snop  }
0x90: {  	s2 =	sld [smem:$0x3FC7]  }
0x91: {  	s18 =	sld [smem:$0x3FC6];
	(tm) =	ssettm $0x1  }
0x92: {  	s4 =	sld [smem:$0x3FFB];
	_ =	sdelay $0x3  }
0x93: {  	_ =	strace s4  }
0x94: {  	s4 =	sld [smem:$0x3FFC];
	_ =	sdelay $0x3  }
0x95: {  	_ =	strace s4  }
0x96: {  	s4 =	sld [smem:$0x3FFD];
	_ =	sdelay $0x3  }
0x97: {  	_ =	strace s4  }
0x98: {  	_ =	strace $0x8FFFFFFF  }
0x99: {  	s19 =	sld [smem:$0x3FDB];
	_ =	sdelay $0x1  }
0x9a: {  	s5 =	simm.s32 $_scs_section_size  }
0x9b: {  	s6 =	simm.s32 $_size__tile_overlayer_lowered;
	s7 =	simm.s32 $_tile_overlayer_lowered  }
0x9c: {  	s22 =	simm.s32 $0x1BFF;
	s21 =	sshll.u32 s7, $0x1;
	s4 =	sadd.s32 s5, s19  }
0x9d: {  	s8 =	simm.s32 $0x0;
	s20 =	sshll.u32 s6, $0x1;
	s6 =	sadd.s32 s21, s4  }
0x9e: {  	[timem:s8], [sflag:s22] =	dma.local [hbm:s6], s20  }
0x9f: {  	_ =	swait.ge [sflag:s22], s20  }
0xa0: {  	s5 =	ssub.s32 $0x0, s20;
	[sflag:s22] =	ssyncset.done $0x0  }
0xa1: {  	[sflag:s22] =	ssyncadd.s32 s5;
	_ =	sdelay $0x1  }
0xa2: {  	s23 =	simm.s32 $0x1B8B  }
0xa3: {  	_ =	swait.ge [sflag:s23], $0x1  }
0xa4: {  	[sflag:s23] =	ssyncset.done $0x0  }
0xa5: {  	s25 =	simm.s32 $0x1B8E;
	s24 =	sld [smem:$0x3FFE];
	[sflag:s23] =	ssyncadd.s32 $0xFFFFFFFF  }
0xa6: {  	s26 =	simm.s32 $execute0_lowered;
	[smem:$0x3FD2] =	sst s25  }
0xa7: {  	s6 =	sshll.u32 s26, $0x1;
	_ =	strace $0x80000046;
	[dreg:$0x1] =	wrdreg $0xFFFFFFFF  }
0xa8: {  	s28 =	simm.s32 $_size_execute0_lowered;
	s4 =	sadd.s32 s4, s6;
	[dreg:$0x0] =	wrdreg $0x0  }
0xa9: {  	s6 =	sshll.u32 s28, $0x1;
	[dreg:$0x2] =	wrdreg s4  }
0xaa: {  	[dreg:$0x3] =	wrdreg s6  }
0xab: {  	[dreg:$0x4] =	wrdreg $0xC0  }
0xac: {  	_ =	task [dreg:s8], $0x5FFFF  }
0xad: {  	[dreg:$0x1] =	wrdreg $0xFFFFFFFF  }
0xae: {  	[dreg:$0x0] =	wrdreg $0x60  }
0xaf: {  	[dreg:$0x2] =	wrdreg s24  }
0xb0: {  	[dreg:$0x3] =	wrdreg s2  }
0xb1: {  	[dreg:$0x4] =	wrdreg s18  }
0xb2: {  	[dreg:$0x5] =	wrdreg $0x9  }
0xb3: {  	_ =	task.clear_ibuf [dreg:s8], $0x6FFFF;
	_ =	strace $0x90000046  }
0xb4: {  	s29 =	simm.s32 $0x9;
	_ =	strace $0x80000048  }
0xb5: {  	_ =	swait.ge [sflag:s29], $0x1  }
0xb6: {  	[sflag:s29] =	ssyncadd.s32 $0xFFFFFFFF  }
0xb7: {  	_ =	strace $0x90000048  }
0xb8: {  	_ =	sfence  }
0xb9: {  	s30 =	sld [smem:$0x0];
	_ =	sdelay $0x2  }
0xba: {  	s31 =	sshll.u32 s1, $0xD;
	s1 =	sshrl.u32 s1, $0x2  }
0xbb: {  	s3 =	sand.u32 $0x4000, s31;
	s1 =	sadd.s32 s1, s30  }
0xbc: {  	s0 =	sor.u32 s3, s0;
	s1 =	sshll.u32 s1, $0x11  }
0xbd: {  	s0 =	sor.u32 s1, s0  }
0xbe: {  	s0 =	sadd.s32 $0x8F2B, s0  }
0xbf: {  	[sflag:s0] =	ssyncadd.remote.s32 $0x1  }
0xc0: {  	_ =	sfence.sel $0xFFFF  }
0xc1: {  	[dreg:$0x0] =	wrdreg $0xFFFFFFFF;
	(pc) =	sbr.abs _section_cstart, $3  }
0xc2: {  	[dreg:$0x1] =	wrdreg $0xFFFFFFFF  }
0xc3: {  	_ =	task.clear_ibuf [dreg:s8], $0x2FFFF;
	_ =	strace $0x9FFFFFFF  }
0xc4: {  	(tm) =	ssettm $0x7FFFFFFF  }
0xc5: {  	_ =	shalt  }
tec
execute0_lowered:
.L_overlay_start_1:
0x0: {  	(tag) =	ssettag $0x1  }
0x1: {  	s0 =	rddreg [dreg:$0x0]  }
0x2: {  	s1 =	rddreg [dreg:$0x1]  }
0x3: {  	s5 =	rddreg [dreg:$0x2];
	s2 =	simm.s32 $0x0  }
0x4: {  	s3 =	srdreg.scid;
	s12 =	stileid.u32;
	s22 =	simm.s32 $0x8000  }
0x5: {  	s23 =	simm.s32 $0x8800;
	s24 =	simm.s32 $0x9000;
	s25 =	simm.s32 $0x9800  }
0x6: {  	s26 =	simm.s32 $0xA800;
	s28 =	simm.s32 $0x1;
	s29 =	simm.s32 $0x3  }
0x7: {  	s30 =	simm.s32 $0x2;
	s31 =	simm.s32 $0x4;
	[smem:$0x7FF] =	sst s2  }
0x8: {  	s6 =	sand.u32 $0x1, s3;
	s3 =	sadd.s32 $0x4000, s0;
	s4 =	sadd.s32 $0x27EE00, s0  }
0x9: {  	s13 =	sshll.u32 s12, $0x1;
	s11 =	sadd.s32 $0xC42E00, s0;
	s0 =	sadd.s32 $0x1124E00, s0  }
0xa: {  	s15 =	smul.u32 $0x4E200, s12;
	_ =	strace $0x80000047;
	[dreg:$0x6] =	wrdreg s22  }
0xb: {  	s12 =	simm.s32 $0x2800;
	s7 =	sor.u32 s6, s13;
	[dreg:$0x7] =	wrdreg s23  }
0xc: {  	s8 =	ssub.s32 $0x2, s6;
	s6 =	smul.u32 $0x27100, s6;
	[dreg:$0x8] =	wrdreg s24  }
0xd: {  	s13 =	simm.s32 $0x3000;
	s22 =	simm.s32 $0x7800;
	[dreg:$0x9] =	wrdreg s25  }
0xe: {  	s23 =	simm.s32 $0xA000;
	[dreg:$0xa] =	wrdreg s26;
	s24 =	simm.s32 $0xB000  }
0xf: {  	s25 =	simm.s32 $0xB800;
	s26 =	simm.s32 $0xC000;
	s9 =	smul.u32 $0x1388, s7  }
0x10: {  	s10 =	sshrl.u32 s8, $0x1;
	s7 =	smul.u32 $0x138800, s7;
	s18 =	sadd.s32 s15, s0  }
0x11: {  	s20 =	sadd.s32 s15, s11;
	s15 =	simm.s32 $0x4000;
	s10 =	ssub.s32 s8, s10  }
0x12: {  	s19 =	sadd.s32 s6, s18;
	s21 =	sadd.s32 s6, s20;
	s18 =	simm.s32 $0x5800  }
0x13: {  	s20 =	simm.s32 $0x6800;
	s14 =	sshrl.u32 s9, $0x3;
	[dreg:$0x4] =	wrdreg s19  }
0x14: {  	s7 =	sshrl.u32 s7, $0x3;
	s9 =	smax.u32 s10, $0x1;
	[dreg:$0x5] =	wrdreg s21  }
0x15: {  	s10 =	simm.s32 $0x5;
	s19 =	simm.s32 $0x6000;
	s1 =	sadd.s32 s1, s14  }
0x16: {  	s21 =	simm.s32 $0x7000;
	s5 =	sadd.s32 s5, s14;
	[dreg:$0xb] =	wrdreg s1  }
0x17: {  	v2 =	vlaneseq.u32;
	s16 =	sadd.s32 $0x26C00, s7;
	s14 =	simm.s32 $0x3800;
	[dreg:$0xc] =	wrdreg s5  }
0x18: {  	vm0 =	vmmov $0xffff;
	v1 =	vshrl.u32 v2, $0x3;
	s17 =	sadd.s32 s11, s16;
	s8 =	sadd.s32 s0, s16;
	s16 =	simm.s32 $0x4800  }
0x19: {  	v0 =	vand.u32 $0x7, v2;
	v2 =	vor.u32 $0x8, v2;
	v1 =	vmul.u32 $0x8, v1;
	s0 =	simm.s32 $0x0;
	[dreg:$0xd] =	wrdreg s17;
	s17 =	simm.s32 $0x5000  }
.LBB2_1:
0x1a: {  	s1 =	rddreg [dreg:$0xb]  }
0x1b: {  	[tilespmem:s2], [sflag:$0x5] =	stream.linear.gather [hbm4b:s1+s2], $0x1388, $0x38;
	[tilespmem:$0xC800] =	vst v63  }
0x1c: {  	_ =	swait.ge [sflag:s10], $0x1388  }
0x1d: {  	[sflag:s10] =	ssyncset.done $0x0  }
0x1e: {  	s5 =	simm.s32 $0x1400;
	s11 =	rddreg [dreg:$0xc];
	[sflag:s10] =	ssyncadd.s32 $0xFFFFEC78  }
0x1f: {  	[tilespmem:s5], [sflag:$0x5] =	stream.linear.gather [hbm4b:s11+s2], $0x1388, $0x38;
	[tilespmem:$0xC800] =	vst v63  }
0x20: {  	_ =	swait.ge [sflag:s10], $0x1388  }
0x21: {  	[sflag:s10] =	ssyncset.done $0x0  }
0x22: {  	[sflag:s10] =	ssyncadd.s32 $0xFFFFEC78  }
0x23: {  	v3 =	vld [tilespmem:$0x0];
	_ =	sdelay $0x4  }
0x24: {  	v4 =	vshll.u32 v3, $0x1  }
0x25: {  	v3 =	vand.u32 $0x7, v3;
	v4 =	vand.u32 $0xFFFFFFF0, v4  }
0x26: {  	v3 =	vor.u32 v3, v4  }
0x27: {  	v4 =	vperm.xlane v3, v0;
	_ =	sdelay $0x1  }
0x28: {  	v3 =	vperm.xlane v3, v2;
	v4 =	vadd.s32 v1, v4;
	_ =	sdelay $0x1  }
0x29: {  	v3 =	vadd.s32 v1, v3;
	_ =	sdelay $0x2  }
0x2a: {  	[tilespmem:s12], [sflag:$0x1] =	stream.indirect_vreg.gather [hbm4b:s3+s2], $0x80, v4, vm0, $0xb8;
	[tilespmem:$0xC800] =	vst v63  }
0x2b: {  	_ = 	snop  }
0x2c: {  	[tilespmem:s13], [sflag:$0x1] =	stream.indirect_vreg.gather [hbm4b:s3+s2], $0x80, v3, vm0, $0xb8;
	[tilespmem:$0xC800] =	vst v63  }
0x2d: {  	v3 =	vld [tilespmem:$0x10];
	_ =	sdelay $0x4  }
0x2e: {  	v59 =	vshll.u32 v3, $0x1  }
0x2f: {  	v3 =	vand.u32 $0x7, v3;
	v4 =	vand.u32 $0xFFFFFFF0, v59  }
0x30: {  	v3 =	vor.u32 v3, v4  }
0x31: {  	v4 =	vperm.xlane v3, v0;
	_ =	sdelay $0x1  }
0x32: {  	v3 =	vperm.xlane v3, v2;
	v4 =	vadd.s32 v1, v4;
	_ =	sdelay $0x1  }
0x33: {  	v3 =	vadd.s32 v1, v3;
	_ =	sdelay $0x2  }
0x34: {  	[tilespmem:s14], [sflag:$0x1] =	stream.indirect_vreg.gather [hbm4b:s3+s2], $0x80, v4, vm0, $0xb8;
	[tilespmem:$0xC800] =	vst v63  }
0x35: {  	_ = 	snop  }
0x36: {  	[tilespmem:s15], [sflag:$0x1] =	stream.indirect_vreg.gather [hbm4b:s3+s2], $0x80, v3, vm0, $0xb8;
	[tilespmem:$0xC800] =	vst v63  }
0x37: {  	v3 =	vld.msk [tilespmem:$0x20], $0xff;
	_ =	sdelay $0x4  }
0x38: {  	v60 =	vshll.u32 v3, $0x1  }
0x39: {  	v3 =	vand.u32 $0x7, v3;
	v4 =	vand.u32 $0xFFFFFFF0, v60  }
0x3a: {  	v3 =	vor.u32 v3, v4  }
0x3b: {  	v3 =	vperm.xlane v3, v0;
	_ =	sdelay $0x1  }
0x3c: {  	v3 =	vadd.s32 v1, v3;
	_ =	sdelay $0x4  }
0x3d: {  	[tilespmem:s16], [sflag:$0x1] =	stream.indirect_vreg.gather [hbm4b:s3+s2], $0x80, v3, vm0, $0xb8;
	[tilespmem:$0xC800] =	vst v63  }
0x3e: {  	v3 =	vld [tilespmem:$0x1400];
	_ =	sdelay $0x4  }
0x3f: {  	v61 =	vshll.u32 v3, $0x1  }
0x40: {  	v3 =	vand.u32 $0x7, v3;
	v4 =	vand.u32 $0xFFFFFFF0, v61  }
0x41: {  	v3 =	vor.u32 v3, v4  }
0x42: {  	v4 =	vperm.xlane v3, v0;
	_ =	sdelay $0x1  }
0x43: {  	v3 =	vperm.xlane v3, v2;
	v4 =	vadd.s32 v1, v4;
	_ =	sdelay $0x1  }
0x44: {  	v3 =	vadd.s32 v1, v3;
	_ =	sdelay $0x2  }
0x45: {  	[tilespmem:s17], [sflag:$0x1] =	stream.indirect_vreg.gather [hbm4b:s4+s2], $0x80, v4, vm0, $0xb8;
	[tilespmem:$0xC800] =	vst v63  }
0x46: {  	_ = 	snop  }
0x47: {  	[tilespmem:s18], [sflag:$0x1] =	stream.indirect_vreg.gather [hbm4b:s4+s2], $0x80, v3, vm0, $0xb8;
	[tilespmem:$0xC800] =	vst v63  }
0x48: {  	v3 =	vld [tilespmem:$0x1410];
	_ =	sdelay $0x4  }
0x49: {  	v62 =	vshll.u32 v3, $0x1  }
0x4a: {  	v3 =	vand.u32 $0x7, v3;
	v4 =	vand.u32 $0xFFFFFFF0, v62  }
0x4b: {  	v3 =	vor.u32 v3, v4  }
0x4c: {  	v4 =	vperm.xlane v3, v0;
	_ =	sdelay $0x1  }
0x4d: {  	v3 =	vperm.xlane v3, v2;
	v4 =	vadd.s32 v1, v4;
	_ =	sdelay $0x1  }
0x4e: {  	v3 =	vadd.s32 v1, v3;
	_ =	sdelay $0x2  }
0x4f: {  	[tilespmem:s19], [sflag:$0x1] =	stream.indirect_vreg.gather [hbm4b:s4+s2], $0x80, v4, vm0, $0xb8;
	[tilespmem:$0xC800] =	vst v63  }
0x50: {  	_ = 	snop  }
0x51: {  	[tilespmem:s20], [sflag:$0x1] =	stream.indirect_vreg.gather [hbm4b:s4+s2], $0x80, v3, vm0, $0xb8;
	[tilespmem:$0xC800] =	vst v63  }
0x52: {  	v3 =	vld.msk [tilespmem:$0x1420], $0xff;
	_ =	sdelay $0x4  }
0x53: {  	v63 =	vshll.u32 v3, $0x1  }
0x54: {  	v3 =	vand.u32 $0x7, v3;
	v4 =	vand.u32 $0xFFFFFFF0, v63  }
0x55: {  	v3 =	vor.u32 v3, v4  }
0x56: {  	v3 =	vperm.xlane v3, v0;
	_ =	sdelay $0x1  }
0x57: {  	v3 =	vadd.s32 v1, v3;
	_ =	sdelay $0x3  }
0x58: {  	s1 =	simm.s32 $0x38;
	s11 =	simm.s32 $0x1438;
	s5 =	simm.s32 $0x0  }
0x59: {  	[tilespmem:s21], [sflag:$0x1] =	stream.indirect_vreg.gather [hbm4b:s4+s2], $0x80, v3, vm0, $0xb8;
	[tilespmem:$0xC800] =	vst v63  }
.LBB2_2:
0x5a: {  	p0 =	seq.s32 s5, $0x0  }
0x5b: {  	s6 =	simm.s32 @!p0 $0x4  }
0x5c: {  	_ =	swait.ge @!p0 [sflag:s6], $0x2800  }
0x5d: {  	[sflag:s6] =	ssyncset.done @!p0 $0x0  }
0x5e: {  	[sflag:s6] =	ssyncadd.s32 @!p0 $0xFFFFD800  }
0x5f: {  	_ =	swait.ge @!p0 [sflag:s6], $0x2800  }
0x60: {  	[sflag:s6] =	ssyncset.done @!p0 $0x0  }
0x61: {  	[sflag:s6] =	ssyncadd.s32 @!p0 $0xFFFFD800  }
0x62: {  	v3 =	vld [tilespmem:s1+$0xFFFFFFF0];
	_ =	sdelay $0x4  }
0x63: {  	v4 =	vshll.u32 v3, $0x1  }
0x64: {  	v3 =	vand.u32 $0x7, v3;
	v4 =	vand.u32 $0xFFFFFFF0, v4  }
0x65: {  	v3 =	vor.u32 v3, v4  }
0x66: {  	v4 =	vperm.xlane v3, v0;
	_ =	sdelay $0x1  }
0x67: {  	v3 =	vperm.xlane v3, v2;
	v4 =	vadd.s32 v1, v4;
	_ =	sdelay $0x1  }
0x68: {  	v3 =	vadd.s32 v1, v3;
	_ =	sdelay $0x2  }
0x69: {  	[tilespmem:s22], [sflag:$0x2] =	stream.indirect_vreg.gather [hbm4b:s3+s2], $0x80, v4, vm0, $0xb8;
	[tilespmem:$0xC800] =	vst v63  }
0x6a: {  	s7 =	rddreg [dreg:$0x6]  }
0x6b: {  	[tilespmem:s7], [sflag:$0x2] =	stream.indirect_vreg.gather [hbm4b:s3+s2], $0x80, v3, vm0, $0xb8;
	[tilespmem:$0xC800] =	vst v63  }
0x6c: {  	v3 =	vld [tilespmem:s1+$0x0];
	_ =	sdelay $0x4  }
0x6d: {  	v53 =	vshll.u32 v3, $0x1  }
0x6e: {  	v3 =	vand.u32 $0x7, v3;
	v4 =	vand.u32 $0xFFFFFFF0, v53  }
0x6f: {  	v3 =	vor.u32 v3, v4  }
0x70: {  	v4 =	vperm.xlane v3, v0;
	_ =	sdelay $0x1  }
0x71: {  	v3 =	vperm.xlane v3, v2;
	v4 =	vadd.s32 v1, v4;
	_ =	sdelay $0x1  }
0x72: {  	v3 =	vadd.s32 v1, v3;
	_ =	sdelay $0x1  }
0x73: {  	s6 =	rddreg [dreg:$0x7]  }
0x74: {  	[tilespmem:s6], [sflag:$0x2] =	stream.indirect_vreg.gather [hbm4b:s3+s2], $0x80, v4, vm0, $0xb8;
	[tilespmem:$0xC800] =	vst v63  }
0x75: {  	s7 =	rddreg [dreg:$0x8]  }
0x76: {  	[tilespmem:s7], [sflag:$0x2] =	stream.indirect_vreg.gather [hbm4b:s3+s2], $0x80, v3, vm0, $0xb8;
	[tilespmem:$0xC800] =	vst v63  }
0x77: {  	v3 =	vld.msk [tilespmem:s1+$0x10], $0xff;
	_ =	sdelay $0x4  }
0x78: {  	v54 =	vshll.u32 v3, $0x1  }
0x79: {  	v3 =	vand.u32 $0x7, v3;
	v4 =	vand.u32 $0xFFFFFFF0, v54  }
0x7a: {  	v3 =	vor.u32 v3, v4  }
0x7b: {  	v3 =	vperm.xlane v3, v0;
	_ =	sdelay $0x1  }
0x7c: {  	v3 =	vadd.s32 v1, v3;
	_ =	sdelay $0x3  }
0x7d: {  	s7 =	rddreg [dreg:$0x9]  }
0x7e: {  	[tilespmem:s7], [sflag:$0x2] =	stream.indirect_vreg.gather [hbm4b:s3+s2], $0x80, v3, vm0, $0xb8;
	[tilespmem:$0xC800] =	vst v63  }
0x7f: {  	v3 =	vld [tilespmem:s11+$0xFFFFFFF0];
	_ =	sdelay $0x4  }
0x80: {  	v55 =	vshll.u32 v3, $0x1  }
0x81: {  	v3 =	vand.u32 $0x7, v3;
	v4 =	vand.u32 $0xFFFFFFF0, v55  }
0x82: {  	v3 =	vor.u32 v3, v4  }
0x83: {  	v4 =	vperm.xlane v3, v0;
	_ =	sdelay $0x1  }
0x84: {  	v3 =	vperm.xlane v3, v2;
	v4 =	vadd.s32 v1, v4;
	_ =	sdelay $0x1  }
0x85: {  	v3 =	vadd.s32 v1, v3;
	_ =	sdelay $0x2  }
0x86: {  	[tilespmem:s23], [sflag:$0x2] =	stream.indirect_vreg.gather [hbm4b:s4+s2], $0x80, v4, vm0, $0xb8;
	[tilespmem:$0xC800] =	vst v63  }
0x87: {  	s7 =	rddreg [dreg:$0xa]  }
0x88: {  	[tilespmem:s7], [sflag:$0x2] =	stream.indirect_vreg.gather [hbm4b:s4+s2], $0x80, v3, vm0, $0xb8;
	[tilespmem:$0xC800] =	vst v63  }
0x89: {  	v3 =	vld [tilespmem:s11+$0x0];
	_ =	sdelay $0x4  }
0x8a: {  	v56 =	vshll.u32 v3, $0x1  }
0x8b: {  	v3 =	vand.u32 $0x7, v3;
	v4 =	vand.u32 $0xFFFFFFF0, v56  }
0x8c: {  	v3 =	vor.u32 v3, v4  }
0x8d: {  	v4 =	vperm.xlane v3, v0;
	_ =	sdelay $0x1  }
0x8e: {  	v3 =	vperm.xlane v3, v2;
	v4 =	vadd.s32 v1, v4;
	_ =	sdelay $0x1  }
0x8f: {  	v3 =	vadd.s32 v1, v3;
	_ =	sdelay $0x2  }
0x90: {  	[tilespmem:s24], [sflag:$0x2] =	stream.indirect_vreg.gather [hbm4b:s4+s2], $0x80, v4, vm0, $0xb8;
	[tilespmem:$0xC800] =	vst v63  }
0x91: {  	_ = 	snop  }
0x92: {  	[tilespmem:s25], [sflag:$0x2] =	stream.indirect_vreg.gather [hbm4b:s4+s2], $0x80, v3, vm0, $0xb8;
	[tilespmem:$0xC800] =	vst v63  }
0x93: {  	v3 =	vld.msk [tilespmem:s11+$0x10], $0xff;
	_ =	sdelay $0x4  }
0x94: {  	v57 =	vshll.u32 v3, $0x1  }
0x95: {  	v3 =	vand.u32 $0x7, v3;
	v4 =	vand.u32 $0xFFFFFFF0, v57  }
0x96: {  	v3 =	vor.u32 v3, v4  }
0x97: {  	v3 =	vperm.xlane v3, v0;
	_ =	sdelay $0x1  }
0x98: {  	v3 =	vadd.s32 v1, v3;
	_ =	sdelay $0x4  }
0x99: {  	[tilespmem:s26], [sflag:$0x2] =	stream.indirect_vreg.gather [hbm4b:s4+s2], $0x80, v3, vm0, $0xb8;
	[tilespmem:$0xC800] =	vst v63  }
0x9a: {  	_ =	swait.ge [sflag:s28], $0x2800  }
0x9b: {  	[sflag:s28] =	ssyncset.done $0x0  }
0x9c: {  	[sflag:s28] =	ssyncadd.s32 $0xFFFFD800  }
0x9d: {  	_ =	swait.ge [sflag:s28], $0x2800  }
0x9e: {  	s6 =	rddreg [dreg:$0x5];
	[sflag:s28] =	ssyncset.done $0x0  }
0x9f: {  	s7 =	rddreg [dreg:$0x4];
	[sflag:s28] =	ssyncadd.s32 $0xFFFFD800;
	s6 =	sadd.s32 s5, s6  }
0xa0: {  	[hbm4b:s6+s2] =	stream.linear.scatter [tilespmem:s12], [sflag:$0x3], $0x2800, $0x38;
	[tilespmem:$0xC800] =	vst v63  }
0xa1: {  	s7 =	sadd.s32 s5, s7  }
0xa2: {  	[hbm4b:s7+s2] =	stream.linear.scatter [tilespmem:s17], [sflag:$0x3], $0x2800, $0x38;
	[tilespmem:$0xC800] =	vst v63  }
0xa3: {  	_ =	swait.ge [sflag:s29], $0x2800  }
0xa4: {  	[sflag:s29] =	ssyncset.done $0x0  }
0xa5: {  	[sflag:s29] =	ssyncadd.s32 $0xFFFFD800  }
0xa6: {  	_ =	swait.ge [sflag:s29], $0x2800  }
0xa7: {  	[sflag:s29] =	ssyncset.done $0x0  }
0xa8: {  	[sflag:s29] =	ssyncadd.s32 $0xFFFFD800  }
0xa9: {  	v3 =	vld [tilespmem:s1+$0x18];
	_ =	sdelay $0x4  }
0xaa: {  	v58 =	vshll.u32 v3, $0x1  }
0xab: {  	v3 =	vand.u32 $0x7, v3;
	v4 =	vand.u32 $0xFFFFFFF0, v58  }
0xac: {  	v3 =	vor.u32 v3, v4  }
0xad: {  	v4 =	vperm.xlane v3, v0;
	_ =	sdelay $0x1  }
0xae: {  	v3 =	vperm.xlane v3, v2;
	v4 =	vadd.s32 v1, v4;
	_ =	sdelay $0x1  }
0xaf: {  	v3 =	vadd.s32 v1, v3;
	_ =	sdelay $0x2  }
0xb0: {  	[tilespmem:s12], [sflag:$0x1] =	stream.indirect_vreg.gather [hbm4b:s3+s2], $0x80, v4, vm0, $0xb8;
	[tilespmem:$0xC800] =	vst v63  }
0xb1: {  	_ = 	snop  }
0xb2: {  	[tilespmem:s13], [sflag:$0x1] =	stream.indirect_vreg.gather [hbm4b:s3+s2], $0x80, v3, vm0, $0xb8;
	[tilespmem:$0xC800] =	vst v63  }
0xb3: {  	v3 =	vld [tilespmem:s1+$0x28];
	_ =	sdelay $0x4  }
0xb4: {  	v59 =	vshll.u32 v3, $0x1  }
0xb5: {  	v3 =	vand.u32 $0x7, v3;
	v4 =	vand.u32 $0xFFFFFFF0, v59  }
0xb6: {  	v3 =	vor.u32 v3, v4  }
0xb7: {  	v4 =	vperm.xlane v3, v0;
	_ =	sdelay $0x1  }
0xb8: {  	v3 =	vperm.xlane v3, v2;
	v4 =	vadd.s32 v1, v4;
	_ =	sdelay $0x1  }
0xb9: {  	v3 =	vadd.s32 v1, v3;
	_ =	sdelay $0x2  }
0xba: {  	[tilespmem:s14], [sflag:$0x1] =	stream.indirect_vreg.gather [hbm4b:s3+s2], $0x80, v4, vm0, $0xb8;
	[tilespmem:$0xC800] =	vst v63  }
0xbb: {  	_ = 	snop  }
0xbc: {  	[tilespmem:s15], [sflag:$0x1] =	stream.indirect_vreg.gather [hbm4b:s3+s2], $0x80, v3, vm0, $0xb8;
	[tilespmem:$0xC800] =	vst v63  }
0xbd: {  	v3 =	vld.msk [tilespmem:s1+$0x38], $0xff;
	_ =	sdelay $0x4  }
0xbe: {  	v60 =	vshll.u32 v3, $0x1  }
0xbf: {  	v3 =	vand.u32 $0x7, v3;
	v4 =	vand.u32 $0xFFFFFFF0, v60  }
0xc0: {  	v3 =	vor.u32 v3, v4  }
0xc1: {  	v3 =	vperm.xlane v3, v0;
	_ =	sdelay $0x1  }
0xc2: {  	v3 =	vadd.s32 v1, v3;
	_ =	sdelay $0x4  }
0xc3: {  	[tilespmem:s16], [sflag:$0x1] =	stream.indirect_vreg.gather [hbm4b:s3+s2], $0x80, v3, vm0, $0xb8;
	[tilespmem:$0xC800] =	vst v63  }
0xc4: {  	v3 =	vld [tilespmem:s11+$0x18];
	_ =	sdelay $0x4  }
0xc5: {  	v61 =	vshll.u32 v3, $0x1  }
0xc6: {  	v3 =	vand.u32 $0x7, v3;
	v4 =	vand.u32 $0xFFFFFFF0, v61  }
0xc7: {  	v3 =	vor.u32 v3, v4  }
0xc8: {  	v4 =	vperm.xlane v3, v0;
	_ =	sdelay $0x1  }
0xc9: {  	v3 =	vperm.xlane v3, v2;
	v4 =	vadd.s32 v1, v4;
	_ =	sdelay $0x1  }
0xca: {  	v3 =	vadd.s32 v1, v3;
	_ =	sdelay $0x2  }
0xcb: {  	[tilespmem:s17], [sflag:$0x1] =	stream.indirect_vreg.gather [hbm4b:s4+s2], $0x80, v4, vm0, $0xb8;
	[tilespmem:$0xC800] =	vst v63  }
0xcc: {  	_ = 	snop  }
0xcd: {  	[tilespmem:s18], [sflag:$0x1] =	stream.indirect_vreg.gather [hbm4b:s4+s2], $0x80, v3, vm0, $0xb8;
	[tilespmem:$0xC800] =	vst v63  }
0xce: {  	v3 =	vld [tilespmem:s11+$0x28];
	_ =	sdelay $0x4  }
0xcf: {  	v62 =	vshll.u32 v3, $0x1  }
0xd0: {  	v3 =	vand.u32 $0x7, v3;
	v4 =	vand.u32 $0xFFFFFFF0, v62  }
0xd1: {  	v3 =	vor.u32 v3, v4  }
0xd2: {  	v4 =	vperm.xlane v3, v0;
	_ =	sdelay $0x1  }
0xd3: {  	v3 =	vperm.xlane v3, v2;
	v4 =	vadd.s32 v1, v4;
	_ =	sdelay $0x1  }
0xd4: {  	v3 =	vadd.s32 v1, v3;
	_ =	sdelay $0x2  }
0xd5: {  	[tilespmem:s19], [sflag:$0x1] =	stream.indirect_vreg.gather [hbm4b:s4+s2], $0x80, v4, vm0, $0xb8;
	[tilespmem:$0xC800] =	vst v63  }
0xd6: {  	_ = 	snop  }
0xd7: {  	[tilespmem:s20], [sflag:$0x1] =	stream.indirect_vreg.gather [hbm4b:s4+s2], $0x80, v3, vm0, $0xb8;
	[tilespmem:$0xC800] =	vst v63  }
0xd8: {  	v3 =	vld.msk [tilespmem:s11+$0x38], $0xff;
	_ =	sdelay $0x4  }
0xd9: {  	v63 =	vshll.u32 v3, $0x1  }
0xda: {  	v3 =	vand.u32 $0x7, v3;
	v4 =	vand.u32 $0xFFFFFFF0, v63  }
0xdb: {  	v3 =	vor.u32 v3, v4  }
0xdc: {  	v3 =	vperm.xlane v3, v0;
	_ =	sdelay $0x1  }
0xdd: {  	v3 =	vadd.s32 v1, v3;
	_ =	sdelay $0x4  }
0xde: {  	[tilespmem:s21], [sflag:$0x1] =	stream.indirect_vreg.gather [hbm4b:s4+s2], $0x80, v3, vm0, $0xb8;
	[tilespmem:$0xC800] =	vst v63  }
0xdf: {  	_ =	swait.ge [sflag:s30], $0x2800  }
0xe0: {  	[sflag:s30] =	ssyncset.done $0x0  }
0xe1: {  	s5 =	sadd.s32 $0xA00, s5;
	[sflag:s30] =	ssyncadd.s32 $0xFFFFD800  }
0xe2: {  	p0 =	sne.s32 s5, $0x26C00;
	_ =	swait.ge [sflag:s30], $0x2800  }
.Ltmp0:
0xe3: {  	[sflag:s30] =	ssyncset.done $0x0;
	(pc) =	sbr.rel @p0 .LBB2_2-.Ltmp0, $4  }
0xe4: {  	s6 =	sadd.s32 $0x500, s6;
	[sflag:s30] =	ssyncadd.s32 $0xFFFFD800  }
0xe5: {  	[hbm4b:s6+s2] =	stream.linear.scatter [tilespmem:s22], [sflag:$0x4], $0x2800, $0x38;
	[tilespmem:$0xC800] =	vst v63  }
0xe6: {  	s7 =	sadd.s32 $0x500, s7;
	s1 =	sadd.s32 $0x50, s1;
	s11 =	sadd.s32 $0x50, s11  }
0xe7: {  	[hbm4b:s7+s2] =	stream.linear.scatter [tilespmem:s23], [sflag:$0x4], $0x2800, $0x38;
	[tilespmem:$0xC800] =	vst v63  }
0xe8: {  	_ =	swait.ge [sflag:s28], $0x2800  }
0xe9: {  	[sflag:s28] =	ssyncset.done $0x0  }
0xea: {  	[sflag:s28] =	ssyncadd.s32 $0xFFFFD800  }
0xeb: {  	_ =	swait.ge [sflag:s28], $0x2800  }
0xec: {  	[sflag:s28] =	ssyncset.done $0x0  }
0xed: {  	s1 =	rddreg [dreg:$0xd];
	[sflag:s28] =	ssyncadd.s32 $0xFFFFD800  }
0xee: {  	[hbm4b:s1+s2] =	stream.linear.scatter [tilespmem:s12], [sflag:$0x3], $0x2800, $0x38;
	[tilespmem:$0xC800] =	vst v63  }
0xef: {  	_ = 	snop  }
0xf0: {  	[hbm4b:s8+s2] =	stream.linear.scatter [tilespmem:s17], [sflag:$0x3], $0x2800, $0x38;
	[tilespmem:$0xC800] =	vst v63  }
0xf1: {  	_ =	swait.ge [sflag:s31], $0x2800  }
0xf2: {  	[sflag:s31] =	ssyncset.done $0x0  }
0xf3: {  	[sflag:s31] =	ssyncadd.s32 $0xFFFFD800  }
0xf4: {  	_ =	swait.ge [sflag:s31], $0x2800  }
0xf5: {  	[sflag:s31] =	ssyncset.done $0x0  }
0xf6: {  	s0 =	sadd.s32 $0x1, s0;
	[sflag:s31] =	ssyncadd.s32 $0xFFFFD800  }
0xf7: {  	p0 =	sne.s32 s0, s9;
	_ =	swait.ge [sflag:s29], $0x2800  }
.Ltmp1:
0xf8: {  	[sflag:s29] =	ssyncset.done $0x0;
	(pc) =	sbr.rel @p0 .LBB2_1-.Ltmp1, $4  }
0xf9: {  	[sflag:s29] =	ssyncadd.s32 $0xFFFFD800  }
0xfa: {  	_ =	swait.ge [sflag:s29], $0x2800  }
0xfb: {  	[sflag:s29] =	ssyncset.done $0x0  }
0xfc: {  	[sflag:s29] =	ssyncadd.s32 $0xFFFFD800  }
0xfd: {  	_ =	sfence.sel $0x180000  }
0xfe: {  	[bflag:$0x0] =	sbarrier.arrive $0xFFFF  }
0xff: {  	_ =	strace $0x90000047  }
0x100: {  	s0 =	stileid.u32;
	[bflag:$0x2] =	sbarrier.arrive $0xFFFF  }
0x101: {  	p0 =	sne.s32 s0, $0x0;
	s0 =	rddreg [dreg:$0x3]  }
0x102: {  	s0 =	sadd.s32 @!p0 $0x100000, s0  }
0x103: {  	[sflag:s0] =	ssyncadd.tile.s32 @!p0 $0x1;
	_ =	shalt  }
.Lfunc_end2:
_tile_overlayer_lowered:
.L_overlay_start_2:
0x104: {  	(tag) =	ssettag $0x2  }
0x105: {  	s0 =	rddreg [dreg:$0x0];
	s2 =	stileid.u32  }
0x106: {  	s1 =	rddreg [dreg:$0x1];
	p0 =	sne.s32 s2, $0x0  }
0x107: {  	s3 =	rddreg [dreg:$0x2];
	[bflag:$0x3] =	sbarrier.arrive $0xFFFF;
	s2 =	simm.s32 @!p0 $0x1C05  }
0x108: {  	[timem:s3], [sflag:s2] =	dma.local @!p0 [hbm:s0], s1  }
0x109: {  	s0 =	simm.s32 @!p0 $0x5  }
0x10a: {  	_ =	swait.ge @!p0 [sflag:s0], s1  }
0x10b: {  	s1 =	ssub.s32 @!p0 $0x0, s1;
	[sflag:s0] =	ssyncset.done @!p0 $0x0  }
0x10c: {  	[sflag:s0] =	ssyncadd.s32 @!p0 s1  }
0x10d: {  	[bflag:$0x3] =	sbarrier.arrive $0xFFFF  }
0x10e: {  	_ =	shalt  }

// kernel: kernel.14.cloned.1.call-start
scs
__scs_entry_jumppad:
0x0: {  	(pc) =	sbr.rel $0x88, $3  }
0x1: {  	(tag) =	ssettag $0x0;
	lr =	simm.s32 $0x1  }
0x2: {  	[smem:$0x3F98] =	sst lr;
	_ =	strace $0xD0000000  }
0x3: {  	_ = 	snop  }
0x4: {  	_ = 	snop  }
0x5: {  	_ = 	snop  }
0x6: {  	_ = 	snop  }
0x7: {  	_ = 	snop  }
__scs_overlays_trampoline_lowered:
0x8: {  	[smem:$0x3FA7] =	sst s0  }
0x9: {  	[smem:$0x3FA8] =	sst s1  }
0xa: {  	[smem:$0x3FA9] =	sst s2  }
0xb: {  	[smem:$0x3FAA] =	sst s3  }
0xc: {  	[smem:$0x3FAB] =	sst s4  }
0xd: {  	[smem:$0x3FAC] =	sst s5  }
0xe: {  	[smem:$0x3FAD] =	sst s6  }
0xf: {  	[smem:$0x3FAE] =	sst s7  }
0x10: {  	[smem:$0x3FAF] =	sst s8  }
0x11: {  	[smem:$0x3FB0] =	sst s9;
	s0 =	simm.s32 @!p0 $0x0  }
0x12: {  	s1 =	sld [smem:$0x3F96];
	s0 =	simm.s32 @p0 $0x1  }
0x13: {  	[smem:$0x3FB1] =	sst s0;
	s0 =	simm.s32 @!p1 $0x0  }
0x14: {  	s2 =	sld [smem:$0x3F95];
	s0 =	simm.s32 @p1 $0x1  }
0x15: {  	[smem:$0x3FB2] =	sst s0;
	s0 =	simm.s32 @!p2 $0x0  }
0x16: {  	s3 =	sld [smem:$0x3FDB];
	s0 =	simm.s32 @p2 $0x1  }
0x17: {  	s4 =	simm.s32 $0x1BF5;
	[smem:$0x3FB4] =	sst s0  }
0x18: {  	s0 =	sld [smem:$0x3F97];
	_ =	swait.ge [sflag:s4], $0x0  }
0x19: {  	s7 =	sld [smem:$0x3F98]  }
0x1a: {  	s8 =	sadd.s32 $0xFFFFE003, lr  }
0x1b: {  	s9 =	sadd.s32 $0xFFFFFEF7, lr;
	s5 =	simm.s32 $0xFFFFFFFF;
	p2 =	slt.u32 s8, $0xFFFFF086  }
0x1c: {  	p1 =	slt.u32 s9, $0xF7A;
	s5 =	simm.s32 @!p2 $0x0  }
0x1d: {  	s5 =	simm.s32 @p1 $0x1;
	p0 =	seq.s32 s7, s2  }
0x1e: {  	s7 =	smul.u32 @!p0 $0xF7A, s2;
	p2 =	seq.s32 @!p0 s5, $0x0  }
0x1f: {  	s9 =	smul.u32 $0xF7A, s1;
	s8 =	simm.s32 @!p0 $0x1BF5;
	p2 =	por !p2, p0  }
0x20: {  	[sflag:s8] =	ssyncset.s32 @!p0 $0xFFFFF086;
	s6 =	sadd.s32 @!p0 s3, s7;
	s7 =	simm.s32 @!p0 $0x108  }
0x21: {  	s3 =	sadd.s32 s3, s9;
	s6 =	sadd.s32 @!p0 $0x88, s6;
	s7 =	simm.s32 @p2 $0x1082  }
0x22: {  	[simem:s7], [sflag:s8] =	dma.local @!p0 [hbm:s6], $0xF7A  }
0x23: {  	s9 =	sor.u32 $0xD0000000, s2;
	s6 =	simm.s32 $0x108;
	_ =	swait.ge @!p0 [sflag:s8], $0x0  }
0x24: {  	s3 =	sadd.s32 $0x88, s3;
	s6 =	simm.s32 @!p1 $0x1082;
	[sflag:s4] =	ssyncset.s32 $0xFFFFF086  }
0x25: {  	[simem:s6], [sflag:s4] =	dma.local [hbm:s3], $0xF7A  }
0x26: {  	[smem:$0x3F98] =	sst s1;
	(tag) =	ssettag s2;
	_ =	strace s9  }
0x27: {  	s1 =	sld [smem:$0x3FA8]  }
0x28: {  	s2 =	sld [smem:$0x3FA9]  }
0x29: {  	s4 =	sld [smem:$0x3FAB]  }
0x2a: {  	p0 =	seq.s32 s5, $0x0;
	s5 =	sld [smem:$0x3FAC]  }
0x2b: {  	s6 =	sld [smem:$0x3FAD]  }
0x2c: {  	s7 =	sld [smem:$0x3FAE]  }
0x2d: {  	s3 =	simm.s32 $0x108;
	s8 =	sld [smem:$0x3FAF]  }
0x2e: {  	s3 =	simm.s32 @!p0 $0x1082;
	s9 =	sld [smem:$0x3FB0]  }
0x2f: {  	lr =	sadd.s32 s0, s3;
	s0 =	sld [smem:$0x3FA7]  }
0x30: {  	s3 =	sld [smem:$0x3FAA]  }
0x31: {  	[smem:$0x3FB3] =	sst s10  }
0x32: {  	s10 =	sld [smem:$0x3FB1];
	_ =	sdelay $0x3  }
0x33: {  	p0 =	seq.s32 s10, $0x1;
	s10 =	sld [smem:$0x3FB3];
	_ =	sdelay $0x3  }
0x34: {  	[smem:$0x3FB3] =	sst s10  }
0x35: {  	s10 =	sld [smem:$0x3FB2];
	_ =	sdelay $0x3  }
0x36: {  	p1 =	seq.s32 s10, $0x1;
	s10 =	sld [smem:$0x3FB3];
	_ =	sdelay $0x3  }
0x37: {  	[smem:$0x3FB3] =	sst s10  }
0x38: {  	s10 =	sld [smem:$0x3FB4]  }
0x39: {  	_ = 	snop;
	(pc) =	sbr.ind lr, $3  }
0x3a: {  	_ = 	snop  }
0x3b: {  	_ = 	snop  }
0x3c: {  	p2 =	seq.s32 s10, $0x1;
	s10 =	sld [smem:$0x3FB3]  }
0x3d: {  	_ =	shalt  }
0x3e: {  	_ =	shalt  }
0x3f: {  	_ =	shalt  }
0x40: {  	_ =	shalt  }
0x41: {  	_ =	shalt  }
0x42: {  	_ =	shalt  }
0x43: {  	_ =	shalt  }
0x44: {  	_ =	shalt  }
0x45: {  	_ =	shalt  }
0x46: {  	_ =	shalt  }
0x47: {  	_ =	shalt  }
0x48: {  	_ =	shalt  }
0x49: {  	_ =	shalt  }
0x4a: {  	_ =	shalt  }
0x4b: {  	_ =	shalt  }
0x4c: {  	_ =	shalt  }
0x4d: {  	_ =	shalt  }
0x4e: {  	_ =	shalt  }
0x4f: {  	_ =	shalt  }
0x50: {  	_ =	shalt  }
0x51: {  	_ =	shalt  }
0x52: {  	_ =	shalt  }
0x53: {  	_ =	shalt  }
0x54: {  	_ =	shalt  }
0x55: {  	_ =	shalt  }
0x56: {  	_ =	shalt  }
0x57: {  	_ =	shalt  }
0x58: {  	_ =	shalt  }
0x59: {  	_ =	shalt  }
0x5a: {  	_ =	shalt  }
0x5b: {  	_ =	shalt  }
0x5c: {  	_ =	shalt  }
0x5d: {  	_ =	shalt  }
0x5e: {  	_ =	shalt  }
0x5f: {  	_ =	shalt  }
0x60: {  	_ =	shalt  }
0x61: {  	_ =	shalt  }
0x62: {  	_ =	shalt  }
0x63: {  	_ =	shalt  }
0x64: {  	_ =	shalt  }
0x65: {  	_ =	shalt  }
0x66: {  	_ =	shalt  }
0x67: {  	_ =	shalt  }
0x68: {  	_ =	shalt  }
0x69: {  	_ =	shalt  }
0x6a: {  	_ =	shalt  }
0x6b: {  	_ =	shalt  }
0x6c: {  	_ =	shalt  }
0x6d: {  	_ =	shalt  }
0x6e: {  	_ =	shalt  }
0x6f: {  	_ =	shalt  }
0x70: {  	_ =	shalt  }
0x71: {  	_ =	shalt  }
0x72: {  	_ =	shalt  }
0x73: {  	_ =	shalt  }
0x74: {  	_ =	shalt  }
0x75: {  	_ =	shalt  }
0x76: {  	_ =	shalt  }
0x77: {  	_ =	shalt  }
0x78: {  	_ =	shalt  }
0x79: {  	_ =	shalt  }
0x7a: {  	_ =	shalt  }
0x7b: {  	_ =	shalt  }
0x7c: {  	_ =	shalt  }
0x7d: {  	_ =	shalt  }
0x7e: {  	_ =	shalt  }
0x7f: {  	_ =	shalt  }
0x80: {  	_ =	shalt  }
0x81: {  	_ =	shalt  }
0x82: {  	_ =	shalt  }
0x83: {  	_ =	shalt  }
0x84: {  	_ =	shalt  }
0x85: {  	_ =	shalt  }
0x86: {  	_ =	shalt  }
0x87: {  	_ =	shalt  }
.Lfunc_end0:
.L_simem_size_0:
called_computation.1_lowered:
.L_overlay_start_0:
0x88: {  	s2 =	sld [smem:$0x3FD9]  }
0x89: {  	s3 =	sld [smem:$0x3FFE];
	_ =	sdelay $0x1  }
0x8a: {  	s1 =	srdreg.scid  }
0x8b: {  	s0 =	sand.u32 $0x1, s1  }
0x8c: {  	s17 =	sshll.u32 s0, $0xA;
	s2 =	sadd.s32 s3, s2  }
0x8d: {  	s2 =	sadd.s32 s2, s17  }
0x8e: {  	[smem:$0x3FBF] =	sst s2  }
0x8f: {  	_ = 	snop  }
0x90: {  	s2 =	sld [smem:$0x3FC7]  }
0x91: {  	s18 =	sld [smem:$0x3FC6];
	(tm) =	ssettm $0x1  }
0x92: {  	s4 =	sld [smem:$0x3FFB];
	_ =	sdelay $0x3  }
0x93: {  	_ =	strace s4  }
0x94: {  	s4 =	sld [smem:$0x3FFC];
	_ =	sdelay $0x3  }
0x95: {  	_ =	strace s4  }
0x96: {  	s4 =	sld [smem:$0x3FFD];
	_ =	sdelay $0x3  }
0x97: {  	_ =	strace s4  }
0x98: {  	_ =	strace $0x8FFFFFFF  }
0x99: {  	s19 =	sld [smem:$0x3FDB];
	_ =	sdelay $0x1  }
0x9a: {  	s5 =	simm.s32 $_scs_section_size  }
0x9b: {  	s6 =	simm.s32 $_size__tile_overlayer_lowered;
	s7 =	simm.s32 $_tile_overlayer_lowered  }
0x9c: {  	s22 =	simm.s32 $0x1BFF;
	s21 =	sshll.u32 s7, $0x1;
	s4 =	sadd.s32 s5, s19  }
0x9d: {  	s8 =	simm.s32 $0x0;
	s20 =	sshll.u32 s6, $0x1;
	s6 =	sadd.s32 s21, s4  }
0x9e: {  	[timem:s8], [sflag:s22] =	dma.local [hbm:s6], s20  }
0x9f: {  	_ =	swait.ge [sflag:s22], s20  }
0xa0: {  	s5 =	ssub.s32 $0x0, s20;
	[sflag:s22] =	ssyncset.done $0x0  }
0xa1: {  	[sflag:s22] =	ssyncadd.s32 s5;
	_ =	sdelay $0x1  }
0xa2: {  	s23 =	simm.s32 $0x1B8B  }
0xa3: {  	_ =	swait.ge [sflag:s23], $0x1  }
0xa4: {  	[sflag:s23] =	ssyncset.done $0x0  }
0xa5: {  	s25 =	simm.s32 $0x1B8E;
	s24 =	sld [smem:$0x3FFE];
	[sflag:s23] =	ssyncadd.s32 $0xFFFFFFFF  }
0xa6: {  	s26 =	simm.s32 $execute0_lowered;
	[smem:$0x3FD2] =	sst s25  }
0xa7: {  	s6 =	sshll.u32 s26, $0x1;
	_ =	strace $0x80000049;
	[dreg:$0x1] =	wrdreg $0xFFFFFFFF  }
0xa8: {  	s28 =	simm.s32 $_size_execute0_lowered;
	s4 =	sadd.s32 s4, s6;
	[dreg:$0x0] =	wrdreg $0x0  }
0xa9: {  	s6 =	sshll.u32 s28, $0x1;
	[dreg:$0x2] =	wrdreg s4  }
0xaa: {  	[dreg:$0x3] =	wrdreg s6  }
0xab: {  	[dreg:$0x4] =	wrdreg $0xC0  }
0xac: {  	_ =	task [dreg:s8], $0x5FFFF  }
0xad: {  	[dreg:$0x1] =	wrdreg $0xFFFFFFFF  }
0xae: {  	[dreg:$0x0] =	wrdreg $0x60  }
0xaf: {  	[dreg:$0x2] =	wrdreg s24  }
0xb0: {  	[dreg:$0x3] =	wrdreg s2  }
0xb1: {  	[dreg:$0x4] =	wrdreg s18  }
0xb2: {  	[dreg:$0x5] =	wrdreg $0x9  }
0xb3: {  	_ =	task.clear_ibuf [dreg:s8], $0x6FFFF;
	_ =	strace $0x90000049  }
0xb4: {  	s29 =	simm.s32 $0x9;
	_ =	strace $0x8000004B  }
0xb5: {  	_ =	swait.ge [sflag:s29], $0x1  }
0xb6: {  	[sflag:s29] =	ssyncadd.s32 $0xFFFFFFFF  }
0xb7: {  	_ =	strace $0x9000004B  }
0xb8: {  	_ =	sfence  }
0xb9: {  	s30 =	sld [smem:$0x0];
	_ =	sdelay $0x2  }
0xba: {  	s31 =	sshll.u32 s1, $0xD;
	s1 =	sshrl.u32 s1, $0x2  }
0xbb: {  	s3 =	sand.u32 $0x4000, s31;
	s1 =	sadd.s32 s1, s30  }
0xbc: {  	s0 =	sor.u32 s3, s0;
	s1 =	sshll.u32 s1, $0x11  }
0xbd: {  	s0 =	sor.u32 s1, s0  }
0xbe: {  	s0 =	sadd.s32 $0x8F2B, s0  }
0xbf: {  	[sflag:s0] =	ssyncadd.remote.s32 $0x1  }
0xc0: {  	_ =	sfence.sel $0xFFFF  }
0xc1: {  	[dreg:$0x0] =	wrdreg $0xFFFFFFFF;
	(pc) =	sbr.abs _section_cstart, $3  }
0xc2: {  	[dreg:$0x1] =	wrdreg $0xFFFFFFFF  }
0xc3: {  	_ =	task.clear_ibuf [dreg:s8], $0x2FFFF;
	_ =	strace $0x9FFFFFFF  }
0xc4: {  	(tm) =	ssettm $0x7FFFFFFF  }
0xc5: {  	_ =	shalt  }
tec
execute0_lowered:
.L_overlay_start_1:
0x0: {  	(tag) =	ssettag $0x1  }
0x1: {  	s0 =	rddreg [dreg:$0x0]  }
0x2: {  	s1 =	rddreg [dreg:$0x1]  }
0x3: {  	s5 =	rddreg [dreg:$0x2];
	s2 =	simm.s32 $0x0  }
0x4: {  	s3 =	srdreg.scid;
	s12 =	stileid.u32;
	s22 =	simm.s32 $0x8000  }
0x5: {  	s23 =	simm.s32 $0x8800;
	s24 =	simm.s32 $0x9000;
	s25 =	simm.s32 $0x9800  }
0x6: {  	s26 =	simm.s32 $0xA800;
	s28 =	simm.s32 $0x1;
	s29 =	simm.s32 $0x3  }
0x7: {  	s30 =	simm.s32 $0x2;
	s31 =	simm.s32 $0x4;
	[smem:$0x7FF] =	sst s2  }
0x8: {  	s6 =	sand.u32 $0x1, s3;
	s3 =	sadd.s32 $0x4000, s0;
	s4 =	sadd.s32 $0x27EE00, s0  }
0x9: {  	s13 =	sshll.u32 s12, $0x1;
	s11 =	sadd.s32 $0xC42E00, s0;
	s0 =	sadd.s32 $0x1124E00, s0  }
0xa: {  	s15 =	smul.u32 $0x4E200, s12;
	_ =	strace $0x8000004A;
	[dreg:$0x6] =	wrdreg s22  }
0xb: {  	s12 =	simm.s32 $0x2800;
	s7 =	sor.u32 s6, s13;
	[dreg:$0x7] =	wrdreg s23  }
0xc: {  	s8 =	ssub.s32 $0x2, s6;
	s6 =	smul.u32 $0x27100, s6;
	[dreg:$0x8] =	wrdreg s24  }
0xd: {  	s13 =	simm.s32 $0x3000;
	s22 =	simm.s32 $0x7800;
	[dreg:$0x9] =	wrdreg s25  }
0xe: {  	s23 =	simm.s32 $0xA000;
	[dreg:$0xa] =	wrdreg s26;
	s24 =	simm.s32 $0xB000  }
0xf: {  	s25 =	simm.s32 $0xB800;
	s26 =	simm.s32 $0xC000;
	s9 =	smul.u32 $0x1388, s7  }
0x10: {  	s10 =	sshrl.u32 s8, $0x1;
	s7 =	smul.u32 $0x138800, s7;
	s18 =	sadd.s32 s15, s0  }
0x11: {  	s20 =	sadd.s32 s15, s11;
	s15 =	simm.s32 $0x4000;
	s10 =	ssub.s32 s8, s10  }
0x12: {  	s19 =	sadd.s32 s6, s18;
	s21 =	sadd.s32 s6, s20;
	s18 =	simm.s32 $0x5800  }
0x13: {  	s20 =	simm.s32 $0x6800;
	s14 =	sshrl.u32 s9, $0x3;
	[dreg:$0x4] =	wrdreg s19  }
0x14: {  	s7 =	sshrl.u32 s7, $0x3;
	s9 =	smax.u32 s10, $0x1;
	[dreg:$0x5] =	wrdreg s21  }
0x15: {  	s10 =	simm.s32 $0x5;
	s19 =	simm.s32 $0x6000;
	s1 =	sadd.s32 s1, s14  }
0x16: {  	s21 =	simm.s32 $0x7000;
	s5 =	sadd.s32 s5, s14;
	[dreg:$0xb] =	wrdreg s1  }
0x17: {  	v2 =	vlaneseq.u32;
	s16 =	sadd.s32 $0x26C00, s7;
	s14 =	simm.s32 $0x3800;
	[dreg:$0xc] =	wrdreg s5  }
0x18: {  	vm0 =	vmmov $0xffff;
	v1 =	vshrl.u32 v2, $0x3;
	s17 =	sadd.s32 s11, s16;
	s8 =	sadd.s32 s0, s16;
	s16 =	simm.s32 $0x4800  }
0x19: {  	v0 =	vand.u32 $0x7, v2;
	v2 =	vor.u32 $0x8, v2;
	v1 =	vmul.u32 $0x8, v1;
	s0 =	simm.s32 $0x0;
	[dreg:$0xd] =	wrdreg s17;
	s17 =	simm.s32 $0x5000  }
.LBB2_1:
0x1a: {  	s1 =	rddreg [dreg:$0xb]  }
0x1b: {  	[tilespmem:s2], [sflag:$0x5] =	stream.linear.gather [hbm4b:s1+s2], $0x1388, $0x38;
	[tilespmem:$0xC800] =	vst v63  }
0x1c: {  	_ =	swait.ge [sflag:s10], $0x1388  }
0x1d: {  	[sflag:s10] =	ssyncset.done $0x0  }
0x1e: {  	s5 =	simm.s32 $0x1400;
	s11 =	rddreg [dreg:$0xc];
	[sflag:s10] =	ssyncadd.s32 $0xFFFFEC78  }
0x1f: {  	[tilespmem:s5], [sflag:$0x5] =	stream.linear.gather [hbm4b:s11+s2], $0x1388, $0x38;
	[tilespmem:$0xC800] =	vst v63  }
0x20: {  	_ =	swait.ge [sflag:s10], $0x1388  }
0x21: {  	[sflag:s10] =	ssyncset.done $0x0  }
0x22: {  	[sflag:s10] =	ssyncadd.s32 $0xFFFFEC78  }
0x23: {  	v3 =	vld [tilespmem:$0x0];
	_ =	sdelay $0x4  }
0x24: {  	v4 =	vshll.u32 v3, $0x1  }
0x25: {  	v3 =	vand.u32 $0x7, v3;
	v4 =	vand.u32 $0xFFFFFFF0, v4  }
0x26: {  	v3 =	vor.u32 v3, v4  }
0x27: {  	v4 =	vperm.xlane v3, v0;
	_ =	sdelay $0x1  }
0x28: {  	v3 =	vperm.xlane v3, v2;
	v4 =	vadd.s32 v1, v4;
	_ =	sdelay $0x1  }
0x29: {  	v3 =	vadd.s32 v1, v3;
	_ =	sdelay $0x2  }
0x2a: {  	[tilespmem:s12], [sflag:$0x1] =	stream.indirect_vreg.gather [hbm4b:s3+s2], $0x80, v4, vm0, $0xb8;
	[tilespmem:$0xC800] =	vst v63  }
0x2b: {  	_ = 	snop  }
0x2c: {  	[tilespmem:s13], [sflag:$0x1] =	stream.indirect_vreg.gather [hbm4b:s3+s2], $0x80, v3, vm0, $0xb8;
	[tilespmem:$0xC800] =	vst v63  }
0x2d: {  	v3 =	vld [tilespmem:$0x10];
	_ =	sdelay $0x4  }
0x2e: {  	v59 =	vshll.u32 v3, $0x1  }
0x2f: {  	v3 =	vand.u32 $0x7, v3;
	v4 =	vand.u32 $0xFFFFFFF0, v59  }
0x30: {  	v3 =	vor.u32 v3, v4  }
0x31: {  	v4 =	vperm.xlane v3, v0;
	_ =	sdelay $0x1  }
0x32: {  	v3 =	vperm.xlane v3, v2;
	v4 =	vadd.s32 v1, v4;
	_ =	sdelay $0x1  }
0x33: {  	v3 =	vadd.s32 v1, v3;
	_ =	sdelay $0x2  }
0x34: {  	[tilespmem:s14], [sflag:$0x1] =	stream.indirect_vreg.gather [hbm4b:s3+s2], $0x80, v4, vm0, $0xb8;
	[tilespmem:$0xC800] =	vst v63  }
0x35: {  	_ = 	snop  }
0x36: {  	[tilespmem:s15], [sflag:$0x1] =	stream.indirect_vreg.gather [hbm4b:s3+s2], $0x80, v3, vm0, $0xb8;
	[tilespmem:$0xC800] =	vst v63  }
0x37: {  	v3 =	vld.msk [tilespmem:$0x20], $0xff;
	_ =	sdelay $0x4  }
0x38: {  	v60 =	vshll.u32 v3, $0x1  }
0x39: {  	v3 =	vand.u32 $0x7, v3;
	v4 =	vand.u32 $0xFFFFFFF0, v60  }
0x3a: {  	v3 =	vor.u32 v3, v4  }
0x3b: {  	v3 =	vperm.xlane v3, v0;
	_ =	sdelay $0x1  }
0x3c: {  	v3 =	vadd.s32 v1, v3;
	_ =	sdelay $0x4  }
0x3d: {  	[tilespmem:s16], [sflag:$0x1] =	stream.indirect_vreg.gather [hbm4b:s3+s2], $0x80, v3, vm0, $0xb8;
	[tilespmem:$0xC800] =	vst v63  }
0x3e: {  	v3 =	vld [tilespmem:$0x1400];
	_ =	sdelay $0x4  }
0x3f: {  	v61 =	vshll.u32 v3, $0x1  }
0x40: {  	v3 =	vand.u32 $0x7, v3;
	v4 =	vand.u32 $0xFFFFFFF0, v61  }
0x41: {  	v3 =	vor.u32 v3, v4  }
0x42: {  	v4 =	vperm.xlane v3, v0;
	_ =	sdelay $0x1  }
0x43: {  	v3 =	vperm.xlane v3, v2;
	v4 =	vadd.s32 v1, v4;
	_ =	sdelay $0x1  }
0x44: {  	v3 =	vadd.s32 v1, v3;
	_ =	sdelay $0x2  }
0x45: {  	[tilespmem:s17], [sflag:$0x1] =	stream.indirect_vreg.gather [hbm4b:s4+s2], $0x80, v4, vm0, $0xb8;
	[tilespmem:$0xC800] =	vst v63  }
0x46: {  	_ = 	snop  }
0x47: {  	[tilespmem:s18], [sflag:$0x1] =	stream.indirect_vreg.gather [hbm4b:s4+s2], $0x80, v3, vm0, $0xb8;
	[tilespmem:$0xC800] =	vst v63  }
0x48: {  	v3 =	vld [tilespmem:$0x1410];
	_ =	sdelay $0x4  }
0x49: {  	v62 =	vshll.u32 v3, $0x1  }
0x4a: {  	v3 =	vand.u32 $0x7, v3;
	v4 =	vand.u32 $0xFFFFFFF0, v62  }
0x4b: {  	v3 =	vor.u32 v3, v4  }
0x4c: {  	v4 =	vperm.xlane v3, v0;
	_ =	sdelay $0x1  }
0x4d: {  	v3 =	vperm.xlane v3, v2;
	v4 =	vadd.s32 v1, v4;
	_ =	sdelay $0x1  }
0x4e: {  	v3 =	vadd.s32 v1, v3;
	_ =	sdelay $0x2  }
0x4f: {  	[tilespmem:s19], [sflag:$0x1] =	stream.indirect_vreg.gather [hbm4b:s4+s2], $0x80, v4, vm0, $0xb8;
	[tilespmem:$0xC800] =	vst v63  }
0x50: {  	_ = 	snop  }
0x51: {  	[tilespmem:s20], [sflag:$0x1] =	stream.indirect_vreg.gather [hbm4b:s4+s2], $0x80, v3, vm0, $0xb8;
	[tilespmem:$0xC800] =	vst v63  }
0x52: {  	v3 =	vld.msk [tilespmem:$0x1420], $0xff;
	_ =	sdelay $0x4  }
0x53: {  	v63 =	vshll.u32 v3, $0x1  }
0x54: {  	v3 =	vand.u32 $0x7, v3;
	v4 =	vand.u32 $0xFFFFFFF0, v63  }
0x55: {  	v3 =	vor.u32 v3, v4  }
0x56: {  	v3 =	vperm.xlane v3, v0;
	_ =	sdelay $0x1  }
0x57: {  	v3 =	vadd.s32 v1, v3;
	_ =	sdelay $0x3  }
0x58: {  	s1 =	simm.s32 $0x38;
	s11 =	simm.s32 $0x1438;
	s5 =	simm.s32 $0x0  }
0x59: {  	[tilespmem:s21], [sflag:$0x1] =	stream.indirect_vreg.gather [hbm4b:s4+s2], $0x80, v3, vm0, $0xb8;
	[tilespmem:$0xC800] =	vst v63  }
.LBB2_2:
0x5a: {  	p0 =	seq.s32 s5, $0x0  }
0x5b: {  	s6 =	simm.s32 @!p0 $0x4  }
0x5c: {  	_ =	swait.ge @!p0 [sflag:s6], $0x2800  }
0x5d: {  	[sflag:s6] =	ssyncset.done @!p0 $0x0  }
0x5e: {  	[sflag:s6] =	ssyncadd.s32 @!p0 $0xFFFFD800  }
0x5f: {  	_ =	swait.ge @!p0 [sflag:s6], $0x2800  }
0x60: {  	[sflag:s6] =	ssyncset.done @!p0 $0x0  }
0x61: {  	[sflag:s6] =	ssyncadd.s32 @!p0 $0xFFFFD800  }
0x62: {  	v3 =	vld [tilespmem:s1+$0xFFFFFFF0];
	_ =	sdelay $0x4  }
0x63: {  	v4 =	vshll.u32 v3, $0x1  }
0x64: {  	v3 =	vand.u32 $0x7, v3;
	v4 =	vand.u32 $0xFFFFFFF0, v4  }
0x65: {  	v3 =	vor.u32 v3, v4  }
0x66: {  	v4 =	vperm.xlane v3, v0;
	_ =	sdelay $0x1  }
0x67: {  	v3 =	vperm.xlane v3, v2;
	v4 =	vadd.s32 v1, v4;
	_ =	sdelay $0x1  }
0x68: {  	v3 =	vadd.s32 v1, v3;
	_ =	sdelay $0x2  }
0x69: {  	[tilespmem:s22], [sflag:$0x2] =	stream.indirect_vreg.gather [hbm4b:s3+s2], $0x80, v4, vm0, $0xb8;
	[tilespmem:$0xC800] =	vst v63  }
0x6a: {  	s7 =	rddreg [dreg:$0x6]  }
0x6b: {  	[tilespmem:s7], [sflag:$0x2] =	stream.indirect_vreg.gather [hbm4b:s3+s2], $0x80, v3, vm0, $0xb8;
	[tilespmem:$0xC800] =	vst v63  }
0x6c: {  	v3 =	vld [tilespmem:s1+$0x0];
	_ =	sdelay $0x4  }
0x6d: {  	v53 =	vshll.u32 v3, $0x1  }
0x6e: {  	v3 =	vand.u32 $0x7, v3;
	v4 =	vand.u32 $0xFFFFFFF0, v53  }
0x6f: {  	v3 =	vor.u32 v3, v4  }
0x70: {  	v4 =	vperm.xlane v3, v0;
	_ =	sdelay $0x1  }
0x71: {  	v3 =	vperm.xlane v3, v2;
	v4 =	vadd.s32 v1, v4;
	_ =	sdelay $0x1  }
0x72: {  	v3 =	vadd.s32 v1, v3;
	_ =	sdelay $0x1  }
0x73: {  	s6 =	rddreg [dreg:$0x7]  }
0x74: {  	[tilespmem:s6], [sflag:$0x2] =	stream.indirect_vreg.gather [hbm4b:s3+s2], $0x80, v4, vm0, $0xb8;
	[tilespmem:$0xC800] =	vst v63  }
0x75: {  	s7 =	rddreg [dreg:$0x8]  }
0x76: {  	[tilespmem:s7], [sflag:$0x2] =	stream.indirect_vreg.gather [hbm4b:s3+s2], $0x80, v3, vm0, $0xb8;
	[tilespmem:$0xC800] =	vst v63  }
0x77: {  	v3 =	vld.msk [tilespmem:s1+$0x10], $0xff;
	_ =	sdelay $0x4  }
0x78: {  	v54 =	vshll.u32 v3, $0x1  }
0x79: {  	v3 =	vand.u32 $0x7, v3;
	v4 =	vand.u32 $0xFFFFFFF0, v54  }
0x7a: {  	v3 =	vor.u32 v3, v4  }
0x7b: {  	v3 =	vperm.xlane v3, v0;
	_ =	sdelay $0x1  }
0x7c: {  	v3 =	vadd.s32 v1, v3;
	_ =	sdelay $0x3  }
0x7d: {  	s7 =	rddreg [dreg:$0x9]  }
0x7e: {  	[tilespmem:s7], [sflag:$0x2] =	stream.indirect_vreg.gather [hbm4b:s3+s2], $0x80, v3, vm0, $0xb8;
	[tilespmem:$0xC800] =	vst v63  }
0x7f: {  	v3 =	vld [tilespmem:s11+$0xFFFFFFF0];
	_ =	sdelay $0x4  }
0x80: {  	v55 =	vshll.u32 v3, $0x1  }
0x81: {  	v3 =	vand.u32 $0x7, v3;
	v4 =	vand.u32 $0xFFFFFFF0, v55  }
0x82: {  	v3 =	vor.u32 v3, v4  }
0x83: {  	v4 =	vperm.xlane v3, v0;
	_ =	sdelay $0x1  }
0x84: {  	v3 =	vperm.xlane v3, v2;
	v4 =	vadd.s32 v1, v4;
	_ =	sdelay $0x1  }
0x85: {  	v3 =	vadd.s32 v1, v3;
	_ =	sdelay $0x2  }
0x86: {  	[tilespmem:s23], [sflag:$0x2] =	stream.indirect_vreg.gather [hbm4b:s4+s2], $0x80, v4, vm0, $0xb8;
	[tilespmem:$0xC800] =	vst v63  }
0x87: {  	s7 =	rddreg [dreg:$0xa]  }
0x88: {  	[tilespmem:s7], [sflag:$0x2] =	stream.indirect_vreg.gather [hbm4b:s4+s2], $0x80, v3, vm0, $0xb8;
	[tilespmem:$0xC800] =	vst v63  }
0x89: {  	v3 =	vld [tilespmem:s11+$0x0];
	_ =	sdelay $0x4  }
0x8a: {  	v56 =	vshll.u32 v3, $0x1  }
0x8b: {  	v3 =	vand.u32 $0x7, v3;
	v4 =	vand.u32 $0xFFFFFFF0, v56  }
0x8c: {  	v3 =	vor.u32 v3, v4  }
0x8d: {  	v4 =	vperm.xlane v3, v0;
	_ =	sdelay $0x1  }
0x8e: {  	v3 =	vperm.xlane v3, v2;
	v4 =	vadd.s32 v1, v4;
	_ =	sdelay $0x1  }
0x8f: {  	v3 =	vadd.s32 v1, v3;
	_ =	sdelay $0x2  }
0x90: {  	[tilespmem:s24], [sflag:$0x2] =	stream.indirect_vreg.gather [hbm4b:s4+s2], $0x80, v4, vm0, $0xb8;
	[tilespmem:$0xC800] =	vst v63  }
0x91: {  	_ = 	snop  }
0x92: {  	[tilespmem:s25], [sflag:$0x2] =	stream.indirect_vreg.gather [hbm4b:s4+s2], $0x80, v3, vm0, $0xb8;
	[tilespmem:$0xC800] =	vst v63  }
0x93: {  	v3 =	vld.msk [tilespmem:s11+$0x10], $0xff;
	_ =	sdelay $0x4  }
0x94: {  	v57 =	vshll.u32 v3, $0x1  }
0x95: {  	v3 =	vand.u32 $0x7, v3;
	v4 =	vand.u32 $0xFFFFFFF0, v57  }
0x96: {  	v3 =	vor.u32 v3, v4  }
0x97: {  	v3 =	vperm.xlane v3, v0;
	_ =	sdelay $0x1  }
0x98: {  	v3 =	vadd.s32 v1, v3;
	_ =	sdelay $0x4  }
0x99: {  	[tilespmem:s26], [sflag:$0x2] =	stream.indirect_vreg.gather [hbm4b:s4+s2], $0x80, v3, vm0, $0xb8;
	[tilespmem:$0xC800] =	vst v63  }
0x9a: {  	_ =	swait.ge [sflag:s28], $0x2800  }
0x9b: {  	[sflag:s28] =	ssyncset.done $0x0  }
0x9c: {  	[sflag:s28] =	ssyncadd.s32 $0xFFFFD800  }
0x9d: {  	_ =	swait.ge [sflag:s28], $0x2800  }
0x9e: {  	s6 =	rddreg [dreg:$0x5];
	[sflag:s28] =	ssyncset.done $0x0  }
0x9f: {  	s7 =	rddreg [dreg:$0x4];
	[sflag:s28] =	ssyncadd.s32 $0xFFFFD800;
	s6 =	sadd.s32 s5, s6  }
0xa0: {  	[hbm4b:s6+s2] =	stream.linear.scatter [tilespmem:s12], [sflag:$0x3], $0x2800, $0x38;
	[tilespmem:$0xC800] =	vst v63  }
0xa1: {  	s7 =	sadd.s32 s5, s7  }
0xa2: {  	[hbm4b:s7+s2] =	stream.linear.scatter [tilespmem:s17], [sflag:$0x3], $0x2800, $0x38;
	[tilespmem:$0xC800] =	vst v63  }
0xa3: {  	_ =	swait.ge [sflag:s29], $0x2800  }
0xa4: {  	[sflag:s29] =	ssyncset.done $0x0  }
0xa5: {  	[sflag:s29] =	ssyncadd.s32 $0xFFFFD800  }
0xa6: {  	_ =	swait.ge [sflag:s29], $0x2800  }
0xa7: {  	[sflag:s29] =	ssyncset.done $0x0  }
0xa8: {  	[sflag:s29] =	ssyncadd.s32 $0xFFFFD800  }
0xa9: {  	v3 =	vld [tilespmem:s1+$0x18];
	_ =	sdelay $0x4  }
0xaa: {  	v58 =	vshll.u32 v3, $0x1  }
0xab: {  	v3 =	vand.u32 $0x7, v3;
	v4 =	vand.u32 $0xFFFFFFF0, v58  }
0xac: {  	v3 =	vor.u32 v3, v4  }
0xad: {  	v4 =	vperm.xlane v3, v0;
	_ =	sdelay $0x1  }
0xae: {  	v3 =	vperm.xlane v3, v2;
	v4 =	vadd.s32 v1, v4;
	_ =	sdelay $0x1  }
0xaf: {  	v3 =	vadd.s32 v1, v3;
	_ =	sdelay $0x2  }
0xb0: {  	[tilespmem:s12], [sflag:$0x1] =	stream.indirect_vreg.gather [hbm4b:s3+s2], $0x80, v4, vm0, $0xb8;
	[tilespmem:$0xC800] =	vst v63  }
0xb1: {  	_ = 	snop  }
0xb2: {  	[tilespmem:s13], [sflag:$0x1] =	stream.indirect_vreg.gather [hbm4b:s3+s2], $0x80, v3, vm0, $0xb8;
	[tilespmem:$0xC800] =	vst v63  }
0xb3: {  	v3 =	vld [tilespmem:s1+$0x28];
	_ =	sdelay $0x4  }
0xb4: {  	v59 =	vshll.u32 v3, $0x1  }
0xb5: {  	v3 =	vand.u32 $0x7, v3;
	v4 =	vand.u32 $0xFFFFFFF0, v59  }
0xb6: {  	v3 =	vor.u32 v3, v4  }
0xb7: {  	v4 =	vperm.xlane v3, v0;
	_ =	sdelay $0x1  }
0xb8: {  	v3 =	vperm.xlane v3, v2;
	v4 =	vadd.s32 v1, v4;
	_ =	sdelay $0x1  }
0xb9: {  	v3 =	vadd.s32 v1, v3;
	_ =	sdelay $0x2  }
0xba: {  	[tilespmem:s14], [sflag:$0x1] =	stream.indirect_vreg.gather [hbm4b:s3+s2], $0x80, v4, vm0, $0xb8;
	[tilespmem:$0xC800] =	vst v63  }
0xbb: {  	_ = 	snop  }
0xbc: {  	[tilespmem:s15], [sflag:$0x1] =	stream.indirect_vreg.gather [hbm4b:s3+s2], $0x80, v3, vm0, $0xb8;
	[tilespmem:$0xC800] =	vst v63  }
0xbd: {  	v3 =	vld.msk [tilespmem:s1+$0x38], $0xff;
	_ =	sdelay $0x4  }
0xbe: {  	v60 =	vshll.u32 v3, $0x1  }
0xbf: {  	v3 =	vand.u32 $0x7, v3;
	v4 =	vand.u32 $0xFFFFFFF0, v60  }
0xc0: {  	v3 =	vor.u32 v3, v4  }
0xc1: {  	v3 =	vperm.xlane v3, v0;
	_ =	sdelay $0x1  }
0xc2: {  	v3 =	vadd.s32 v1, v3;
	_ =	sdelay $0x4  }
0xc3: {  	[tilespmem:s16], [sflag:$0x1] =	stream.indirect_vreg.gather [hbm4b:s3+s2], $0x80, v3, vm0, $0xb8;
	[tilespmem:$0xC800] =	vst v63  }
0xc4: {  	v3 =	vld [tilespmem:s11+$0x18];
	_ =	sdelay $0x4  }
0xc5: {  	v61 =	vshll.u32 v3, $0x1  }
0xc6: {  	v3 =	vand.u32 $0x7, v3;
	v4 =	vand.u32 $0xFFFFFFF0, v61  }
0xc7: {  	v3 =	vor.u32 v3, v4  }
0xc8: {  	v4 =	vperm.xlane v3, v0;
	_ =	sdelay $0x1  }
0xc9: {  	v3 =	vperm.xlane v3, v2;
	v4 =	vadd.s32 v1, v4;
	_ =	sdelay $0x1  }
0xca: {  	v3 =	vadd.s32 v1, v3;
	_ =	sdelay $0x2  }
0xcb: {  	[tilespmem:s17], [sflag:$0x1] =	stream.indirect_vreg.gather [hbm4b:s4+s2], $0x80, v4, vm0, $0xb8;
	[tilespmem:$0xC800] =	vst v63  }
0xcc: {  	_ = 	snop  }
0xcd: {  	[tilespmem:s18], [sflag:$0x1] =	stream.indirect_vreg.gather [hbm4b:s4+s2], $0x80, v3, vm0, $0xb8;
	[tilespmem:$0xC800] =	vst v63  }
0xce: {  	v3 =	vld [tilespmem:s11+$0x28];
	_ =	sdelay $0x4  }
0xcf: {  	v62 =	vshll.u32 v3, $0x1  }
0xd0: {  	v3 =	vand.u32 $0x7, v3;
	v4 =	vand.u32 $0xFFFFFFF0, v62  }
0xd1: {  	v3 =	vor.u32 v3, v4  }
0xd2: {  	v4 =	vperm.xlane v3, v0;
	_ =	sdelay $0x1  }
0xd3: {  	v3 =	vperm.xlane v3, v2;
	v4 =	vadd.s32 v1, v4;
	_ =	sdelay $0x1  }
0xd4: {  	v3 =	vadd.s32 v1, v3;
	_ =	sdelay $0x2  }
0xd5: {  	[tilespmem:s19], [sflag:$0x1] =	stream.indirect_vreg.gather [hbm4b:s4+s2], $0x80, v4, vm0, $0xb8;
	[tilespmem:$0xC800] =	vst v63  }
0xd6: {  	_ = 	snop  }
0xd7: {  	[tilespmem:s20], [sflag:$0x1] =	stream.indirect_vreg.gather [hbm4b:s4+s2], $0x80, v3, vm0, $0xb8;
	[tilespmem:$0xC800] =	vst v63  }
0xd8: {  	v3 =	vld.msk [tilespmem:s11+$0x38], $0xff;
	_ =	sdelay $0x4  }
0xd9: {  	v63 =	vshll.u32 v3, $0x1  }
0xda: {  	v3 =	vand.u32 $0x7, v3;
	v4 =	vand.u32 $0xFFFFFFF0, v63  }
0xdb: {  	v3 =	vor.u32 v3, v4  }
0xdc: {  	v3 =	vperm.xlane v3, v0;
	_ =	sdelay $0x1  }
0xdd: {  	v3 =	vadd.s32 v1, v3;
	_ =	sdelay $0x4  }
0xde: {  	[tilespmem:s21], [sflag:$0x1] =	stream.indirect_vreg.gather [hbm4b:s4+s2], $0x80, v3, vm0, $0xb8;
	[tilespmem:$0xC800] =	vst v63  }
0xdf: {  	_ =	swait.ge [sflag:s30], $0x2800  }
0xe0: {  	[sflag:s30] =	ssyncset.done $0x0  }
0xe1: {  	s5 =	sadd.s32 $0xA00, s5;
	[sflag:s30] =	ssyncadd.s32 $0xFFFFD800  }
0xe2: {  	p0 =	sne.s32 s5, $0x26C00;
	_ =	swait.ge [sflag:s30], $0x2800  }
.Ltmp0:
0xe3: {  	[sflag:s30] =	ssyncset.done $0x0;
	(pc) =	sbr.rel @p0 .LBB2_2-.Ltmp0, $4  }
0xe4: {  	s6 =	sadd.s32 $0x500, s6;
	[sflag:s30] =	ssyncadd.s32 $0xFFFFD800  }
0xe5: {  	[hbm4b:s6+s2] =	stream.linear.scatter [tilespmem:s22], [sflag:$0x4], $0x2800, $0x38;
	[tilespmem:$0xC800] =	vst v63  }
0xe6: {  	s7 =	sadd.s32 $0x500, s7;
	s1 =	sadd.s32 $0x50, s1;
	s11 =	sadd.s32 $0x50, s11  }
0xe7: {  	[hbm4b:s7+s2] =	stream.linear.scatter [tilespmem:s23], [sflag:$0x4], $0x2800, $0x38;
	[tilespmem:$0xC800] =	vst v63  }
0xe8: {  	_ =	swait.ge [sflag:s28], $0x2800  }
0xe9: {  	[sflag:s28] =	ssyncset.done $0x0  }
0xea: {  	[sflag:s28] =	ssyncadd.s32 $0xFFFFD800  }
0xeb: {  	_ =	swait.ge [sflag:s28], $0x2800  }
0xec: {  	[sflag:s28] =	ssyncset.done $0x0  }
0xed: {  	s1 =	rddreg [dreg:$0xd];
	[sflag:s28] =	ssyncadd.s32 $0xFFFFD800  }
0xee: {  	[hbm4b:s1+s2] =	stream.linear.scatter [tilespmem:s12], [sflag:$0x3], $0x2800, $0x38;
	[tilespmem:$0xC800] =	vst v63  }
0xef: {  	_ = 	snop  }
0xf0: {  	[hbm4b:s8+s2] =	stream.linear.scatter [tilespmem:s17], [sflag:$0x3], $0x2800, $0x38;
	[tilespmem:$0xC800] =	vst v63  }
0xf1: {  	_ =	swait.ge [sflag:s31], $0x2800  }
0xf2: {  	[sflag:s31] =	ssyncset.done $0x0  }
0xf3: {  	[sflag:s31] =	ssyncadd.s32 $0xFFFFD800  }
0xf4: {  	_ =	swait.ge [sflag:s31], $0x2800  }
0xf5: {  	[sflag:s31] =	ssyncset.done $0x0  }
0xf6: {  	s0 =	sadd.s32 $0x1, s0;
	[sflag:s31] =	ssyncadd.s32 $0xFFFFD800  }
0xf7: {  	p0 =	sne.s32 s0, s9;
	_ =	swait.ge [sflag:s29], $0x2800  }
.Ltmp1:
0xf8: {  	[sflag:s29] =	ssyncset.done $0x0;
	(pc) =	sbr.rel @p0 .LBB2_1-.Ltmp1, $4  }
0xf9: {  	[sflag:s29] =	ssyncadd.s32 $0xFFFFD800  }
0xfa: {  	_ =	swait.ge [sflag:s29], $0x2800  }
0xfb: {  	[sflag:s29] =	ssyncset.done $0x0  }
0xfc: {  	[sflag:s29] =	ssyncadd.s32 $0xFFFFD800  }
0xfd: {  	_ =	sfence.sel $0x180000  }
0xfe: {  	[bflag:$0x0] =	sbarrier.arrive $0xFFFF  }
0xff: {  	_ =	strace $0x9000004A  }
0x100: {  	s0 =	stileid.u32;
	[bflag:$0x2] =	sbarrier.arrive $0xFFFF  }
0x101: {  	p0 =	sne.s32 s0, $0x0;
	s0 =	rddreg [dreg:$0x3]  }
0x102: {  	s0 =	sadd.s32 @!p0 $0x100000, s0  }
0x103: {  	[sflag:s0] =	ssyncadd.tile.s32 @!p0 $0x1;
	_ =	shalt  }
.Lfunc_end2:
_tile_overlayer_lowered:
.L_overlay_start_2:
0x104: {  	(tag) =	ssettag $0x2  }
0x105: {  	s0 =	rddreg [dreg:$0x0];
	s2 =	stileid.u32  }
0x106: {  	s1 =	rddreg [dreg:$0x1];
	p0 =	sne.s32 s2, $0x0  }
0x107: {  	s3 =	rddreg [dreg:$0x2];
	[bflag:$0x3] =	sbarrier.arrive $0xFFFF;
	s2 =	simm.s32 @!p0 $0x1C05  }
0x108: {  	[timem:s3], [sflag:s2] =	dma.local @!p0 [hbm:s0], s1  }
0x109: {  	s0 =	simm.s32 @!p0 $0x5  }
0x10a: {  	_ =	swait.ge @!p0 [sflag:s0], s1  }
0x10b: {  	s1 =	ssub.s32 @!p0 $0x0, s1;
	[sflag:s0] =	ssyncset.done @!p0 $0x0  }
0x10c: {  	[sflag:s0] =	ssyncadd.s32 @!p0 s1  }
0x10d: {  	[bflag:$0x3] =	sbarrier.arrive $0xFFFF  }
0x10e: {  	_ =	shalt  }

// kernel: kernel.17.cloned.1.call-start
scs
__scs_entry_jumppad:
0x0: {  	(pc) =	sbr.rel $0x88, $3  }
0x1: {  	(tag) =	ssettag $0x0;
	lr =	simm.s32 $0x1  }
0x2: {  	[smem:$0x3F98] =	sst lr;
	_ =	strace $0xD0000000  }
0x3: {  	_ = 	snop  }
0x4: {  	_ = 	snop  }
0x5: {  	_ = 	snop  }
0x6: {  	_ = 	snop  }
0x7: {  	_ = 	snop  }
__scs_overlays_trampoline_lowered:
0x8: {  	[smem:$0x3FA7] =	sst s0  }
0x9: {  	[smem:$0x3FA8] =	sst s1  }
0xa: {  	[smem:$0x3FA9] =	sst s2  }
0xb: {  	[smem:$0x3FAA] =	sst s3  }
0xc: {  	[smem:$0x3FAB] =	sst s4  }
0xd: {  	[smem:$0x3FAC] =	sst s5  }
0xe: {  	[smem:$0x3FAD] =	sst s6  }
0xf: {  	[smem:$0x3FAE] =	sst s7  }
0x10: {  	[smem:$0x3FAF] =	sst s8  }
0x11: {  	[smem:$0x3FB0] =	sst s9;
	s0 =	simm.s32 @!p0 $0x0  }
0x12: {  	s1 =	sld [smem:$0x3F96];
	s0 =	simm.s32 @p0 $0x1  }
0x13: {  	[smem:$0x3FB1] =	sst s0;
	s0 =	simm.s32 @!p1 $0x0  }
0x14: {  	s2 =	sld [smem:$0x3F95];
	s0 =	simm.s32 @p1 $0x1  }
0x15: {  	[smem:$0x3FB2] =	sst s0;
	s0 =	simm.s32 @!p2 $0x0  }
0x16: {  	s3 =	sld [smem:$0x3FDB];
	s0 =	simm.s32 @p2 $0x1  }
0x17: {  	s4 =	simm.s32 $0x1BF5;
	[smem:$0x3FB4] =	sst s0  }
0x18: {  	s0 =	sld [smem:$0x3F97];
	_ =	swait.ge [sflag:s4], $0x0  }
0x19: {  	s7 =	sld [smem:$0x3F98]  }
0x1a: {  	s8 =	sadd.s32 $0xFFFFE003, lr  }
0x1b: {  	s9 =	sadd.s32 $0xFFFFFEF7, lr;
	s5 =	simm.s32 $0xFFFFFFFF;
	p2 =	slt.u32 s8, $0xFFFFF086  }
0x1c: {  	p1 =	slt.u32 s9, $0xF7A;
	s5 =	simm.s32 @!p2 $0x0  }
0x1d: {  	s5 =	simm.s32 @p1 $0x1;
	p0 =	seq.s32 s7, s2  }
0x1e: {  	s7 =	smul.u32 @!p0 $0xF7A, s2;
	p2 =	seq.s32 @!p0 s5, $0x0  }
0x1f: {  	s9 =	smul.u32 $0xF7A, s1;
	s8 =	simm.s32 @!p0 $0x1BF5;
	p2 =	por !p2, p0  }
0x20: {  	[sflag:s8] =	ssyncset.s32 @!p0 $0xFFFFF086;
	s6 =	sadd.s32 @!p0 s3, s7;
	s7 =	simm.s32 @!p0 $0x108  }
0x21: {  	s3 =	sadd.s32 s3, s9;
	s6 =	sadd.s32 @!p0 $0x88, s6;
	s7 =	simm.s32 @p2 $0x1082  }
0x22: {  	[simem:s7], [sflag:s8] =	dma.local @!p0 [hbm:s6], $0xF7A  }
0x23: {  	s9 =	sor.u32 $0xD0000000, s2;
	s6 =	simm.s32 $0x108;
	_ =	swait.ge @!p0 [sflag:s8], $0x0  }
0x24: {  	s3 =	sadd.s32 $0x88, s3;
	s6 =	simm.s32 @!p1 $0x1082;
	[sflag:s4] =	ssyncset.s32 $0xFFFFF086  }
0x25: {  	[simem:s6], [sflag:s4] =	dma.local [hbm:s3], $0xF7A  }
0x26: {  	[smem:$0x3F98] =	sst s1;
	(tag) =	ssettag s2;
	_ =	strace s9  }
0x27: {  	s1 =	sld [smem:$0x3FA8]  }
0x28: {  	s2 =	sld [smem:$0x3FA9]  }
0x29: {  	s4 =	sld [smem:$0x3FAB]  }
0x2a: {  	p0 =	seq.s32 s5, $0x0;
	s5 =	sld [smem:$0x3FAC]  }
0x2b: {  	s6 =	sld [smem:$0x3FAD]  }
0x2c: {  	s7 =	sld [smem:$0x3FAE]  }
0x2d: {  	s3 =	simm.s32 $0x108;
	s8 =	sld [smem:$0x3FAF]  }
0x2e: {  	s3 =	simm.s32 @!p0 $0x1082;
	s9 =	sld [smem:$0x3FB0]  }
0x2f: {  	lr =	sadd.s32 s0, s3;
	s0 =	sld [smem:$0x3FA7]  }
0x30: {  	s3 =	sld [smem:$0x3FAA]  }
0x31: {  	[smem:$0x3FB3] =	sst s10  }
0x32: {  	s10 =	sld [smem:$0x3FB1];
	_ =	sdelay $0x3  }
0x33: {  	p0 =	seq.s32 s10, $0x1;
	s10 =	sld [smem:$0x3FB3];
	_ =	sdelay $0x3  }
0x34: {  	[smem:$0x3FB3] =	sst s10  }
0x35: {  	s10 =	sld [smem:$0x3FB2];
	_ =	sdelay $0x3  }
0x36: {  	p1 =	seq.s32 s10, $0x1;
	s10 =	sld [smem:$0x3FB3];
	_ =	sdelay $0x3  }
0x37: {  	[smem:$0x3FB3] =	sst s10  }
0x38: {  	s10 =	sld [smem:$0x3FB4]  }
0x39: {  	_ = 	snop;
	(pc) =	sbr.ind lr, $3  }
0x3a: {  	_ = 	snop  }
0x3b: {  	_ = 	snop  }
0x3c: {  	p2 =	seq.s32 s10, $0x1;
	s10 =	sld [smem:$0x3FB3]  }
0x3d: {  	_ =	shalt  }
0x3e: {  	_ =	shalt  }
0x3f: {  	_ =	shalt  }
0x40: {  	_ =	shalt  }
0x41: {  	_ =	shalt  }
0x42: {  	_ =	shalt  }
0x43: {  	_ =	shalt  }
0x44: {  	_ =	shalt  }
0x45: {  	_ =	shalt  }
0x46: {  	_ =	shalt  }
0x47: {  	_ =	shalt  }
0x48: {  	_ =	shalt  }
0x49: {  	_ =	shalt  }
0x4a: {  	_ =	shalt  }
0x4b: {  	_ =	shalt  }
0x4c: {  	_ =	shalt  }
0x4d: {  	_ =	shalt  }
0x4e: {  	_ =	shalt  }
0x4f: {  	_ =	shalt  }
0x50: {  	_ =	shalt  }
0x51: {  	_ =	shalt  }
0x52: {  	_ =	shalt  }
0x53: {  	_ =	shalt  }
0x54: {  	_ =	shalt  }
0x55: {  	_ =	shalt  }
0x56: {  	_ =	shalt  }
0x57: {  	_ =	shalt  }
0x58: {  	_ =	shalt  }
0x59: {  	_ =	shalt  }
0x5a: {  	_ =	shalt  }
0x5b: {  	_ =	shalt  }
0x5c: {  	_ =	shalt  }
0x5d: {  	_ =	shalt  }
0x5e: {  	_ =	shalt  }
0x5f: {  	_ =	shalt  }
0x60: {  	_ =	shalt  }
0x61: {  	_ =	shalt  }
0x62: {  	_ =	shalt  }
0x63: {  	_ =	shalt  }
0x64: {  	_ =	shalt  }
0x65: {  	_ =	shalt  }
0x66: {  	_ =	shalt  }
0x67: {  	_ =	shalt  }
0x68: {  	_ =	shalt  }
0x69: {  	_ =	shalt  }
0x6a: {  	_ =	shalt  }
0x6b: {  	_ =	shalt  }
0x6c: {  	_ =	shalt  }
0x6d: {  	_ =	shalt  }
0x6e: {  	_ =	shalt  }
0x6f: {  	_ =	shalt  }
0x70: {  	_ =	shalt  }
0x71: {  	_ =	shalt  }
0x72: {  	_ =	shalt  }
0x73: {  	_ =	shalt  }
0x74: {  	_ =	shalt  }
0x75: {  	_ =	shalt  }
0x76: {  	_ =	shalt  }
0x77: {  	_ =	shalt  }
0x78: {  	_ =	shalt  }
0x79: {  	_ =	shalt  }
0x7a: {  	_ =	shalt  }
0x7b: {  	_ =	shalt  }
0x7c: {  	_ =	shalt  }
0x7d: {  	_ =	shalt  }
0x7e: {  	_ =	shalt  }
0x7f: {  	_ =	shalt  }
0x80: {  	_ =	shalt  }
0x81: {  	_ =	shalt  }
0x82: {  	_ =	shalt  }
0x83: {  	_ =	shalt  }
0x84: {  	_ =	shalt  }
0x85: {  	_ =	shalt  }
0x86: {  	_ =	shalt  }
0x87: {  	_ =	shalt  }
.Lfunc_end0:
.L_simem_size_0:
called_computation.2_lowered:
.L_overlay_start_0:
0x88: {  	s2 =	sld [smem:$0x3FD9]  }
0x89: {  	s3 =	sld [smem:$0x3FFE];
	_ =	sdelay $0x1  }
0x8a: {  	s1 =	srdreg.scid  }
0x8b: {  	s0 =	sand.u32 $0x1, s1  }
0x8c: {  	s17 =	sshll.u32 s0, $0xA;
	s2 =	sadd.s32 s3, s2  }
0x8d: {  	s2 =	sadd.s32 s2, s17  }
0x8e: {  	[smem:$0x3FBF] =	sst s2  }
0x8f: {  	_ = 	snop  }
0x90: {  	s2 =	sld [smem:$0x3FC7]  }
0x91: {  	s18 =	sld [smem:$0x3FC6];
	(tm) =	ssettm $0x1  }
0x92: {  	s4 =	sld [smem:$0x3FFB];
	_ =	sdelay $0x3  }
0x93: {  	_ =	strace s4  }
0x94: {  	s4 =	sld [smem:$0x3FFC];
	_ =	sdelay $0x3  }
0x95: {  	_ =	strace s4  }
0x96: {  	s4 =	sld [smem:$0x3FFD];
	_ =	sdelay $0x3  }
0x97: {  	_ =	strace s4  }
0x98: {  	_ =	strace $0x8FFFFFFF  }
0x99: {  	s19 =	sld [smem:$0x3FDB];
	_ =	sdelay $0x1  }
0x9a: {  	s5 =	simm.s32 $_scs_section_size  }
0x9b: {  	s6 =	simm.s32 $_size__tile_overlayer_lowered;
	s7 =	simm.s32 $_tile_overlayer_lowered  }
0x9c: {  	s22 =	simm.s32 $0x1BFF;
	s21 =	sshll.u32 s7, $0x1;
	s4 =	sadd.s32 s5, s19  }
0x9d: {  	s8 =	simm.s32 $0x0;
	s20 =	sshll.u32 s6, $0x1;
	s6 =	sadd.s32 s21, s4  }
0x9e: {  	[timem:s8], [sflag:s22] =	dma.local [hbm:s6], s20  }
0x9f: {  	_ =	swait.ge [sflag:s22], s20  }
0xa0: {  	s5 =	ssub.s32 $0x0, s20;
	[sflag:s22] =	ssyncset.done $0x0  }
0xa1: {  	[sflag:s22] =	ssyncadd.s32 s5;
	_ =	sdelay $0x1  }
0xa2: {  	s23 =	simm.s32 $0x1B8B  }
0xa3: {  	_ =	swait.ge [sflag:s23], $0x1  }
0xa4: {  	[sflag:s23] =	ssyncset.done $0x0  }
0xa5: {  	s25 =	simm.s32 $0x1B8E;
	s24 =	sld [smem:$0x3FFE];
	[sflag:s23] =	ssyncadd.s32 $0xFFFFFFFF  }
0xa6: {  	s26 =	simm.s32 $execute0_lowered;
	[smem:$0x3FD2] =	sst s25  }
0xa7: {  	s6 =	sshll.u32 s26, $0x1;
	_ =	strace $0x8000004C;
	[dreg:$0x1] =	wrdreg $0xFFFFFFFF  }
0xa8: {  	s28 =	simm.s32 $_size_execute0_lowered;
	s4 =	sadd.s32 s4, s6;
	[dreg:$0x0] =	wrdreg $0x0  }
0xa9: {  	s6 =	sshll.u32 s28, $0x1;
	[dreg:$0x2] =	wrdreg s4  }
0xaa: {  	[dreg:$0x3] =	wrdreg s6  }
0xab: {  	[dreg:$0x4] =	wrdreg $0xC0  }
0xac: {  	_ =	task [dreg:s8], $0x5FFFF  }
0xad: {  	[dreg:$0x1] =	wrdreg $0xFFFFFFFF  }
0xae: {  	[dreg:$0x0] =	wrdreg $0x60  }
0xaf: {  	[dreg:$0x2] =	wrdreg s24  }
0xb0: {  	[dreg:$0x3] =	wrdreg s2  }
0xb1: {  	[dreg:$0x4] =	wrdreg s18  }
0xb2: {  	[dreg:$0x5] =	wrdreg $0x9  }
0xb3: {  	_ =	task.clear_ibuf [dreg:s8], $0x6FFFF;
	_ =	strace $0x9000004C  }
0xb4: {  	s29 =	simm.s32 $0x9;
	_ =	strace $0x8000004E  }
0xb5: {  	_ =	swait.ge [sflag:s29], $0x1  }
0xb6: {  	[sflag:s29] =	ssyncadd.s32 $0xFFFFFFFF  }
0xb7: {  	_ =	strace $0x9000004E  }
0xb8: {  	_ =	sfence  }
0xb9: {  	s30 =	sld [smem:$0x0];
	_ =	sdelay $0x2  }
0xba: {  	s31 =	sshll.u32 s1, $0xD;
	s1 =	sshrl.u32 s1, $0x2  }
0xbb: {  	s3 =	sand.u32 $0x4000, s31;
	s1 =	sadd.s32 s1, s30  }
0xbc: {  	s0 =	sor.u32 s3, s0;
	s1 =	sshll.u32 s1, $0x11  }
0xbd: {  	s0 =	sor.u32 s1, s0  }
0xbe: {  	s0 =	sadd.s32 $0x8F2B, s0  }
0xbf: {  	[sflag:s0] =	ssyncadd.remote.s32 $0x1  }
0xc0: {  	_ =	sfence.sel $0xFFFF  }
0xc1: {  	[dreg:$0x0] =	wrdreg $0xFFFFFFFF;
	(pc) =	sbr.abs _section_cstart, $3  }
0xc2: {  	[dreg:$0x1] =	wrdreg $0xFFFFFFFF  }
0xc3: {  	_ =	task.clear_ibuf [dreg:s8], $0x2FFFF;
	_ =	strace $0x9FFFFFFF  }
0xc4: {  	(tm) =	ssettm $0x7FFFFFFF  }
0xc5: {  	_ =	shalt  }
tec
execute0_lowered:
.L_overlay_start_1:
0x0: {  	(tag) =	ssettag $0x1  }
0x1: {  	s0 =	rddreg [dreg:$0x0]  }
0x2: {  	s1 =	rddreg [dreg:$0x1]  }
0x3: {  	s5 =	rddreg [dreg:$0x2];
	s2 =	simm.s32 $0x0  }
0x4: {  	s3 =	srdreg.scid;
	s12 =	stileid.u32;
	s22 =	simm.s32 $0x8000  }
0x5: {  	s23 =	simm.s32 $0x8800;
	s24 =	simm.s32 $0x9000;
	s25 =	simm.s32 $0x9800  }
0x6: {  	s26 =	simm.s32 $0xA800;
	s28 =	simm.s32 $0x1;
	s29 =	simm.s32 $0x3  }
0x7: {  	s30 =	simm.s32 $0x2;
	s31 =	simm.s32 $0x4;
	[smem:$0x7FF] =	sst s2  }
0x8: {  	s6 =	sand.u32 $0x1, s3;
	s3 =	sadd.s32 $0x4000, s0;
	s4 =	sadd.s32 $0x27EE00, s0  }
0x9: {  	s13 =	sshll.u32 s12, $0x1;
	s11 =	sadd.s32 $0xC42E00, s0;
	s0 =	sadd.s32 $0x1124E00, s0  }
0xa: {  	s15 =	smul.u32 $0x4E200, s12;
	_ =	strace $0x8000004D;
	[dreg:$0x6] =	wrdreg s22  }
0xb: {  	s12 =	simm.s32 $0x2800;
	s7 =	sor.u32 s6, s13;
	[dreg:$0x7] =	wrdreg s23  }
0xc: {  	s8 =	ssub.s32 $0x2, s6;
	s6 =	smul.u32 $0x27100, s6;
	[dreg:$0x8] =	wrdreg s24  }
0xd: {  	s13 =	simm.s32 $0x3000;
	s22 =	simm.s32 $0x7800;
	[dreg:$0x9] =	wrdreg s25  }
0xe: {  	s23 =	simm.s32 $0xA000;
	[dreg:$0xa] =	wrdreg s26;
	s24 =	simm.s32 $0xB000  }
0xf: {  	s25 =	simm.s32 $0xB800;
	s26 =	simm.s32 $0xC000;
	s9 =	smul.u32 $0x1388, s7  }
0x10: {  	s10 =	sshrl.u32 s8, $0x1;
	s7 =	smul.u32 $0x138800, s7;
	s18 =	sadd.s32 s15, s0  }
0x11: {  	s20 =	sadd.s32 s15, s11;
	s15 =	simm.s32 $0x4000;
	s10 =	ssub.s32 s8, s10  }
0x12: {  	s19 =	sadd.s32 s6, s18;
	s21 =	sadd.s32 s6, s20;
	s18 =	simm.s32 $0x5800  }
0x13: {  	s20 =	simm.s32 $0x6800;
	s14 =	sshrl.u32 s9, $0x3;
	[dreg:$0x4] =	wrdreg s19  }
0x14: {  	s7 =	sshrl.u32 s7, $0x3;
	s9 =	smax.u32 s10, $0x1;
	[dreg:$0x5] =	wrdreg s21  }
0x15: {  	s10 =	simm.s32 $0x5;
	s19 =	simm.s32 $0x6000;
	s1 =	sadd.s32 s1, s14  }
0x16: {  	s21 =	simm.s32 $0x7000;
	s5 =	sadd.s32 s5, s14;
	[dreg:$0xb] =	wrdreg s1  }
0x17: {  	v2 =	vlaneseq.u32;
	s16 =	sadd.s32 $0x26C00, s7;
	s14 =	simm.s32 $0x3800;
	[dreg:$0xc] =	wrdreg s5  }
0x18: {  	vm0 =	vmmov $0xffff;
	v1 =	vshrl.u32 v2, $0x3;
	s17 =	sadd.s32 s11, s16;
	s8 =	sadd.s32 s0, s16;
	s16 =	simm.s32 $0x4800  }
0x19: {  	v0 =	vand.u32 $0x7, v2;
	v2 =	vor.u32 $0x8, v2;
	v1 =	vmul.u32 $0x8, v1;
	s0 =	simm.s32 $0x0;
	[dreg:$0xd] =	wrdreg s17;
	s17 =	simm.s32 $0x5000  }
.LBB2_1:
0x1a: {  	s1 =	rddreg [dreg:$0xb]  }
0x1b: {  	[tilespmem:s2], [sflag:$0x5] =	stream.linear.gather [hbm4b:s1+s2], $0x1388, $0x38;
	[tilespmem:$0xC800] =	vst v63  }
0x1c: {  	_ =	swait.ge [sflag:s10], $0x1388  }
0x1d: {  	[sflag:s10] =	ssyncset.done $0x0  }
0x1e: {  	s5 =	simm.s32 $0x1400;
	s11 =	rddreg [dreg:$0xc];
	[sflag:s10] =	ssyncadd.s32 $0xFFFFEC78  }
0x1f: {  	[tilespmem:s5], [sflag:$0x5] =	stream.linear.gather [hbm4b:s11+s2], $0x1388, $0x38;
	[tilespmem:$0xC800] =	vst v63  }
0x20: {  	_ =	swait.ge [sflag:s10], $0x1388  }
0x21: {  	[sflag:s10] =	ssyncset.done $0x0  }
0x22: {  	[sflag:s10] =	ssyncadd.s32 $0xFFFFEC78  }
0x23: {  	v3 =	vld [tilespmem:$0x0];
	_ =	sdelay $0x4  }
0x24: {  	v4 =	vshll.u32 v3, $0x1  }
0x25: {  	v3 =	vand.u32 $0x7, v3;
	v4 =	vand.u32 $0xFFFFFFF0, v4  }
0x26: {  	v3 =	vor.u32 v3, v4  }
0x27: {  	v4 =	vperm.xlane v3, v0;
	_ =	sdelay $0x1  }
0x28: {  	v3 =	vperm.xlane v3, v2;
	v4 =	vadd.s32 v1, v4;
	_ =	sdelay $0x1  }
0x29: {  	v3 =	vadd.s32 v1, v3;
	_ =	sdelay $0x2  }
0x2a: {  	[tilespmem:s12], [sflag:$0x1] =	stream.indirect_vreg.gather [hbm4b:s3+s2], $0x80, v4, vm0, $0xb8;
	[tilespmem:$0xC800] =	vst v63  }
0x2b: {  	_ = 	snop  }
0x2c: {  	[tilespmem:s13], [sflag:$0x1] =	stream.indirect_vreg.gather [hbm4b:s3+s2], $0x80, v3, vm0, $0xb8;
	[tilespmem:$0xC800] =	vst v63  }
0x2d: {  	v3 =	vld [tilespmem:$0x10];
	_ =	sdelay $0x4  }
0x2e: {  	v59 =	vshll.u32 v3, $0x1  }
0x2f: {  	v3 =	vand.u32 $0x7, v3;
	v4 =	vand.u32 $0xFFFFFFF0, v59  }
0x30: {  	v3 =	vor.u32 v3, v4  }
0x31: {  	v4 =	vperm.xlane v3, v0;
	_ =	sdelay $0x1  }
0x32: {  	v3 =	vperm.xlane v3, v2;
	v4 =	vadd.s32 v1, v4;
	_ =	sdelay $0x1  }
0x33: {  	v3 =	vadd.s32 v1, v3;
	_ =	sdelay $0x2  }
0x34: {  	[tilespmem:s14], [sflag:$0x1] =	stream.indirect_vreg.gather [hbm4b:s3+s2], $0x80, v4, vm0, $0xb8;
	[tilespmem:$0xC800] =	vst v63  }
0x35: {  	_ = 	snop  }
0x36: {  	[tilespmem:s15], [sflag:$0x1] =	stream.indirect_vreg.gather [hbm4b:s3+s2], $0x80, v3, vm0, $0xb8;
	[tilespmem:$0xC800] =	vst v63  }
0x37: {  	v3 =	vld.msk [tilespmem:$0x20], $0xff;
	_ =	sdelay $0x4  }
0x38: {  	v60 =	vshll.u32 v3, $0x1  }
0x39: {  	v3 =	vand.u32 $0x7, v3;
	v4 =	vand.u32 $0xFFFFFFF0, v60  }
0x3a: {  	v3 =	vor.u32 v3, v4  }
0x3b: {  	v3 =	vperm.xlane v3, v0;
	_ =	sdelay $0x1  }
0x3c: {  	v3 =	vadd.s32 v1, v3;
	_ =	sdelay $0x4  }
0x3d: {  	[tilespmem:s16], [sflag:$0x1] =	stream.indirect_vreg.gather [hbm4b:s3+s2], $0x80, v3, vm0, $0xb8;
	[tilespmem:$0xC800] =	vst v63  }
0x3e: {  	v3 =	vld [tilespmem:$0x1400];
	_ =	sdelay $0x4  }
0x3f: {  	v61 =	vshll.u32 v3, $0x1  }
0x40: {  	v3 =	vand.u32 $0x7, v3;
	v4 =	vand.u32 $0xFFFFFFF0, v61  }
0x41: {  	v3 =	vor.u32 v3, v4  }
0x42: {  	v4 =	vperm.xlane v3, v0;
	_ =	sdelay $0x1  }
0x43: {  	v3 =	vperm.xlane v3, v2;
	v4 =	vadd.s32 v1, v4;
	_ =	sdelay $0x1  }
0x44: {  	v3 =	vadd.s32 v1, v3;
	_ =	sdelay $0x2  }
0x45: {  	[tilespmem:s17], [sflag:$0x1] =	stream.indirect_vreg.gather [hbm4b:s4+s2], $0x80, v4, vm0, $0xb8;
	[tilespmem:$0xC800] =	vst v63  }
0x46: {  	_ = 	snop  }
0x47: {  	[tilespmem:s18], [sflag:$0x1] =	stream.indirect_vreg.gather [hbm4b:s4+s2], $0x80, v3, vm0, $0xb8;
	[tilespmem:$0xC800] =	vst v63  }
0x48: {  	v3 =	vld [tilespmem:$0x1410];
	_ =	sdelay $0x4  }
0x49: {  	v62 =	vshll.u32 v3, $0x1  }
0x4a: {  	v3 =	vand.u32 $0x7, v3;
	v4 =	vand.u32 $0xFFFFFFF0, v62  }
0x4b: {  	v3 =	vor.u32 v3, v4  }
0x4c: {  	v4 =	vperm.xlane v3, v0;
	_ =	sdelay $0x1  }
0x4d: {  	v3 =	vperm.xlane v3, v2;
	v4 =	vadd.s32 v1, v4;
	_ =	sdelay $0x1  }
0x4e: {  	v3 =	vadd.s32 v1, v3;
	_ =	sdelay $0x2  }
0x4f: {  	[tilespmem:s19], [sflag:$0x1] =	stream.indirect_vreg.gather [hbm4b:s4+s2], $0x80, v4, vm0, $0xb8;
	[tilespmem:$0xC800] =	vst v63  }
0x50: {  	_ = 	snop  }
0x51: {  	[tilespmem:s20], [sflag:$0x1] =	stream.indirect_vreg.gather [hbm4b:s4+s2], $0x80, v3, vm0, $0xb8;
	[tilespmem:$0xC800] =	vst v63  }
0x52: {  	v3 =	vld.msk [tilespmem:$0x1420], $0xff;
	_ =	sdelay $0x4  }
0x53: {  	v63 =	vshll.u32 v3, $0x1  }
0x54: {  	v3 =	vand.u32 $0x7, v3;
	v4 =	vand.u32 $0xFFFFFFF0, v63  }
0x55: {  	v3 =	vor.u32 v3, v4  }
0x56: {  	v3 =	vperm.xlane v3, v0;
	_ =	sdelay $0x1  }
0x57: {  	v3 =	vadd.s32 v1, v3;
	_ =	sdelay $0x3  }
0x58: {  	s1 =	simm.s32 $0x38;
	s11 =	simm.s32 $0x1438;
	s5 =	simm.s32 $0x0  }
0x59: {  	[tilespmem:s21], [sflag:$0x1] =	stream.indirect_vreg.gather [hbm4b:s4+s2], $0x80, v3, vm0, $0xb8;
	[tilespmem:$0xC800] =	vst v63  }
.LBB2_2:
0x5a: {  	p0 =	seq.s32 s5, $0x0  }
0x5b: {  	s6 =	simm.s32 @!p0 $0x4  }
0x5c: {  	_ =	swait.ge @!p0 [sflag:s6], $0x2800  }
0x5d: {  	[sflag:s6] =	ssyncset.done @!p0 $0x0  }
0x5e: {  	[sflag:s6] =	ssyncadd.s32 @!p0 $0xFFFFD800  }
0x5f: {  	_ =	swait.ge @!p0 [sflag:s6], $0x2800  }
0x60: {  	[sflag:s6] =	ssyncset.done @!p0 $0x0  }
0x61: {  	[sflag:s6] =	ssyncadd.s32 @!p0 $0xFFFFD800  }
0x62: {  	v3 =	vld [tilespmem:s1+$0xFFFFFFF0];
	_ =	sdelay $0x4  }
0x63: {  	v4 =	vshll.u32 v3, $0x1  }
0x64: {  	v3 =	vand.u32 $0x7, v3;
	v4 =	vand.u32 $0xFFFFFFF0, v4  }
0x65: {  	v3 =	vor.u32 v3, v4  }
0x66: {  	v4 =	vperm.xlane v3, v0;
	_ =	sdelay $0x1  }
0x67: {  	v3 =	vperm.xlane v3, v2;
	v4 =	vadd.s32 v1, v4;
	_ =	sdelay $0x1  }
0x68: {  	v3 =	vadd.s32 v1, v3;
	_ =	sdelay $0x2  }
0x69: {  	[tilespmem:s22], [sflag:$0x2] =	stream.indirect_vreg.gather [hbm4b:s3+s2], $0x80, v4, vm0, $0xb8;
	[tilespmem:$0xC800] =	vst v63  }
0x6a: {  	s7 =	rddreg [dreg:$0x6]  }
0x6b: {  	[tilespmem:s7], [sflag:$0x2] =	stream.indirect_vreg.gather [hbm4b:s3+s2], $0x80, v3, vm0, $0xb8;
	[tilespmem:$0xC800] =	vst v63  }
0x6c: {  	v3 =	vld [tilespmem:s1+$0x0];
	_ =	sdelay $0x4  }
0x6d: {  	v53 =	vshll.u32 v3, $0x1  }
0x6e: {  	v3 =	vand.u32 $0x7, v3;
	v4 =	vand.u32 $0xFFFFFFF0, v53  }
0x6f: {  	v3 =	vor.u32 v3, v4  }
0x70: {  	v4 =	vperm.xlane v3, v0;
	_ =	sdelay $0x1  }
0x71: {  	v3 =	vperm.xlane v3, v2;
	v4 =	vadd.s32 v1, v4;
	_ =	sdelay $0x1  }
0x72: {  	v3 =	vadd.s32 v1, v3;
	_ =	sdelay $0x1  }
0x73: {  	s6 =	rddreg [dreg:$0x7]  }
0x74: {  	[tilespmem:s6], [sflag:$0x2] =	stream.indirect_vreg.gather [hbm4b:s3+s2], $0x80, v4, vm0, $0xb8;
	[tilespmem:$0xC800] =	vst v63  }
0x75: {  	s7 =	rddreg [dreg:$0x8]  }
0x76: {  	[tilespmem:s7], [sflag:$0x2] =	stream.indirect_vreg.gather [hbm4b:s3+s2], $0x80, v3, vm0, $0xb8;
	[tilespmem:$0xC800] =	vst v63  }
0x77: {  	v3 =	vld.msk [tilespmem:s1+$0x10], $0xff;
	_ =	sdelay $0x4  }
0x78: {  	v54 =	vshll.u32 v3, $0x1  }
0x79: {  	v3 =	vand.u32 $0x7, v3;
	v4 =	vand.u32 $0xFFFFFFF0, v54  }
0x7a: {  	v3 =	vor.u32 v3, v4  }
0x7b: {  	v3 =	vperm.xlane v3, v0;
	_ =	sdelay $0x1  }
0x7c: {  	v3 =	vadd.s32 v1, v3;
	_ =	sdelay $0x3  }
0x7d: {  	s7 =	rddreg [dreg:$0x9]  }
0x7e: {  	[tilespmem:s7], [sflag:$0x2] =	stream.indirect_vreg.gather [hbm4b:s3+s2], $0x80, v3, vm0, $0xb8;
	[tilespmem:$0xC800] =	vst v63  }
0x7f: {  	v3 =	vld [tilespmem:s11+$0xFFFFFFF0];
	_ =	sdelay $0x4  }
0x80: {  	v55 =	vshll.u32 v3, $0x1  }
0x81: {  	v3 =	vand.u32 $0x7, v3;
	v4 =	vand.u32 $0xFFFFFFF0, v55  }
0x82: {  	v3 =	vor.u32 v3, v4  }
0x83: {  	v4 =	vperm.xlane v3, v0;
	_ =	sdelay $0x1  }
0x84: {  	v3 =	vperm.xlane v3, v2;
	v4 =	vadd.s32 v1, v4;
	_ =	sdelay $0x1  }
0x85: {  	v3 =	vadd.s32 v1, v3;
	_ =	sdelay $0x2  }
0x86: {  	[tilespmem:s23], [sflag:$0x2] =	stream.indirect_vreg.gather [hbm4b:s4+s2], $0x80, v4, vm0, $0xb8;
	[tilespmem:$0xC800] =	vst v63  }
0x87: {  	s7 =	rddreg [dreg:$0xa]  }
0x88: {  	[tilespmem:s7], [sflag:$0x2] =	stream.indirect_vreg.gather [hbm4b:s4+s2], $0x80, v3, vm0, $0xb8;
	[tilespmem:$0xC800] =	vst v63  }
0x89: {  	v3 =	vld [tilespmem:s11+$0x0];
	_ =	sdelay $0x4  }
0x8a: {  	v56 =	vshll.u32 v3, $0x1  }
0x8b: {  	v3 =	vand.u32 $0x7, v3;
	v4 =	vand.u32 $0xFFFFFFF0, v56  }
0x8c: {  	v3 =	vor.u32 v3, v4  }
0x8d: {  	v4 =	vperm.xlane v3, v0;
	_ =	sdelay $0x1  }
0x8e: {  	v3 =	vperm.xlane v3, v2;
	v4 =	vadd.s32 v1, v4;
	_ =	sdelay $0x1  }
0x8f: {  	v3 =	vadd.s32 v1, v3;
	_ =	sdelay $0x2  }
0x90: {  	[tilespmem:s24], [sflag:$0x2] =	stream.indirect_vreg.gather [hbm4b:s4+s2], $0x80, v4, vm0, $0xb8;
	[tilespmem:$0xC800] =	vst v63  }
0x91: {  	_ = 	snop  }
0x92: {  	[tilespmem:s25], [sflag:$0x2] =	stream.indirect_vreg.gather [hbm4b:s4+s2], $0x80, v3, vm0, $0xb8;
	[tilespmem:$0xC800] =	vst v63  }
0x93: {  	v3 =	vld.msk [tilespmem:s11+$0x10], $0xff;
	_ =	sdelay $0x4  }
0x94: {  	v57 =	vshll.u32 v3, $0x1  }
0x95: {  	v3 =	vand.u32 $0x7, v3;
	v4 =	vand.u32 $0xFFFFFFF0, v57  }
0x96: {  	v3 =	vor.u32 v3, v4  }
0x97: {  	v3 =	vperm.xlane v3, v0;
	_ =	sdelay $0x1  }
0x98: {  	v3 =	vadd.s32 v1, v3;
	_ =	sdelay $0x4  }
0x99: {  	[tilespmem:s26], [sflag:$0x2] =	stream.indirect_vreg.gather [hbm4b:s4+s2], $0x80, v3, vm0, $0xb8;
	[tilespmem:$0xC800] =	vst v63  }
0x9a: {  	_ =	swait.ge [sflag:s28], $0x2800  }
0x9b: {  	[sflag:s28] =	ssyncset.done $0x0  }
0x9c: {  	[sflag:s28] =	ssyncadd.s32 $0xFFFFD800  }
0x9d: {  	_ =	swait.ge [sflag:s28], $0x2800  }
0x9e: {  	s6 =	rddreg [dreg:$0x5];
	[sflag:s28] =	ssyncset.done $0x0  }
0x9f: {  	s7 =	rddreg [dreg:$0x4];
	[sflag:s28] =	ssyncadd.s32 $0xFFFFD800;
	s6 =	sadd.s32 s5, s6  }
0xa0: {  	[hbm4b:s6+s2] =	stream.linear.scatter [tilespmem:s12], [sflag:$0x3], $0x2800, $0x38;
	[tilespmem:$0xC800] =	vst v63  }
0xa1: {  	s7 =	sadd.s32 s5, s7  }
0xa2: {  	[hbm4b:s7+s2] =	stream.linear.scatter [tilespmem:s17], [sflag:$0x3], $0x2800, $0x38;
	[tilespmem:$0xC800] =	vst v63  }
0xa3: {  	_ =	swait.ge [sflag:s29], $0x2800  }
0xa4: {  	[sflag:s29] =	ssyncset.done $0x0  }
0xa5: {  	[sflag:s29] =	ssyncadd.s32 $0xFFFFD800  }
0xa6: {  	_ =	swait.ge [sflag:s29], $0x2800  }
0xa7: {  	[sflag:s29] =	ssyncset.done $0x0  }
0xa8: {  	[sflag:s29] =	ssyncadd.s32 $0xFFFFD800  }
0xa9: {  	v3 =	vld [tilespmem:s1+$0x18];
	_ =	sdelay $0x4  }
0xaa: {  	v58 =	vshll.u32 v3, $0x1  }
0xab: {  	v3 =	vand.u32 $0x7, v3;
	v4 =	vand.u32 $0xFFFFFFF0, v58  }
0xac: {  	v3 =	vor.u32 v3, v4  }
0xad: {  	v4 =	vperm.xlane v3, v0;
	_ =	sdelay $0x1  }
0xae: {  	v3 =	vperm.xlane v3, v2;
	v4 =	vadd.s32 v1, v4;
	_ =	sdelay $0x1  }
0xaf: {  	v3 =	vadd.s32 v1, v3;
	_ =	sdelay $0x2  }
0xb0: {  	[tilespmem:s12], [sflag:$0x1] =	stream.indirect_vreg.gather [hbm4b:s3+s2], $0x80, v4, vm0, $0xb8;
	[tilespmem:$0xC800] =	vst v63  }
0xb1: {  	_ = 	snop  }
0xb2: {  	[tilespmem:s13], [sflag:$0x1] =	stream.indirect_vreg.gather [hbm4b:s3+s2], $0x80, v3, vm0, $0xb8;
	[tilespmem:$0xC800] =	vst v63  }
0xb3: {  	v3 =	vld [tilespmem:s1+$0x28];
	_ =	sdelay $0x4  }
0xb4: {  	v59 =	vshll.u32 v3, $0x1  }
0xb5: {  	v3 =	vand.u32 $0x7, v3;
	v4 =	vand.u32 $0xFFFFFFF0, v59  }
0xb6: {  	v3 =	vor.u32 v3, v4  }
0xb7: {  	v4 =	vperm.xlane v3, v0;
	_ =	sdelay $0x1  }
0xb8: {  	v3 =	vperm.xlane v3, v2;
	v4 =	vadd.s32 v1, v4;
	_ =	sdelay $0x1  }
0xb9: {  	v3 =	vadd.s32 v1, v3;
	_ =	sdelay $0x2  }
0xba: {  	[tilespmem:s14], [sflag:$0x1] =	stream.indirect_vreg.gather [hbm4b:s3+s2], $0x80, v4, vm0, $0xb8;
	[tilespmem:$0xC800] =	vst v63  }
0xbb: {  	_ = 	snop  }
0xbc: {  	[tilespmem:s15], [sflag:$0x1] =	stream.indirect_vreg.gather [hbm4b:s3+s2], $0x80, v3, vm0, $0xb8;
	[tilespmem:$0xC800] =	vst v63  }
0xbd: {  	v3 =	vld.msk [tilespmem:s1+$0x38], $0xff;
	_ =	sdelay $0x4  }
0xbe: {  	v60 =	vshll.u32 v3, $0x1  }
0xbf: {  	v3 =	vand.u32 $0x7, v3;
	v4 =	vand.u32 $0xFFFFFFF0, v60  }
0xc0: {  	v3 =	vor.u32 v3, v4  }
0xc1: {  	v3 =	vperm.xlane v3, v0;
	_ =	sdelay $0x1  }
0xc2: {  	v3 =	vadd.s32 v1, v3;
	_ =	sdelay $0x4  }
0xc3: {  	[tilespmem:s16], [sflag:$0x1] =	stream.indirect_vreg.gather [hbm4b:s3+s2], $0x80, v3, vm0, $0xb8;
	[tilespmem:$0xC800] =	vst v63  }
0xc4: {  	v3 =	vld [tilespmem:s11+$0x18];
	_ =	sdelay $0x4  }
0xc5: {  	v61 =	vshll.u32 v3, $0x1  }
0xc6: {  	v3 =	vand.u32 $0x7, v3;
	v4 =	vand.u32 $0xFFFFFFF0, v61  }
0xc7: {  	v3 =	vor.u32 v3, v4  }
0xc8: {  	v4 =	vperm.xlane v3, v0;
	_ =	sdelay $0x1  }
0xc9: {  	v3 =	vperm.xlane v3, v2;
	v4 =	vadd.s32 v1, v4;
	_ =	sdelay $0x1  }
0xca: {  	v3 =	vadd.s32 v1, v3;
	_ =	sdelay $0x2  }
0xcb: {  	[tilespmem:s17], [sflag:$0x1] =	stream.indirect_vreg.gather [hbm4b:s4+s2], $0x80, v4, vm0, $0xb8;
	[tilespmem:$0xC800] =	vst v63  }
0xcc: {  	_ = 	snop  }
0xcd: {  	[tilespmem:s18], [sflag:$0x1] =	stream.indirect_vreg.gather [hbm4b:s4+s2], $0x80, v3, vm0, $0xb8;
	[tilespmem:$0xC800] =	vst v63  }
0xce: {  	v3 =	vld [tilespmem:s11+$0x28];
	_ =	sdelay $0x4  }
0xcf: {  	v62 =	vshll.u32 v3, $0x1  }
0xd0: {  	v3 =	vand.u32 $0x7, v3;
	v4 =	vand.u32 $0xFFFFFFF0, v62  }
0xd1: {  	v3 =	vor.u32 v3, v4  }
0xd2: {  	v4 =	vperm.xlane v3, v0;
	_ =	sdelay $0x1  }
0xd3: {  	v3 =	vperm.xlane v3, v2;
	v4 =	vadd.s32 v1, v4;
	_ =	sdelay $0x1  }
0xd4: {  	v3 =	vadd.s32 v1, v3;
	_ =	sdelay $0x2  }
0xd5: {  	[tilespmem:s19], [sflag:$0x1] =	stream.indirect_vreg.gather [hbm4b:s4+s2], $0x80, v4, vm0, $0xb8;
	[tilespmem:$0xC800] =	vst v63  }
0xd6: {  	_ = 	snop  }
0xd7: {  	[tilespmem:s20], [sflag:$0x1] =	stream.indirect_vreg.gather [hbm4b:s4+s2], $0x80, v3, vm0, $0xb8;
	[tilespmem:$0xC800] =	vst v63  }
0xd8: {  	v3 =	vld.msk [tilespmem:s11+$0x38], $0xff;
	_ =	sdelay $0x4  }
0xd9: {  	v63 =	vshll.u32 v3, $0x1  }
0xda: {  	v3 =	vand.u32 $0x7, v3;
	v4 =	vand.u32 $0xFFFFFFF0, v63  }
0xdb: {  	v3 =	vor.u32 v3, v4  }
0xdc: {  	v3 =	vperm.xlane v3, v0;
	_ =	sdelay $0x1  }
0xdd: {  	v3 =	vadd.s32 v1, v3;
	_ =	sdelay $0x4  }
0xde: {  	[tilespmem:s21], [sflag:$0x1] =	stream.indirect_vreg.gather [hbm4b:s4+s2], $0x80, v3, vm0, $0xb8;
	[tilespmem:$0xC800] =	vst v63  }
0xdf: {  	_ =	swait.ge [sflag:s30], $0x2800  }
0xe0: {  	[sflag:s30] =	ssyncset.done $0x0  }
0xe1: {  	s5 =	sadd.s32 $0xA00, s5;
	[sflag:s30] =	ssyncadd.s32 $0xFFFFD800  }
0xe2: {  	p0 =	sne.s32 s5, $0x26C00;
	_ =	swait.ge [sflag:s30], $0x2800  }
.Ltmp0:
0xe3: {  	[sflag:s30] =	ssyncset.done $0x0;
	(pc) =	sbr.rel @p0 .LBB2_2-.Ltmp0, $4  }
0xe4: {  	s6 =	sadd.s32 $0x500, s6;
	[sflag:s30] =	ssyncadd.s32 $0xFFFFD800  }
0xe5: {  	[hbm4b:s6+s2] =	stream.linear.scatter [tilespmem:s22], [sflag:$0x4], $0x2800, $0x38;
	[tilespmem:$0xC800] =	vst v63  }
0xe6: {  	s7 =	sadd.s32 $0x500, s7;
	s1 =	sadd.s32 $0x50, s1;
	s11 =	sadd.s32 $0x50, s11  }
0xe7: {  	[hbm4b:s7+s2] =	stream.linear.scatter [tilespmem:s23], [sflag:$0x4], $0x2800, $0x38;
	[tilespmem:$0xC800] =	vst v63  }
0xe8: {  	_ =	swait.ge [sflag:s28], $0x2800  }
0xe9: {  	[sflag:s28] =	ssyncset.done $0x0  }
0xea: {  	[sflag:s28] =	ssyncadd.s32 $0xFFFFD800  }
0xeb: {  	_ =	swait.ge [sflag:s28], $0x2800  }
0xec: {  	[sflag:s28] =	ssyncset.done $0x0  }
0xed: {  	s1 =	rddreg [dreg:$0xd];
	[sflag:s28] =	ssyncadd.s32 $0xFFFFD800  }
0xee: {  	[hbm4b:s1+s2] =	stream.linear.scatter [tilespmem:s12], [sflag:$0x3], $0x2800, $0x38;
	[tilespmem:$0xC800] =	vst v63  }
0xef: {  	_ = 	snop  }
0xf0: {  	[hbm4b:s8+s2] =	stream.linear.scatter [tilespmem:s17], [sflag:$0x3], $0x2800, $0x38;
	[tilespmem:$0xC800] =	vst v63  }
0xf1: {  	_ =	swait.ge [sflag:s31], $0x2800  }
0xf2: {  	[sflag:s31] =	ssyncset.done $0x0  }
0xf3: {  	[sflag:s31] =	ssyncadd.s32 $0xFFFFD800  }
0xf4: {  	_ =	swait.ge [sflag:s31], $0x2800  }
0xf5: {  	[sflag:s31] =	ssyncset.done $0x0  }
0xf6: {  	s0 =	sadd.s32 $0x1, s0;
	[sflag:s31] =	ssyncadd.s32 $0xFFFFD800  }
0xf7: {  	p0 =	sne.s32 s0, s9;
	_ =	swait.ge [sflag:s29], $0x2800  }
.Ltmp1:
0xf8: {  	[sflag:s29] =	ssyncset.done $0x0;
	(pc) =	sbr.rel @p0 .LBB2_1-.Ltmp1, $4  }
0xf9: {  	[sflag:s29] =	ssyncadd.s32 $0xFFFFD800  }
0xfa: {  	_ =	swait.ge [sflag:s29], $0x2800  }
0xfb: {  	[sflag:s29] =	ssyncset.done $0x0  }
0xfc: {  	[sflag:s29] =	ssyncadd.s32 $0xFFFFD800  }
0xfd: {  	_ =	sfence.sel $0x180000  }
0xfe: {  	[bflag:$0x0] =	sbarrier.arrive $0xFFFF  }
0xff: {  	_ =	strace $0x9000004D  }
0x100: {  	s0 =	stileid.u32;
	[bflag:$0x2] =	sbarrier.arrive $0xFFFF  }
0x101: {  	p0 =	sne.s32 s0, $0x0;
	s0 =	rddreg [dreg:$0x3]  }
0x102: {  	s0 =	sadd.s32 @!p0 $0x100000, s0  }
0x103: {  	[sflag:s0] =	ssyncadd.tile.s32 @!p0 $0x1;
	_ =	shalt  }
.Lfunc_end2:
_tile_overlayer_lowered:
.L_overlay_start_2:
0x104: {  	(tag) =	ssettag $0x2  }
0x105: {  	s0 =	rddreg [dreg:$0x0];
	s2 =	stileid.u32  }
0x106: {  	s1 =	rddreg [dreg:$0x1];
	p0 =	sne.s32 s2, $0x0  }
0x107: {  	s3 =	rddreg [dreg:$0x2];
	[bflag:$0x3] =	sbarrier.arrive $0xFFFF;
	s2 =	simm.s32 @!p0 $0x1C05  }
0x108: {  	[timem:s3], [sflag:s2] =	dma.local @!p0 [hbm:s0], s1  }
0x109: {  	s0 =	simm.s32 @!p0 $0x5  }
0x10a: {  	_ =	swait.ge @!p0 [sflag:s0], s1  }
0x10b: {  	s1 =	ssub.s32 @!p0 $0x0, s1;
	[sflag:s0] =	ssyncset.done @!p0 $0x0  }
0x10c: {  	[sflag:s0] =	ssyncadd.s32 @!p0 s1  }
0x10d: {  	[bflag:$0x3] =	sbarrier.arrive $0xFFFF  }
0x10e: {  	_ =	shalt  }

// kernel: kernel.20.cloned.1.call-start
scs
__scs_entry_jumppad:
0x0: {  	(pc) =	sbr.rel $0x88, $3  }
0x1: {  	(tag) =	ssettag $0x0;
	lr =	simm.s32 $0x1  }
0x2: {  	[smem:$0x3F98] =	sst lr;
	_ =	strace $0xD0000000  }
0x3: {  	_ = 	snop  }
0x4: {  	_ = 	snop  }
0x5: {  	_ = 	snop  }
0x6: {  	_ = 	snop  }
0x7: {  	_ = 	snop  }
__scs_overlays_trampoline_lowered:
0x8: {  	[smem:$0x3FA7] =	sst s0  }
0x9: {  	[smem:$0x3FA8] =	sst s1  }
0xa: {  	[smem:$0x3FA9] =	sst s2  }
0xb: {  	[smem:$0x3FAA] =	sst s3  }
0xc: {  	[smem:$0x3FAB] =	sst s4  }
0xd: {  	[smem:$0x3FAC] =	sst s5  }
0xe: {  	[smem:$0x3FAD] =	sst s6  }
0xf: {  	[smem:$0x3FAE] =	sst s7  }
0x10: {  	[smem:$0x3FAF] =	sst s8  }
0x11: {  	[smem:$0x3FB0] =	sst s9;
	s0 =	simm.s32 @!p0 $0x0  }
0x12: {  	s1 =	sld [smem:$0x3F96];
	s0 =	simm.s32 @p0 $0x1  }
0x13: {  	[smem:$0x3FB1] =	sst s0;
	s0 =	simm.s32 @!p1 $0x0  }
0x14: {  	s2 =	sld [smem:$0x3F95];
	s0 =	simm.s32 @p1 $0x1  }
0x15: {  	[smem:$0x3FB2] =	sst s0;
	s0 =	simm.s32 @!p2 $0x0  }
0x16: {  	s3 =	sld [smem:$0x3FDB];
	s0 =	simm.s32 @p2 $0x1  }
0x17: {  	s4 =	simm.s32 $0x1BF5;
	[smem:$0x3FB4] =	sst s0  }
0x18: {  	s0 =	sld [smem:$0x3F97];
	_ =	swait.ge [sflag:s4], $0x0  }
0x19: {  	s7 =	sld [smem:$0x3F98]  }
0x1a: {  	s8 =	sadd.s32 $0xFFFFE003, lr  }
0x1b: {  	s9 =	sadd.s32 $0xFFFFFEF7, lr;
	s5 =	simm.s32 $0xFFFFFFFF;
	p2 =	slt.u32 s8, $0xFFFFF086  }
0x1c: {  	p1 =	slt.u32 s9, $0xF7A;
	s5 =	simm.s32 @!p2 $0x0  }
0x1d: {  	s5 =	simm.s32 @p1 $0x1;
	p0 =	seq.s32 s7, s2  }
0x1e: {  	s7 =	smul.u32 @!p0 $0xF7A, s2;
	p2 =	seq.s32 @!p0 s5, $0x0  }
0x1f: {  	s9 =	smul.u32 $0xF7A, s1;
	s8 =	simm.s32 @!p0 $0x1BF5;
	p2 =	por !p2, p0  }
0x20: {  	[sflag:s8] =	ssyncset.s32 @!p0 $0xFFFFF086;
	s6 =	sadd.s32 @!p0 s3, s7;
	s7 =	simm.s32 @!p0 $0x108  }
0x21: {  	s3 =	sadd.s32 s3, s9;
	s6 =	sadd.s32 @!p0 $0x88, s6;
	s7 =	simm.s32 @p2 $0x1082  }
0x22: {  	[simem:s7], [sflag:s8] =	dma.local @!p0 [hbm:s6], $0xF7A  }
0x23: {  	s9 =	sor.u32 $0xD0000000, s2;
	s6 =	simm.s32 $0x108;
	_ =	swait.ge @!p0 [sflag:s8], $0x0  }
0x24: {  	s3 =	sadd.s32 $0x88, s3;
	s6 =	simm.s32 @!p1 $0x1082;
	[sflag:s4] =	ssyncset.s32 $0xFFFFF086  }
0x25: {  	[simem:s6], [sflag:s4] =	dma.local [hbm:s3], $0xF7A  }
0x26: {  	[smem:$0x3F98] =	sst s1;
	(tag) =	ssettag s2;
	_ =	strace s9  }
0x27: {  	s1 =	sld [smem:$0x3FA8]  }
0x28: {  	s2 =	sld [smem:$0x3FA9]  }
0x29: {  	s4 =	sld [smem:$0x3FAB]  }
0x2a: {  	p0 =	seq.s32 s5, $0x0;
	s5 =	sld [smem:$0x3FAC]  }
0x2b: {  	s6 =	sld [smem:$0x3FAD]  }
0x2c: {  	s7 =	sld [smem:$0x3FAE]  }
0x2d: {  	s3 =	simm.s32 $0x108;
	s8 =	sld [smem:$0x3FAF]  }
0x2e: {  	s3 =	simm.s32 @!p0 $0x1082;
	s9 =	sld [smem:$0x3FB0]  }
0x2f: {  	lr =	sadd.s32 s0, s3;
	s0 =	sld [smem:$0x3FA7]  }
0x30: {  	s3 =	sld [smem:$0x3FAA]  }
0x31: {  	[smem:$0x3FB3] =	sst s10  }
0x32: {  	s10 =	sld [smem:$0x3FB1];
	_ =	sdelay $0x3  }
0x33: {  	p0 =	seq.s32 s10, $0x1;
	s10 =	sld [smem:$0x3FB3];
	_ =	sdelay $0x3  }
0x34: {  	[smem:$0x3FB3] =	sst s10  }
0x35: {  	s10 =	sld [smem:$0x3FB2];
	_ =	sdelay $0x3  }
0x36: {  	p1 =	seq.s32 s10, $0x1;
	s10 =	sld [smem:$0x3FB3];
	_ =	sdelay $0x3  }
0x37: {  	[smem:$0x3FB3] =	sst s10  }
0x38: {  	s10 =	sld [smem:$0x3FB4]  }
0x39: {  	_ = 	snop;
	(pc) =	sbr.ind lr, $3  }
0x3a: {  	_ = 	snop  }
0x3b: {  	_ = 	snop  }
0x3c: {  	p2 =	seq.s32 s10, $0x1;
	s10 =	sld [smem:$0x3FB3]  }
0x3d: {  	_ =	shalt  }
0x3e: {  	_ =	shalt  }
0x3f: {  	_ =	shalt  }
0x40: {  	_ =	shalt  }
0x41: {  	_ =	shalt  }
0x42: {  	_ =	shalt  }
0x43: {  	_ =	shalt  }
0x44: {  	_ =	shalt  }
0x45: {  	_ =	shalt  }
0x46: {  	_ =	shalt  }
0x47: {  	_ =	shalt  }
0x48: {  	_ =	shalt  }
0x49: {  	_ =	shalt  }
0x4a: {  	_ =	shalt  }
0x4b: {  	_ =	shalt  }
0x4c: {  	_ =	shalt  }
0x4d: {  	_ =	shalt  }
0x4e: {  	_ =	shalt  }
0x4f: {  	_ =	shalt  }
0x50: {  	_ =	shalt  }
0x51: {  	_ =	shalt  }
0x52: {  	_ =	shalt  }
0x53: {  	_ =	shalt  }
0x54: {  	_ =	shalt  }
0x55: {  	_ =	shalt  }
0x56: {  	_ =	shalt  }
0x57: {  	_ =	shalt  }
0x58: {  	_ =	shalt  }
0x59: {  	_ =	shalt  }
0x5a: {  	_ =	shalt  }
0x5b: {  	_ =	shalt  }
0x5c: {  	_ =	shalt  }
0x5d: {  	_ =	shalt  }
0x5e: {  	_ =	shalt  }
0x5f: {  	_ =	shalt  }
0x60: {  	_ =	shalt  }
0x61: {  	_ =	shalt  }
0x62: {  	_ =	shalt  }
0x63: {  	_ =	shalt  }
0x64: {  	_ =	shalt  }
0x65: {  	_ =	shalt  }
0x66: {  	_ =	shalt  }
0x67: {  	_ =	shalt  }
0x68: {  	_ =	shalt  }
0x69: {  	_ =	shalt  }
0x6a: {  	_ =	shalt  }
0x6b: {  	_ =	shalt  }
0x6c: {  	_ =	shalt  }
0x6d: {  	_ =	shalt  }
0x6e: {  	_ =	shalt  }
0x6f: {  	_ =	shalt  }
0x70: {  	_ =	shalt  }
0x71: {  	_ =	shalt  }
0x72: {  	_ =	shalt  }
0x73: {  	_ =	shalt  }
0x74: {  	_ =	shalt  }
0x75: {  	_ =	shalt  }
0x76: {  	_ =	shalt  }
0x77: {  	_ =	shalt  }
0x78: {  	_ =	shalt  }
0x79: {  	_ =	shalt  }
0x7a: {  	_ =	shalt  }
0x7b: {  	_ =	shalt  }
0x7c: {  	_ =	shalt  }
0x7d: {  	_ =	shalt  }
0x7e: {  	_ =	shalt  }
0x7f: {  	_ =	shalt  }
0x80: {  	_ =	shalt  }
0x81: {  	_ =	shalt  }
0x82: {  	_ =	shalt  }
0x83: {  	_ =	shalt  }
0x84: {  	_ =	shalt  }
0x85: {  	_ =	shalt  }
0x86: {  	_ =	shalt  }
0x87: {  	_ =	shalt  }
.Lfunc_end0:
.L_simem_size_0:
called_computation.3_lowered:
.L_overlay_start_0:
0x88: {  	s2 =	sld [smem:$0x3FD9]  }
0x89: {  	s3 =	sld [smem:$0x3FFE];
	_ =	sdelay $0x1  }
0x8a: {  	s1 =	srdreg.scid  }
0x8b: {  	s0 =	sand.u32 $0x1, s1  }
0x8c: {  	s17 =	sshll.u32 s0, $0xA;
	s2 =	sadd.s32 s3, s2  }
0x8d: {  	s2 =	sadd.s32 s2, s17  }
0x8e: {  	[smem:$0x3FBF] =	sst s2  }
0x8f: {  	_ = 	snop  }
0x90: {  	s2 =	sld [smem:$0x3FC7]  }
0x91: {  	s18 =	sld [smem:$0x3FC6];
	(tm) =	ssettm $0x1  }
0x92: {  	s4 =	sld [smem:$0x3FFB];
	_ =	sdelay $0x3  }
0x93: {  	_ =	strace s4  }
0x94: {  	s4 =	sld [smem:$0x3FFC];
	_ =	sdelay $0x3  }
0x95: {  	_ =	strace s4  }
0x96: {  	s4 =	sld [smem:$0x3FFD];
	_ =	sdelay $0x3  }
0x97: {  	_ =	strace s4  }
0x98: {  	_ =	strace $0x8FFFFFFF  }
0x99: {  	s19 =	sld [smem:$0x3FDB];
	_ =	sdelay $0x1  }
0x9a: {  	s5 =	simm.s32 $_scs_section_size  }
0x9b: {  	s6 =	simm.s32 $_size__tile_overlayer_lowered;
	s7 =	simm.s32 $_tile_overlayer_lowered  }
0x9c: {  	s22 =	simm.s32 $0x1BFF;
	s21 =	sshll.u32 s7, $0x1;
	s4 =	sadd.s32 s5, s19  }
0x9d: {  	s8 =	simm.s32 $0x0;
	s20 =	sshll.u32 s6, $0x1;
	s6 =	sadd.s32 s21, s4  }
0x9e: {  	[timem:s8], [sflag:s22] =	dma.local [hbm:s6], s20  }
0x9f: {  	_ =	swait.ge [sflag:s22], s20  }
0xa0: {  	s5 =	ssub.s32 $0x0, s20;
	[sflag:s22] =	ssyncset.done $0x0  }
0xa1: {  	[sflag:s22] =	ssyncadd.s32 s5;
	_ =	sdelay $0x1  }
0xa2: {  	s23 =	simm.s32 $0x1B8B  }
0xa3: {  	_ =	swait.ge [sflag:s23], $0x1  }
0xa4: {  	[sflag:s23] =	ssyncset.done $0x0  }
0xa5: {  	s25 =	simm.s32 $0x1B8E;
	s24 =	sld [smem:$0x3FFE];
	[sflag:s23] =	ssyncadd.s32 $0xFFFFFFFF  }
0xa6: {  	s26 =	simm.s32 $execute0_lowered;
	[smem:$0x3FD2] =	sst s25  }
0xa7: {  	s6 =	sshll.u32 s26, $0x1;
	_ =	strace $0x8000004F;
	[dreg:$0x1] =	wrdreg $0xFFFFFFFF  }
0xa8: {  	s28 =	simm.s32 $_size_execute0_lowered;
	s4 =	sadd.s32 s4, s6;
	[dreg:$0x0] =	wrdreg $0x0  }
0xa9: {  	s6 =	sshll.u32 s28, $0x1;
	[dreg:$0x2] =	wrdreg s4  }
0xaa: {  	[dreg:$0x3] =	wrdreg s6  }
0xab: {  	[dreg:$0x4] =	wrdreg $0xC0  }
0xac: {  	_ =	task [dreg:s8], $0x5FFFF  }
0xad: {  	[dreg:$0x1] =	wrdreg $0xFFFFFFFF  }
0xae: {  	[dreg:$0x0] =	wrdreg $0x60  }
0xaf: {  	[dreg:$0x2] =	wrdreg s24  }
0xb0: {  	[dreg:$0x3] =	wrdreg s2  }
0xb1: {  	[dreg:$0x4] =	wrdreg s18  }
0xb2: {  	[dreg:$0x5] =	wrdreg $0x9  }
0xb3: {  	_ =	task.clear_ibuf [dreg:s8], $0x6FFFF;
	_ =	strace $0x9000004F  }
0xb4: {  	s29 =	simm.s32 $0x9;
	_ =	strace $0x80000051  }
0xb5: {  	_ =	swait.ge [sflag:s29], $0x1  }
0xb6: {  	[sflag:s29] =	ssyncadd.s32 $0xFFFFFFFF  }
0xb7: {  	_ =	strace $0x90000051  }
0xb8: {  	_ =	sfence  }
0xb9: {  	s30 =	sld [smem:$0x0];
	_ =	sdelay $0x2  }
0xba: {  	s31 =	sshll.u32 s1, $0xD;
	s1 =	sshrl.u32 s1, $0x2  }
0xbb: {  	s3 =	sand.u32 $0x4000, s31;
	s1 =	sadd.s32 s1, s30  }
0xbc: {  	s0 =	sor.u32 s3, s0;
	s1 =	sshll.u32 s1, $0x11  }
0xbd: {  	s0 =	sor.u32 s1, s0  }
0xbe: {  	s0 =	sadd.s32 $0x8F2B, s0  }
0xbf: {  	[sflag:s0] =	ssyncadd.remote.s32 $0x1  }
0xc0: {  	_ =	sfence.sel $0xFFFF  }
0xc1: {  	[dreg:$0x0] =	wrdreg $0xFFFFFFFF;
	(pc) =	sbr.abs _section_cstart, $3  }
0xc2: {  	[dreg:$0x1] =	wrdreg $0xFFFFFFFF  }
0xc3: {  	_ =	task.clear_ibuf [dreg:s8], $0x2FFFF;
	_ =	strace $0x9FFFFFFF  }
0xc4: {  	(tm) =	ssettm $0x7FFFFFFF  }
0xc5: {  	_ =	shalt  }
tec
execute0_lowered:
.L_overlay_start_1:
0x0: {  	(tag) =	ssettag $0x1  }
0x1: {  	s0 =	rddreg [dreg:$0x0]  }
0x2: {  	s1 =	rddreg [dreg:$0x1]  }
0x3: {  	s5 =	rddreg [dreg:$0x2];
	s2 =	simm.s32 $0x0  }
0x4: {  	s3 =	srdreg.scid;
	s12 =	stileid.u32;
	s22 =	simm.s32 $0x8000  }
0x5: {  	s23 =	simm.s32 $0x8800;
	s24 =	simm.s32 $0x9000;
	s25 =	simm.s32 $0x9800  }
0x6: {  	s26 =	simm.s32 $0xA800;
	s28 =	simm.s32 $0x1;
	s29 =	simm.s32 $0x3  }
0x7: {  	s30 =	simm.s32 $0x2;
	s31 =	simm.s32 $0x4;
	[smem:$0x7FF] =	sst s2  }
0x8: {  	s6 =	sand.u32 $0x1, s3;
	s3 =	sadd.s32 $0x4000, s0;
	s4 =	sadd.s32 $0x27EE00, s0  }
0x9: {  	s13 =	sshll.u32 s12, $0x1;
	s11 =	sadd.s32 $0xC42E00, s0;
	s0 =	sadd.s32 $0x1124E00, s0  }
0xa: {  	s15 =	smul.u32 $0x4E200, s12;
	_ =	strace $0x80000050;
	[dreg:$0x6] =	wrdreg s22  }
0xb: {  	s12 =	simm.s32 $0x2800;
	s7 =	sor.u32 s6, s13;
	[dreg:$0x7] =	wrdreg s23  }
0xc: {  	s8 =	ssub.s32 $0x2, s6;
	s6 =	smul.u32 $0x27100, s6;
	[dreg:$0x8] =	wrdreg s24  }
0xd: {  	s13 =	simm.s32 $0x3000;
	s22 =	simm.s32 $0x7800;
	[dreg:$0x9] =	wrdreg s25  }
0xe: {  	s23 =	simm.s32 $0xA000;
	[dreg:$0xa] =	wrdreg s26;
	s24 =	simm.s32 $0xB000  }
0xf: {  	s25 =	simm.s32 $0xB800;
	s26 =	simm.s32 $0xC000;
	s9 =	smul.u32 $0x1388, s7  }
0x10: {  	s10 =	sshrl.u32 s8, $0x1;
	s7 =	smul.u32 $0x138800, s7;
	s18 =	sadd.s32 s15, s0  }
0x11: {  	s20 =	sadd.s32 s15, s11;
	s15 =	simm.s32 $0x4000;
	s10 =	ssub.s32 s8, s10  }
0x12: {  	s19 =	sadd.s32 s6, s18;
	s21 =	sadd.s32 s6, s20;
	s18 =	simm.s32 $0x5800  }
0x13: {  	s20 =	simm.s32 $0x6800;
	s14 =	sshrl.u32 s9, $0x3;
	[dreg:$0x4] =	wrdreg s19  }
0x14: {  	s7 =	sshrl.u32 s7, $0x3;
	s9 =	smax.u32 s10, $0x1;
	[dreg:$0x5] =	wrdreg s21  }
0x15: {  	s10 =	simm.s32 $0x5;
	s19 =	simm.s32 $0x6000;
	s1 =	sadd.s32 s1, s14  }
0x16: {  	s21 =	simm.s32 $0x7000;
	s5 =	sadd.s32 s5, s14;
	[dreg:$0xb] =	wrdreg s1  }
0x17: {  	v2 =	vlaneseq.u32;
	s16 =	sadd.s32 $0x26C00, s7;
	s14 =	simm.s32 $0x3800;
	[dreg:$0xc] =	wrdreg s5  }
0x18: {  	vm0 =	vmmov $0xffff;
	v1 =	vshrl.u32 v2, $0x3;
	s17 =	sadd.s32 s11, s16;
	s8 =	sadd.s32 s0, s16;
	s16 =	simm.s32 $0x4800  }
0x19: {  	v0 =	vand.u32 $0x7, v2;
	v2 =	vor.u32 $0x8, v2;
	v1 =	vmul.u32 $0x8, v1;
	s0 =	simm.s32 $0x0;
	[dreg:$0xd] =	wrdreg s17;
	s17 =	simm.s32 $0x5000  }
.LBB2_1:
0x1a: {  	s1 =	rddreg [dreg:$0xb]  }
0x1b: {  	[tilespmem:s2], [sflag:$0x5] =	stream.linear.gather [hbm4b:s1+s2], $0x1388, $0x38;
	[tilespmem:$0xC800] =	vst v63  }
0x1c: {  	_ =	swait.ge [sflag:s10], $0x1388  }
0x1d: {  	[sflag:s10] =	ssyncset.done $0x0  }
0x1e: {  	s5 =	simm.s32 $0x1400;
	s11 =	rddreg [dreg:$0xc];
	[sflag:s10] =	ssyncadd.s32 $0xFFFFEC78  }
0x1f: {  	[tilespmem:s5], [sflag:$0x5] =	stream.linear.gather [hbm4b:s11+s2], $0x1388, $0x38;
	[tilespmem:$0xC800] =	vst v63  }
0x20: {  	_ =	swait.ge [sflag:s10], $0x1388  }
0x21: {  	[sflag:s10] =	ssyncset.done $0x0  }
0x22: {  	[sflag:s10] =	ssyncadd.s32 $0xFFFFEC78  }
0x23: {  	v3 =	vld [tilespmem:$0x0];
	_ =	sdelay $0x4  }
0x24: {  	v4 =	vshll.u32 v3, $0x1  }
0x25: {  	v3 =	vand.u32 $0x7, v3;
	v4 =	vand.u32 $0xFFFFFFF0, v4  }
0x26: {  	v3 =	vor.u32 v3, v4  }
0x27: {  	v4 =	vperm.xlane v3, v0;
	_ =	sdelay $0x1  }
0x28: {  	v3 =	vperm.xlane v3, v2;
	v4 =	vadd.s32 v1, v4;
	_ =	sdelay $0x1  }
0x29: {  	v3 =	vadd.s32 v1, v3;
	_ =	sdelay $0x2  }
0x2a: {  	[tilespmem:s12], [sflag:$0x1] =	stream.indirect_vreg.gather [hbm4b:s3+s2], $0x80, v4, vm0, $0xb8;
	[tilespmem:$0xC800] =	vst v63  }
0x2b: {  	_ = 	snop  }
0x2c: {  	[tilespmem:s13], [sflag:$0x1] =	stream.indirect_vreg.gather [hbm4b:s3+s2], $0x80, v3, vm0, $0xb8;
	[tilespmem:$0xC800] =	vst v63  }
0x2d: {  	v3 =	vld [tilespmem:$0x10];
	_ =	sdelay $0x4  }
0x2e: {  	v59 =	vshll.u32 v3, $0x1  }
0x2f: {  	v3 =	vand.u32 $0x7, v3;
	v4 =	vand.u32 $0xFFFFFFF0, v59  }
0x30: {  	v3 =	vor.u32 v3, v4  }
0x31: {  	v4 =	vperm.xlane v3, v0;
	_ =	sdelay $0x1  }
0x32: {  	v3 =	vperm.xlane v3, v2;
	v4 =	vadd.s32 v1, v4;
	_ =	sdelay $0x1  }
0x33: {  	v3 =	vadd.s32 v1, v3;
	_ =	sdelay $0x2  }
0x34: {  	[tilespmem:s14], [sflag:$0x1] =	stream.indirect_vreg.gather [hbm4b:s3+s2], $0x80, v4, vm0, $0xb8;
	[tilespmem:$0xC800] =	vst v63  }
0x35: {  	_ = 	snop  }
0x36: {  	[tilespmem:s15], [sflag:$0x1] =	stream.indirect_vreg.gather [hbm4b:s3+s2], $0x80, v3, vm0, $0xb8;
	[tilespmem:$0xC800] =	vst v63  }
0x37: {  	v3 =	vld.msk [tilespmem:$0x20], $0xff;
	_ =	sdelay $0x4  }
0x38: {  	v60 =	vshll.u32 v3, $0x1  }
0x39: {  	v3 =	vand.u32 $0x7, v3;
	v4 =	vand.u32 $0xFFFFFFF0, v60  }
0x3a: {  	v3 =	vor.u32 v3, v4  }
0x3b: {  	v3 =	vperm.xlane v3, v0;
	_ =	sdelay $0x1  }
0x3c: {  	v3 =	vadd.s32 v1, v3;
	_ =	sdelay $0x4  }
0x3d: {  	[tilespmem:s16], [sflag:$0x1] =	stream.indirect_vreg.gather [hbm4b:s3+s2], $0x80, v3, vm0, $0xb8;
	[tilespmem:$0xC800] =	vst v63  }
0x3e: {  	v3 =	vld [tilespmem:$0x1400];
	_ =	sdelay $0x4  }
0x3f: {  	v61 =	vshll.u32 v3, $0x1  }
0x40: {  	v3 =	vand.u32 $0x7, v3;
	v4 =	vand.u32 $0xFFFFFFF0, v61  }
0x41: {  	v3 =	vor.u32 v3, v4  }
0x42: {  	v4 =	vperm.xlane v3, v0;
	_ =	sdelay $0x1  }
0x43: {  	v3 =	vperm.xlane v3, v2;
	v4 =	vadd.s32 v1, v4;
	_ =	sdelay $0x1  }
0x44: {  	v3 =	vadd.s32 v1, v3;
	_ =	sdelay $0x2  }
0x45: {  	[tilespmem:s17], [sflag:$0x1] =	stream.indirect_vreg.gather [hbm4b:s4+s2], $0x80, v4, vm0, $0xb8;
	[tilespmem:$0xC800] =	vst v63  }
0x46: {  	_ = 	snop  }
0x47: {  	[tilespmem:s18], [sflag:$0x1] =	stream.indirect_vreg.gather [hbm4b:s4+s2], $0x80, v3, vm0, $0xb8;
	[tilespmem:$0xC800] =	vst v63  }
0x48: {  	v3 =	vld [tilespmem:$0x1410];
	_ =	sdelay $0x4  }
0x49: {  	v62 =	vshll.u32 v3, $0x1  }
0x4a: {  	v3 =	vand.u32 $0x7, v3;
	v4 =	vand.u32 $0xFFFFFFF0, v62  }
0x4b: {  	v3 =	vor.u32 v3, v4  }
0x4c: {  	v4 =	vperm.xlane v3, v0;
	_ =	sdelay $0x1  }
0x4d: {  	v3 =	vperm.xlane v3, v2;
	v4 =	vadd.s32 v1, v4;
	_ =	sdelay $0x1  }
0x4e: {  	v3 =	vadd.s32 v1, v3;
	_ =	sdelay $0x2  }
0x4f: {  	[tilespmem:s19], [sflag:$0x1] =	stream.indirect_vreg.gather [hbm4b:s4+s2], $0x80, v4, vm0, $0xb8;
	[tilespmem:$0xC800] =	vst v63  }
0x50: {  	_ = 	snop  }
0x51: {  	[tilespmem:s20], [sflag:$0x1] =	stream.indirect_vreg.gather [hbm4b:s4+s2], $0x80, v3, vm0, $0xb8;
	[tilespmem:$0xC800] =	vst v63  }
0x52: {  	v3 =	vld.msk [tilespmem:$0x1420], $0xff;
	_ =	sdelay $0x4  }
0x53: {  	v63 =	vshll.u32 v3, $0x1  }
0x54: {  	v3 =	vand.u32 $0x7, v3;
	v4 =	vand.u32 $0xFFFFFFF0, v63  }
0x55: {  	v3 =	vor.u32 v3, v4  }
0x56: {  	v3 =	vperm.xlane v3, v0;
	_ =	sdelay $0x1  }
0x57: {  	v3 =	vadd.s32 v1, v3;
	_ =	sdelay $0x3  }
0x58: {  	s1 =	simm.s32 $0x38;
	s11 =	simm.s32 $0x1438;
	s5 =	simm.s32 $0x0  }
0x59: {  	[tilespmem:s21], [sflag:$0x1] =	stream.indirect_vreg.gather [hbm4b:s4+s2], $0x80, v3, vm0, $0xb8;
	[tilespmem:$0xC800] =	vst v63  }
.LBB2_2:
0x5a: {  	p0 =	seq.s32 s5, $0x0  }
0x5b: {  	s6 =	simm.s32 @!p0 $0x4  }
0x5c: {  	_ =	swait.ge @!p0 [sflag:s6], $0x2800  }
0x5d: {  	[sflag:s6] =	ssyncset.done @!p0 $0x0  }
0x5e: {  	[sflag:s6] =	ssyncadd.s32 @!p0 $0xFFFFD800  }
0x5f: {  	_ =	swait.ge @!p0 [sflag:s6], $0x2800  }
0x60: {  	[sflag:s6] =	ssyncset.done @!p0 $0x0  }
0x61: {  	[sflag:s6] =	ssyncadd.s32 @!p0 $0xFFFFD800  }
0x62: {  	v3 =	vld [tilespmem:s1+$0xFFFFFFF0];
	_ =	sdelay $0x4  }
0x63: {  	v4 =	vshll.u32 v3, $0x1  }
0x64: {  	v3 =	vand.u32 $0x7, v3;
	v4 =	vand.u32 $0xFFFFFFF0, v4  }
0x65: {  	v3 =	vor.u32 v3, v4  }
0x66: {  	v4 =	vperm.xlane v3, v0;
	_ =	sdelay $0x1  }
0x67: {  	v3 =	vperm.xlane v3, v2;
	v4 =	vadd.s32 v1, v4;
	_ =	sdelay $0x1  }
0x68: {  	v3 =	vadd.s32 v1, v3;
	_ =	sdelay $0x2  }
0x69: {  	[tilespmem:s22], [sflag:$0x2] =	stream.indirect_vreg.gather [hbm4b:s3+s2], $0x80, v4, vm0, $0xb8;
	[tilespmem:$0xC800] =	vst v63  }
0x6a: {  	s7 =	rddreg [dreg:$0x6]  }
0x6b: {  	[tilespmem:s7], [sflag:$0x2] =	stream.indirect_vreg.gather [hbm4b:s3+s2], $0x80, v3, vm0, $0xb8;
	[tilespmem:$0xC800] =	vst v63  }
0x6c: {  	v3 =	vld [tilespmem:s1+$0x0];
	_ =	sdelay $0x4  }
0x6d: {  	v53 =	vshll.u32 v3, $0x1  }
0x6e: {  	v3 =	vand.u32 $0x7, v3;
	v4 =	vand.u32 $0xFFFFFFF0, v53  }
0x6f: {  	v3 =	vor.u32 v3, v4  }
0x70: {  	v4 =	vperm.xlane v3, v0;
	_ =	sdelay $0x1  }
0x71: {  	v3 =	vperm.xlane v3, v2;
	v4 =	vadd.s32 v1, v4;
	_ =	sdelay $0x1  }
0x72: {  	v3 =	vadd.s32 v1, v3;
	_ =	sdelay $0x1  }
0x73: {  	s6 =	rddreg [dreg:$0x7]  }
0x74: {  	[tilespmem:s6], [sflag:$0x2] =	stream.indirect_vreg.gather [hbm4b:s3+s2], $0x80, v4, vm0, $0xb8;
	[tilespmem:$0xC800] =	vst v63  }
0x75: {  	s7 =	rddreg [dreg:$0x8]  }
0x76: {  	[tilespmem:s7], [sflag:$0x2] =	stream.indirect_vreg.gather [hbm4b:s3+s2], $0x80, v3, vm0, $0xb8;
	[tilespmem:$0xC800] =	vst v63  }
0x77: {  	v3 =	vld.msk [tilespmem:s1+$0x10], $0xff;
	_ =	sdelay $0x4  }
0x78: {  	v54 =	vshll.u32 v3, $0x1  }
0x79: {  	v3 =	vand.u32 $0x7, v3;
	v4 =	vand.u32 $0xFFFFFFF0, v54  }
0x7a: {  	v3 =	vor.u32 v3, v4  }
0x7b: {  	v3 =	vperm.xlane v3, v0;
	_ =	sdelay $0x1  }
0x7c: {  	v3 =	vadd.s32 v1, v3;
	_ =	sdelay $0x3  }
0x7d: {  	s7 =	rddreg [dreg:$0x9]  }
0x7e: {  	[tilespmem:s7], [sflag:$0x2] =	stream.indirect_vreg.gather [hbm4b:s3+s2], $0x80, v3, vm0, $0xb8;
	[tilespmem:$0xC800] =	vst v63  }
0x7f: {  	v3 =	vld [tilespmem:s11+$0xFFFFFFF0];
	_ =	sdelay $0x4  }
0x80: {  	v55 =	vshll.u32 v3, $0x1  }
0x81: {  	v3 =	vand.u32 $0x7, v3;
	v4 =	vand.u32 $0xFFFFFFF0, v55  }
0x82: {  	v3 =	vor.u32 v3, v4  }
0x83: {  	v4 =	vperm.xlane v3, v0;
	_ =	sdelay $0x1  }
0x84: {  	v3 =	vperm.xlane v3, v2;
	v4 =	vadd.s32 v1, v4;
	_ =	sdelay $0x1  }
0x85: {  	v3 =	vadd.s32 v1, v3;
	_ =	sdelay $0x2  }
0x86: {  	[tilespmem:s23], [sflag:$0x2] =	stream.indirect_vreg.gather [hbm4b:s4+s2], $0x80, v4, vm0, $0xb8;
	[tilespmem:$0xC800] =	vst v63  }
0x87: {  	s7 =	rddreg [dreg:$0xa]  }
0x88: {  	[tilespmem:s7], [sflag:$0x2] =	stream.indirect_vreg.gather [hbm4b:s4+s2], $0x80, v3, vm0, $0xb8;
	[tilespmem:$0xC800] =	vst v63  }
0x89: {  	v3 =	vld [tilespmem:s11+$0x0];
	_ =	sdelay $0x4  }
0x8a: {  	v56 =	vshll.u32 v3, $0x1  }
0x8b: {  	v3 =	vand.u32 $0x7, v3;
	v4 =	vand.u32 $0xFFFFFFF0, v56  }
0x8c: {  	v3 =	vor.u32 v3, v4  }
0x8d: {  	v4 =	vperm.xlane v3, v0;
	_ =	sdelay $0x1  }
0x8e: {  	v3 =	vperm.xlane v3, v2;
	v4 =	vadd.s32 v1, v4;
	_ =	sdelay $0x1  }
0x8f: {  	v3 =	vadd.s32 v1, v3;
	_ =	sdelay $0x2  }
0x90: {  	[tilespmem:s24], [sflag:$0x2] =	stream.indirect_vreg.gather [hbm4b:s4+s2], $0x80, v4, vm0, $0xb8;
	[tilespmem:$0xC800] =	vst v63  }
0x91: {  	_ = 	snop  }
0x92: {  	[tilespmem:s25], [sflag:$0x2] =	stream.indirect_vreg.gather [hbm4b:s4+s2], $0x80, v3, vm0, $0xb8;
	[tilespmem:$0xC800] =	vst v63  }
0x93: {  	v3 =	vld.msk [tilespmem:s11+$0x10], $0xff;
	_ =	sdelay $0x4  }
0x94: {  	v57 =	vshll.u32 v3, $0x1  }
0x95: {  	v3 =	vand.u32 $0x7, v3;
	v4 =	vand.u32 $0xFFFFFFF0, v57  }
0x96: {  	v3 =	vor.u32 v3, v4  }
0x97: {  	v3 =	vperm.xlane v3, v0;
	_ =	sdelay $0x1  }
0x98: {  	v3 =	vadd.s32 v1, v3;
	_ =	sdelay $0x4  }
0x99: {  	[tilespmem:s26], [sflag:$0x2] =	stream.indirect_vreg.gather [hbm4b:s4+s2], $0x80, v3, vm0, $0xb8;
	[tilespmem:$0xC800] =	vst v63  }
0x9a: {  	_ =	swait.ge [sflag:s28], $0x2800  }
0x9b: {  	[sflag:s28] =	ssyncset.done $0x0  }
0x9c: {  	[sflag:s28] =	ssyncadd.s32 $0xFFFFD800  }
0x9d: {  	_ =	swait.ge [sflag:s28], $0x2800  }
0x9e: {  	s6 =	rddreg [dreg:$0x5];
	[sflag:s28] =	ssyncset.done $0x0  }
0x9f: {  	s7 =	rddreg [dreg:$0x4];
	[sflag:s28] =	ssyncadd.s32 $0xFFFFD800;
	s6 =	sadd.s32 s5, s6  }
0xa0: {  	[hbm4b:s6+s2] =	stream.linear.scatter [tilespmem:s12], [sflag:$0x3], $0x2800, $0x38;
	[tilespmem:$0xC800] =	vst v63  }
0xa1: {  	s7 =	sadd.s32 s5, s7  }
0xa2: {  	[hbm4b:s7+s2] =	stream.linear.scatter [tilespmem:s17], [sflag:$0x3], $0x2800, $0x38;
	[tilespmem:$0xC800] =	vst v63  }
0xa3: {  	_ =	swait.ge [sflag:s29], $0x2800  }
0xa4: {  	[sflag:s29] =	ssyncset.done $0x0  }
0xa5: {  	[sflag:s29] =	ssyncadd.s32 $0xFFFFD800  }
0xa6: {  	_ =	swait.ge [sflag:s29], $0x2800  }
0xa7: {  	[sflag:s29] =	ssyncset.done $0x0  }
0xa8: {  	[sflag:s29] =	ssyncadd.s32 $0xFFFFD800  }
0xa9: {  	v3 =	vld [tilespmem:s1+$0x18];
	_ =	sdelay $0x4  }
0xaa: {  	v58 =	vshll.u32 v3, $0x1  }
0xab: {  	v3 =	vand.u32 $0x7, v3;
	v4 =	vand.u32 $0xFFFFFFF0, v58  }
0xac: {  	v3 =	vor.u32 v3, v4  }
0xad: {  	v4 =	vperm.xlane v3, v0;
	_ =	sdelay $0x1  }
0xae: {  	v3 =	vperm.xlane v3, v2;
	v4 =	vadd.s32 v1, v4;
	_ =	sdelay $0x1  }
0xaf: {  	v3 =	vadd.s32 v1, v3;
	_ =	sdelay $0x2  }
0xb0: {  	[tilespmem:s12], [sflag:$0x1] =	stream.indirect_vreg.gather [hbm4b:s3+s2], $0x80, v4, vm0, $0xb8;
	[tilespmem:$0xC800] =	vst v63  }
0xb1: {  	_ = 	snop  }
0xb2: {  	[tilespmem:s13], [sflag:$0x1] =	stream.indirect_vreg.gather [hbm4b:s3+s2], $0x80, v3, vm0, $0xb8;
	[tilespmem:$0xC800] =	vst v63  }
0xb3: {  	v3 =	vld [tilespmem:s1+$0x28];
	_ =	sdelay $0x4  }
0xb4: {  	v59 =	vshll.u32 v3, $0x1  }
0xb5: {  	v3 =	vand.u32 $0x7, v3;
	v4 =	vand.u32 $0xFFFFFFF0, v59  }
0xb6: {  	v3 =	vor.u32 v3, v4  }
0xb7: {  	v4 =	vperm.xlane v3, v0;
	_ =	sdelay $0x1  }
0xb8: {  	v3 =	vperm.xlane v3, v2;
	v4 =	vadd.s32 v1, v4;
	_ =	sdelay $0x1  }
0xb9: {  	v3 =	vadd.s32 v1, v3;
	_ =	sdelay $0x2  }
0xba: {  	[tilespmem:s14], [sflag:$0x1] =	stream.indirect_vreg.gather [hbm4b:s3+s2], $0x80, v4, vm0, $0xb8;
	[tilespmem:$0xC800] =	vst v63  }
0xbb: {  	_ = 	snop  }
0xbc: {  	[tilespmem:s15], [sflag:$0x1] =	stream.indirect_vreg.gather [hbm4b:s3+s2], $0x80, v3, vm0, $0xb8;
	[tilespmem:$0xC800] =	vst v63  }
0xbd: {  	v3 =	vld.msk [tilespmem:s1+$0x38], $0xff;
	_ =	sdelay $0x4  }
0xbe: {  	v60 =	vshll.u32 v3, $0x1  }
0xbf: {  	v3 =	vand.u32 $0x7, v3;
	v4 =	vand.u32 $0xFFFFFFF0, v60  }
0xc0: {  	v3 =	vor.u32 v3, v4  }
0xc1: {  	v3 =	vperm.xlane v3, v0;
	_ =	sdelay $0x1  }
0xc2: {  	v3 =	vadd.s32 v1, v3;
	_ =	sdelay $0x4  }
0xc3: {  	[tilespmem:s16], [sflag:$0x1] =	stream.indirect_vreg.gather [hbm4b:s3+s2], $0x80, v3, vm0, $0xb8;
	[tilespmem:$0xC800] =	vst v63  }
0xc4: {  	v3 =	vld [tilespmem:s11+$0x18];
	_ =	sdelay $0x4  }
0xc5: {  	v61 =	vshll.u32 v3, $0x1  }
0xc6: {  	v3 =	vand.u32 $0x7, v3;
	v4 =	vand.u32 $0xFFFFFFF0, v61  }
0xc7: {  	v3 =	vor.u32 v3, v4  }
0xc8: {  	v4 =	vperm.xlane v3, v0;
	_ =	sdelay $0x1  }
0xc9: {  	v3 =	vperm.xlane v3, v2;
	v4 =	vadd.s32 v1, v4;
	_ =	sdelay $0x1  }
0xca: {  	v3 =	vadd.s32 v1, v3;
	_ =	sdelay $0x2  }
0xcb: {  	[tilespmem:s17], [sflag:$0x1] =	stream.indirect_vreg.gather [hbm4b:s4+s2], $0x80, v4, vm0, $0xb8;
	[tilespmem:$0xC800] =	vst v63  }
0xcc: {  	_ = 	snop  }
0xcd: {  	[tilespmem:s18], [sflag:$0x1] =	stream.indirect_vreg.gather [hbm4b:s4+s2], $0x80, v3, vm0, $0xb8;
	[tilespmem:$0xC800] =	vst v63  }
0xce: {  	v3 =	vld [tilespmem:s11+$0x28];
	_ =	sdelay $0x4  }
0xcf: {  	v62 =	vshll.u32 v3, $0x1  }
0xd0: {  	v3 =	vand.u32 $0x7, v3;
	v4 =	vand.u32 $0xFFFFFFF0, v62  }
0xd1: {  	v3 =	vor.u32 v3, v4  }
0xd2: {  	v4 =	vperm.xlane v3, v0;
	_ =	sdelay $0x1  }
0xd3: {  	v3 =	vperm.xlane v3, v2;
	v4 =	vadd.s32 v1, v4;
	_ =	sdelay $0x1  }
0xd4: {  	v3 =	vadd.s32 v1, v3;
	_ =	sdelay $0x2  }
0xd5: {  	[tilespmem:s19], [sflag:$0x1] =	stream.indirect_vreg.gather [hbm4b:s4+s2], $0x80, v4, vm0, $0xb8;
	[tilespmem:$0xC800] =	vst v63  }
0xd6: {  	_ = 	snop  }
0xd7: {  	[tilespmem:s20], [sflag:$0x1] =	stream.indirect_vreg.gather [hbm4b:s4+s2], $0x80, v3, vm0, $0xb8;
	[tilespmem:$0xC800] =	vst v63  }
0xd8: {  	v3 =	vld.msk [tilespmem:s11+$0x38], $0xff;
	_ =	sdelay $0x4  }
0xd9: {  	v63 =	vshll.u32 v3, $0x1  }
0xda: {  	v3 =	vand.u32 $0x7, v3;
	v4 =	vand.u32 $0xFFFFFFF0, v63  }
0xdb: {  	v3 =	vor.u32 v3, v4  }
0xdc: {  	v3 =	vperm.xlane v3, v0;
	_ =	sdelay $0x1  }
0xdd: {  	v3 =	vadd.s32 v1, v3;
	_ =	sdelay $0x4  }
0xde: {  	[tilespmem:s21], [sflag:$0x1] =	stream.indirect_vreg.gather [hbm4b:s4+s2], $0x80, v3, vm0, $0xb8;
	[tilespmem:$0xC800] =	vst v63  }
0xdf: {  	_ =	swait.ge [sflag:s30], $0x2800  }
0xe0: {  	[sflag:s30] =	ssyncset.done $0x0  }
0xe1: {  	s5 =	sadd.s32 $0xA00, s5;
	[sflag:s30] =	ssyncadd.s32 $0xFFFFD800  }
0xe2: {  	p0 =	sne.s32 s5, $0x26C00;
	_ =	swait.ge [sflag:s30], $0x2800  }
.Ltmp0:
0xe3: {  	[sflag:s30] =	ssyncset.done $0x0;
	(pc) =	sbr.rel @p0 .LBB2_2-.Ltmp0, $4  }
0xe4: {  	s6 =	sadd.s32 $0x500, s6;
	[sflag:s30] =	ssyncadd.s32 $0xFFFFD800  }
0xe5: {  	[hbm4b:s6+s2] =	stream.linear.scatter [tilespmem:s22], [sflag:$0x4], $0x2800, $0x38;
	[tilespmem:$0xC800] =	vst v63  }
0xe6: {  	s7 =	sadd.s32 $0x500, s7;
	s1 =	sadd.s32 $0x50, s1;
	s11 =	sadd.s32 $0x50, s11  }
0xe7: {  	[hbm4b:s7+s2] =	stream.linear.scatter [tilespmem:s23], [sflag:$0x4], $0x2800, $0x38;
	[tilespmem:$0xC800] =	vst v63  }
0xe8: {  	_ =	swait.ge [sflag:s28], $0x2800  }
0xe9: {  	[sflag:s28] =	ssyncset.done $0x0  }
0xea: {  	[sflag:s28] =	ssyncadd.s32 $0xFFFFD800  }
0xeb: {  	_ =	swait.ge [sflag:s28], $0x2800  }
0xec: {  	[sflag:s28] =	ssyncset.done $0x0  }
0xed: {  	s1 =	rddreg [dreg:$0xd];
	[sflag:s28] =	ssyncadd.s32 $0xFFFFD800  }
0xee: {  	[hbm4b:s1+s2] =	stream.linear.scatter [tilespmem:s12], [sflag:$0x3], $0x2800, $0x38;
	[tilespmem:$0xC800] =	vst v63  }
0xef: {  	_ = 	snop  }
0xf0: {  	[hbm4b:s8+s2] =	stream.linear.scatter [tilespmem:s17], [sflag:$0x3], $0x2800, $0x38;
	[tilespmem:$0xC800] =	vst v63  }
0xf1: {  	_ =	swait.ge [sflag:s31], $0x2800  }
0xf2: {  	[sflag:s31] =	ssyncset.done $0x0  }
0xf3: {  	[sflag:s31] =	ssyncadd.s32 $0xFFFFD800  }
0xf4: {  	_ =	swait.ge [sflag:s31], $0x2800  }
0xf5: {  	[sflag:s31] =	ssyncset.done $0x0  }
0xf6: {  	s0 =	sadd.s32 $0x1, s0;
	[sflag:s31] =	ssyncadd.s32 $0xFFFFD800  }
0xf7: {  	p0 =	sne.s32 s0, s9;
	_ =	swait.ge [sflag:s29], $0x2800  }
.Ltmp1:
0xf8: {  	[sflag:s29] =	ssyncset.done $0x0;
	(pc) =	sbr.rel @p0 .LBB2_1-.Ltmp1, $4  }
0xf9: {  	[sflag:s29] =	ssyncadd.s32 $0xFFFFD800  }
0xfa: {  	_ =	swait.ge [sflag:s29], $0x2800  }
0xfb: {  	[sflag:s29] =	ssyncset.done $0x0  }
0xfc: {  	[sflag:s29] =	ssyncadd.s32 $0xFFFFD800  }
0xfd: {  	_ =	sfence.sel $0x180000  }
0xfe: {  	[bflag:$0x0] =	sbarrier.arrive $0xFFFF  }
0xff: {  	_ =	strace $0x90000050  }
0x100: {  	s0 =	stileid.u32;
	[bflag:$0x2] =	sbarrier.arrive $0xFFFF  }
0x101: {  	p0 =	sne.s32 s0, $0x0;
	s0 =	rddreg [dreg:$0x3]  }
0x102: {  	s0 =	sadd.s32 @!p0 $0x100000, s0  }
0x103: {  	[sflag:s0] =	ssyncadd.tile.s32 @!p0 $0x1;
	_ =	shalt  }
.Lfunc_end2:
_tile_overlayer_lowered:
.L_overlay_start_2:
0x104: {  	(tag) =	ssettag $0x2  }
0x105: {  	s0 =	rddreg [dreg:$0x0];
	s2 =	stileid.u32  }
0x106: {  	s1 =	rddreg [dreg:$0x1];
	p0 =	sne.s32 s2, $0x0  }
0x107: {  	s3 =	rddreg [dreg:$0x2];
	[bflag:$0x3] =	sbarrier.arrive $0xFFFF;
	s2 =	simm.s32 @!p0 $0x1C05  }
0x108: {  	[timem:s3], [sflag:s2] =	dma.local @!p0 [hbm:s0], s1  }
0x109: {  	s0 =	simm.s32 @!p0 $0x5  }
0x10a: {  	_ =	swait.ge @!p0 [sflag:s0], s1  }
0x10b: {  	s1 =	ssub.s32 @!p0 $0x0, s1;
	[sflag:s0] =	ssyncset.done @!p0 $0x0  }
0x10c: {  	[sflag:s0] =	ssyncadd.s32 @!p0 s1  }
0x10d: {  	[bflag:$0x3] =	sbarrier.arrive $0xFFFF  }
0x10e: {  	_ =	shalt  }

</sc_bundles>
